<compile_context>
chip_gen: v7x
topology: tpu7x:2x2x1
jax: 0.10.2.dev20260603
libtpu: 0.0.44.dev20260713+nightly
codegen_flags: <defaults>
</compile_context>

<pallas_src>
import functools
import jax
import jax.numpy as jnp
from jax import lax
from jax.experimental import pallas as pl
from jax.experimental.pallas import tpu as pltpu, tpu_sc as plsc

_info = plsc.get_sparse_core_info()
_NC, _NS = _info.num_cores, _info.num_subcores


def _make_lookup(B: int, V: int, D: int, r0: int):
    r1 = B // _NS - r0
    assert r0 % 16 == 0 and r1 % 16 == 0 and _NC == 2
    mesh = plsc.VectorSubcoreMesh(core_axis_name="c", subcore_axis_name="s")

    @functools.partial(
        pl.kernel,
        mesh=mesh,
        compiler_params=pltpu.CompilerParams(needs_layout_passes=False),
        out_type=jax.ShapeDtypeStruct((B, D), jnp.float32),
        scratch_types=[
            pltpu.VMEM((V, D), jnp.float32),
            pltpu.VMEM((max(r0, r1),), jnp.int32),
            pltpu.SemaphoreType.DMA,
        ],
    )
    def lookup(table_hbm, idx_hbm, out_hbm, table_v, idx_v, sem):
        core = lax.axis_index("c")
        sub = lax.axis_index("s")
        pltpu.sync_copy(table_hbm, table_v)

        def run(base, rows):
            pltpu.sync_copy(idx_hbm.at[pl.ds(base, rows)], idx_v.at[pl.ds(0, rows)])

            @pl.loop(0, rows // 16)
            def _(g):
                vec = idx_v[pl.ds(g * 16, 16)]
                for j in range(16):
                    row = vec[j]
                    pltpu.async_copy(
                        table_v.at[row], out_hbm.at[base + g * 16 + j], sem
                    )

            @pl.loop(0, rows)
            def _(r):
                pltpu.make_async_copy(out_hbm.at[0], table_v.at[0], sem).wait()

        @pl.when(core == 0)
        def _():
            run(sub * r0, r0)

        @pl.when(core == 1)
        def _():
            run(_NS * r0 + sub * r1, r1)

    return lookup


def kernel(placeholder, table):
    B = placeholder.size
    V, D = table.shape
    idx = placeholder.reshape(B).astype(jnp.int32)
    out = _make_lookup(B, V, D, r0=992)(table, idx)
    return out.reshape(*placeholder.shape, D)

# --- scband reference (transcript-rebuilt; emitter-appended) ---
"""Pipeline reference for scband-line-introducer-85280870630026 (READ-ONLY COPY).

The authoritative reference and input builder live on the scoring server;
editing this copy changes nothing except your own understanding.
"""

import jax, jax.numpy as jnp
import numpy as np

D_MODEL = 1024
NUM_EMB = 16

def setup_inputs(seed: int = 0) -> dict:
    key = jax.random.key(seed)
    k1, k2 = jax.random.split(key)
    placeholder = jax.random.randint(k1, (4, 8192), 0, NUM_EMB, dtype=jnp.int64)
    # nn.Embedding default init: N(0, 1)
    table = jax.random.normal(k2, (NUM_EMB, D_MODEL), dtype=jnp.float32)
    return {"placeholder": placeholder, "table": table}

def reference(placeholder, table):
    # Equivalent of nn.Embedding lookup: table[placeholder]
    return jnp.take(table, placeholder, axis=0)

if __name__ == "__main__":
    import jax
    _d = setup_inputs()
    print(jax.jit(kernel)(*tuple(_d.values())))

</pallas_src>

<mosaic_0001>
#map = affine_map<(d0, d1) -> (0, 0)>
#map1 = affine_map<(d0, d1) -> (0)>
module attributes {stable_mosaic.version = 14 : i64} {
  func.func @lookup(%arg0: i32, %arg1: i32, %arg2: memref<16x1024xf32, #tpu.memory_space<hbm>>, %arg3: memref<32768xi32, #tpu.memory_space<hbm>>, %arg4: memref<32768x1024xf32, #tpu.memory_space<hbm>>, %arg5: memref<16x1024xf32, #tpu.memory_space<vmem>>, %arg6: memref<1056xi32, #tpu.memory_space<vmem>>, %arg7: memref<!tpu.dma_semaphore, #tpu.memory_space<semaphore_mem>>) attributes {dimension_semantics = [#tpu.dimension_semantics<core_parallel>, #tpu.dimension_semantics<subcore_parallel>], iteration_bounds = array<i64: 2, 16>, scalar_prefetch = 0 : i64, scratch_operands = 3 : i64, tpu.core_type = #tpu.core_type<sc_vector_subcore>, window_params = [{transform_indices = #map}, {transform_indices = #map1}, {transform_indices = #map}]} {
    "tpu.region"() ({
      %run_scoped3A = tpu.sem_alloc : memref<!tpu.dma_semaphore, #tpu.memory_space<semaphore_mem>>
      tpu.enqueue_dma source(%arg2 : memref<16x1024xf32, #tpu.memory_space<hbm>>) target(%arg5 : memref<16x1024xf32, #tpu.memory_space<vmem>>) target_semaphore(%run_scoped3A : memref<!tpu.dma_semaphore, #tpu.memory_space<semaphore_mem>>)
      tpu.wait_dma2 semaphore(%run_scoped3A : memref<!tpu.dma_semaphore, #tpu.memory_space<semaphore_mem>>) src(%arg2 : memref<16x1024xf32, #tpu.memory_space<hbm>>) dst(%arg5 : memref<16x1024xf32, #tpu.memory_space<vmem>>)
      tpu.yield
    }) : () -> ()
    %eq3A = arith.constant 0 : i32
    %eq3A_0 = arith.cmpi eq, %arg0, %eq3A : i32
    %convert_element_type3A = arith.extui %eq3A_0 : i1 to i32
    %cond3A = arith.constant 0 : i32
    %cond3A_1 = arith.cmpi ne, %convert_element_type3A, %cond3A : i32
    scf.if %cond3A_1 {
      %mul3A = arith.constant 992 : i32
      %mul3A_7 = arith.muli %arg1, %mul3A : i32
      "tpu.region"() ({
        %run_scoped3A = tpu.sem_alloc : memref<!tpu.dma_semaphore, #tpu.memory_space<semaphore_mem>>
        %dma_start3A = arith.constant 0 : i32
        %dma_start3A_17 = tpu.memref_slice %arg6[%dma_start3A] : memref<1056xi32, #tpu.memory_space<vmem>> -> memref<992xi32, #tpu.memory_space<vmem>>
        %dma_start3A_18 = tpu.memref_slice %arg3[%mul3A_7] : memref<32768xi32, #tpu.memory_space<hbm>> -> memref<992xi32, #tpu.memory_space<hbm>>
        %dma_start3A_19 = arith.constant 0 : i32
        %dma_start3A_20 = tpu.memref_slice %arg6[%dma_start3A_19] : memref<1056xi32, #tpu.memory_space<vmem>> -> memref<992xi32, #tpu.memory_space<vmem>>
        %dma_start3A_21 = tpu.memref_slice %arg3[%mul3A_7] : memref<32768xi32, #tpu.memory_space<hbm>> -> memref<992xi32, #tpu.memory_space<hbm>>
        tpu.enqueue_dma source(%dma_start3A_21 : memref<992xi32, #tpu.memory_space<hbm>>) target(%dma_start3A_20 : memref<992xi32, #tpu.memory_space<vmem>>) target_semaphore(%run_scoped3A : memref<!tpu.dma_semaphore, #tpu.memory_space<semaphore_mem>>)
        %dma_wait3A = arith.constant 0 : i32
        %dma_wait3A_22 = tpu.memref_slice %arg6[%dma_wait3A] : memref<1056xi32, #tpu.memory_space<vmem>> -> memref<992xi32, #tpu.memory_space<vmem>>
        %dma_wait3A_23 = tpu.memref_slice %arg3[%mul3A_7] : memref<32768xi32, #tpu.memory_space<hbm>> -> memref<992xi32, #tpu.memory_space<hbm>>
        %dma_wait3A_24 = arith.constant 0 : i32
        %dma_wait3A_25 = tpu.memref_slice %arg6[%dma_wait3A_24] : memref<1056xi32, #tpu.memory_space<vmem>> -> memref<992xi32, #tpu.memory_space<vmem>>
        %dma_wait3A_26 = tpu.memref_slice %arg3[%mul3A_7] : memref<32768xi32, #tpu.memory_space<hbm>> -> memref<992xi32, #tpu.memory_space<hbm>>
        tpu.wait_dma2 semaphore(%run_scoped3A : memref<!tpu.dma_semaphore, #tpu.memory_space<semaphore_mem>>) src(%dma_wait3A_26 : memref<992xi32, #tpu.memory_space<hbm>>) dst(%dma_wait3A_25 : memref<992xi32, #tpu.memory_space<vmem>>)
        tpu.yield
      }) : () -> ()
      %scan3A = arith.constant 0 : i32
      %scan3A_8 = arith.constant 62 : i32
      %scan3A_9 = arith.addi %scan3A, %scan3A_8 : i32
      %scan3A_10 = arith.constant 1 : i32
      scf.for %scan3A_17 = %scan3A to %scan3A_9 step %scan3A_10  : i32 {
        %mul3A_18 = arith.constant 1 : i32
        %mul3A_19 = arith.muli %scan3A_17, %mul3A_18 : i32
        %add3A = arith.constant 0 : i32
        %add3A_20 = arith.addi %add3A, %mul3A_19 : i32
        %mul3A_21 = arith.constant 16 : i32
        %mul3A_22 = arith.muli %add3A_20, %mul3A_21 : i32
        %get3A = arith.index_cast %mul3A_22 : i32 to index
        %get3A_23 = tpu.vector_load %arg6[%get3A] {strides = array<i32>} : memref<1056xi32, #tpu.memory_space<vmem>>, vector<16xi32>,
        %slice3A = vector.extract_strided_slice %get3A_23 {offsets = [0], sizes = [1], strides = [1]} : vector<16xi32> to vector<1xi32>
        %squeeze3A = vector.extract %slice3A[0] : i32 from vector<1xi32>
        %mul3A_24 = arith.constant 16 : i32
        %mul3A_25 = arith.muli %add3A_20, %mul3A_24 : i32
        %add3A_26 = arith.addi %mul3A_7, %mul3A_25 : i32
        %add3A_27 = arith.constant 0 : i32
        %add3A_28 = arith.addi %add3A_26, %add3A_27 : i32
        %dma_start3A = arith.constant 0 : i32
        %dma_start3A_29 = tpu.memref_slice %arg5[%squeeze3A, %dma_start3A] : memref<16x1024xf32, #tpu.memory_space<vmem>> -> memref<1x1024xf32, #tpu.memory_space<vmem>>
        %dma_start3A_30 = tpu.memref_squeeze %dma_start3A_29 : memref<1x1024xf32, #tpu.memory_space<vmem>> -> memref<1024xf32, #tpu.memory_space<vmem>>
        %dma_start3A_31 = arith.constant 0 : i32
        %dma_start3A_32 = tpu.memref_slice %arg4[%add3A_28, %dma_start3A_31] : memref<32768x1024xf32, #tpu.memory_space<hbm>> -> memref<1x1024xf32, #tpu.memory_space<hbm>>
        %dma_start3A_33 = tpu.memref_squeeze %dma_start3A_32 : memref<1x1024xf32, #tpu.memory_space<hbm>> -> memref<1024xf32, #tpu.memory_space<hbm>>
        %dma_start3A_34 = arith.constant 0 : i32
        %dma_start3A_35 = tpu.memref_slice %arg4[%add3A_28, %dma_start3A_34] : memref<32768x1024xf32, #tpu.memory_space<hbm>> -> memref<1x1024xf32, #tpu.memory_space<hbm>>
        %dma_start3A_36 = tpu.memref_squeeze %dma_start3A_35 : memref<1x1024xf32, #tpu.memory_space<hbm>> -> memref<1024xf32, #tpu.memory_space<hbm>>
        %dma_start3A_37 = arith.constant 0 : i32
        %dma_start3A_38 = tpu.memref_slice %arg5[%squeeze3A, %dma_start3A_37] : memref<16x1024xf32, #tpu.memory_space<vmem>> -> memref<1x1024xf32, #tpu.memory_space<vmem>>
        %dma_start3A_39 = tpu.memref_squeeze %dma_start3A_38 : memref<1x1024xf32, #tpu.memory_space<vmem>> -> memref<1024xf32, #tpu.memory_space<vmem>>
        tpu.enqueue_dma source(%dma_start3A_39 : memref<1024xf32, #tpu.memory_space<vmem>>) target(%dma_start3A_36 : memref<1024xf32, #tpu.memory_space<hbm>>) target_semaphore(%arg7 : memref<!tpu.dma_semaphore, #tpu.memory_space<semaphore_mem>>)
        %slice3A_40 = vector.extract_strided_slice %get3A_23 {offsets = [1], sizes = [1], strides = [1]} : vector<16xi32> to vector<1xi32>
        %squeeze3A_41 = vector.extract %slice3A_40[0] : i32 from vector<1xi32>
        %mul3A_42 = arith.constant 16 : i32
        %mul3A_43 = arith.muli %add3A_20, %mul3A_42 : i32
        %add3A_44 = arith.addi %mul3A_7, %mul3A_43 : i32
        %add3A_45 = arith.constant 1 : i32
        %add3A_46 = arith.addi %add3A_44, %add3A_45 : i32
        %dma_start3A_47 = arith.constant 0 : i32
        %dma_start3A_48 = tpu.memref_slice %arg5[%squeeze3A_41, %dma_start3A_47] : memref<16x1024xf32, #tpu.memory_space<vmem>> -> memref<1x1024xf32, #tpu.memory_space<vmem>>
        %dma_start3A_49 = tpu.memref_squeeze %dma_start3A_48 : memref<1x1024xf32, #tpu.memory_space<vmem>> -> memref<1024xf32, #tpu.memory_space<vmem>>
        %dma_start3A_50 = arith.constant 0 : i32
        %dma_start3A_51 = tpu.memref_slice %arg4[%add3A_46, %dma_start3A_50] : memref<32768x1024xf32, #tpu.memory_space<hbm>> -> memref<1x1024xf32, #tpu.memory_space<hbm>>
        %dma_start3A_52 = tpu.memref_squeeze %dma_start3A_51 : memref<1x1024xf32, #tpu.memory_space<hbm>> -> memref<1024xf32, #tpu.memory_space<hbm>>
        %dma_start3A_53 = arith.constant 0 : i32
        %dma_start3A_54 = tpu.memref_slice %arg4[%add3A_46, %dma_start3A_53] : memref<32768x1024xf32, #tpu.memory_space<hbm>> -> memref<1x1024xf32, #tpu.memory_space<hbm>>
        %dma_start3A_55 = tpu.memref_squeeze %dma_start3A_54 : memref<1x1024xf32, #tpu.memory_space<hbm>> -> memref<1024xf32, #tpu.memory_space<hbm>>
        %dma_start3A_56 = arith.constant 0 : i32
        %dma_start3A_57 = tpu.memref_slice %arg5[%squeeze3A_41, %dma_start3A_56] : memref<16x1024xf32, #tpu.memory_space<vmem>> -> memref<1x1024xf32, #tpu.memory_space<vmem>>
        %dma_start3A_58 = tpu.memref_squeeze %dma_start3A_57 : memref<1x1024xf32, #tpu.memory_space<vmem>> -> memref<1024xf32, #tpu.memory_space<vmem>>
        tpu.enqueue_dma source(%dma_start3A_58 : memref<1024xf32, #tpu.memory_space<vmem>>) target(%dma_start3A_55 : memref<1024xf32, #tpu.memory_space<hbm>>) target_semaphore(%arg7 : memref<!tpu.dma_semaphore, #tpu.memory_space<semaphore_mem>>)
        %slice3A_59 = vector.extract_strided_slice %get3A_23 {offsets = [2], sizes = [1], strides = [1]} : vector<16xi32> to vector<1xi32>
        %squeeze3A_60 = vector.extract %slice3A_59[0] : i32 from vector<1xi32>
        %mul3A_61 = arith.constant 16 : i32
        %mul3A_62 = arith.muli %add3A_20, %mul3A_61 : i32
        %add3A_63 = arith.addi %mul3A_7, %mul3A_62 : i32
        %add3A_64 = arith.constant 2 : i32
        %add3A_65 = arith.addi %add3A_63, %add3A_64 : i32
        %dma_start3A_66 = arith.constant 0 : i32
        %dma_start3A_67 = tpu.memref_slice %arg5[%squeeze3A_60, %dma_start3A_66] : memref<16x1024xf32, #tpu.memory_space<vmem>> -> memref<1x1024xf32, #tpu.memory_space<vmem>>
        %dma_start3A_68 = tpu.memref_squeeze %dma_start3A_67 : memref<1x1024xf32, #tpu.memory_space<vmem>> -> memref<1024xf32, #tpu.memory_space<vmem>>
        %dma_start3A_69 = arith.constant 0 : i32
        %dma_start3A_70 = tpu.memref_slice %arg4[%add3A_65, %dma_start3A_69] : memref<32768x1024xf32, #tpu.memory_space<hbm>> -> memref<1x1024xf32, #tpu.memory_space<hbm>>
        %dma_start3A_71 = tpu.memref_squeeze %dma_start3A_70 : memref<1x1024xf32, #tpu.memory_space<hbm>> -> memref<1024xf32, #tpu.memory_space<hbm>>
        %dma_start3A_72 = arith.constant 0 : i32
        %dma_start3A_73 = tpu.memref_slice %arg4[%add3A_65, %dma_start3A_72] : memref<32768x1024xf32, #tpu.memory_space<hbm>> -> memref<1x1024xf32, #tpu.memory_space<hbm>>
        %dma_start3A_74 = tpu.memref_squeeze %dma_start3A_73 : memref<1x1024xf32, #tpu.memory_space<hbm>> -> memref<1024xf32, #tpu.memory_space<hbm>>
        %dma_start3A_75 = arith.constant 0 : i32
        %dma_start3A_76 = tpu.memref_slice %arg5[%squeeze3A_60, %dma_start3A_75] : memref<16x1024xf32, #tpu.memory_space<vmem>> -> memref<1x1024xf32, #tpu.memory_space<vmem>>
        %dma_start3A_77 = tpu.memref_squeeze %dma_start3A_76 : memref<1x1024xf32, #tpu.memory_space<vmem>> -> memref<1024xf32, #tpu.memory_space<vmem>>
        tpu.enqueue_dma source(%dma_start3A_77 : memref<1024xf32, #tpu.memory_space<vmem>>) target(%dma_start3A_74 : memref<1024xf32, #tpu.memory_space<hbm>>) target_semaphore(%arg7 : memref<!tpu.dma_semaphore, #tpu.memory_space<semaphore_mem>>)
        %slice3A_78 = vector.extract_strided_slice %get3A_23 {offsets = [3], sizes = [1], strides = [1]} : vector<16xi32> to vector<1xi32>
        %squeeze3A_79 = vector.extract %slice3A_78[0] : i32 from vector<1xi32>
        %mul3A_80 = arith.constant 16 : i32
        %mul3A_81 = arith.muli %add3A_20, %mul3A_80 : i32
        %add3A_82 = arith.addi %mul3A_7, %mul3A_81 : i32
        %add3A_83 = arith.constant 3 : i32
        %add3A_84 = arith.addi %add3A_82, %add3A_83 : i32
        %dma_start3A_85 = arith.constant 0 : i32
        %dma_start3A_86 = tpu.memref_slice %arg5[%squeeze3A_79, %dma_start3A_85] : memref<16x1024xf32, #tpu.memory_space<vmem>> -> memref<1x1024xf32, #tpu.memory_space<vmem>>
        %dma_start3A_87 = tpu.memref_squeeze %dma_start3A_86 : memref<1x1024xf32, #tpu.memory_space<vmem>> -> memref<1024xf32, #tpu.memory_space<vmem>>
        %dma_start3A_88 = arith.constant 0 : i32
        %dma_start3A_89 = tpu.memref_slice %arg4[%add3A_84, %dma_start3A_88] : memref<32768x1024xf32, #tpu.memory_space<hbm>> -> memref<1x1024xf32, #tpu.memory_space<hbm>>
        %dma_start3A_90 = tpu.memref_squeeze %dma_start3A_89 : memref<1x1024xf32, #tpu.memory_space<hbm>> -> memref<1024xf32, #tpu.memory_space<hbm>>
        %dma_start3A_91 = arith.constant 0 : i32
        %dma_start3A_92 = tpu.memref_slice %arg4[%add3A_84, %dma_start3A_91] : memref<32768x1024xf32, #tpu.memory_space<hbm>> -> memref<1x1024xf32, #tpu.memory_space<hbm>>
        %dma_start3A_93 = tpu.memref_squeeze %dma_start3A_92 : memref<1x1024xf32, #tpu.memory_space<hbm>> -> memref<1024xf32, #tpu.memory_space<hbm>>
        %dma_start3A_94 = arith.constant 0 : i32
        %dma_start3A_95 = tpu.memref_slice %arg5[%squeeze3A_79, %dma_start3A_94] : memref<16x1024xf32, #tpu.memory_space<vmem>> -> memref<1x1024xf32, #tpu.memory_space<vmem>>
        %dma_start3A_96 = tpu.memref_squeeze %dma_start3A_95 : memref<1x1024xf32, #tpu.memory_space<vmem>> -> memref<1024xf32, #tpu.memory_space<vmem>>
        tpu.enqueue_dma source(%dma_start3A_96 : memref<1024xf32, #tpu.memory_space<vmem>>) target(%dma_start3A_93 : memref<1024xf32, #tpu.memory_space<hbm>>) target_semaphore(%arg7 : memref<!tpu.dma_semaphore, #tpu.memory_space<semaphore_mem>>)
        %slice3A_97 = vector.extract_strided_slice %get3A_23 {offsets = [4], sizes = [1], strides = [1]} : vector<16xi32> to vector<1xi32>
        %squeeze3A_98 = vector.extract %slice3A_97[0] : i32 from vector<1xi32>
        %mul3A_99 = arith.constant 16 : i32
        %mul3A_100 = arith.muli %add3A_20, %mul3A_99 : i32
        %add3A_101 = arith.addi %mul3A_7, %mul3A_100 : i32
        %add3A_102 = arith.constant 4 : i32
        %add3A_103 = arith.addi %add3A_101, %add3A_102 : i32
        %dma_start3A_104 = arith.constant 0 : i32
        %dma_start3A_105 = tpu.memref_slice %arg5[%squeeze3A_98, %dma_start3A_104] : memref<16x1024xf32, #tpu.memory_space<vmem>> -> memref<1x1024xf32, #tpu.memory_space<vmem>>
        %dma_start3A_106 = tpu.memref_squeeze %dma_start3A_105 : memref<1x1024xf32, #tpu.memory_space<vmem>> -> memref<1024xf32, #tpu.memory_space<vmem>>
        %dma_start3A_107 = arith.constant 0 : i32
        %dma_start3A_108 = tpu.memref_slice %arg4[%add3A_103, %dma_start3A_107] : memref<32768x1024xf32, #tpu.memory_space<hbm>> -> memref<1x1024xf32, #tpu.memory_space<hbm>>
        %dma_start3A_109 = tpu.memref_squeeze %dma_start3A_108 : memref<1x1024xf32, #tpu.memory_space<hbm>> -> memref<1024xf32, #tpu.memory_space<hbm>>
        %dma_start3A_110 = arith.constant 0 : i32
        %dma_start3A_111 = tpu.memref_slice %arg4[%add3A_103, %dma_start3A_110] : memref<32768x1024xf32, #tpu.memory_space<hbm>> -> memref<1x1024xf32, #tpu.memory_space<hbm>>
        %dma_start3A_112 = tpu.memref_squeeze %dma_start3A_111 : memref<1x1024xf32, #tpu.memory_space<hbm>> -> memref<1024xf32, #tpu.memory_space<hbm>>
        %dma_start3A_113 = arith.constant 0 : i32
        %dma_start3A_114 = tpu.memref_slice %arg5[%squeeze3A_98, %dma_start3A_113] : memref<16x1024xf32, #tpu.memory_space<vmem>> -> memref<1x1024xf32, #tpu.memory_space<vmem>>
        %dma_start3A_115 = tpu.memref_squeeze %dma_start3A_114 : memref<1x1024xf32, #tpu.memory_space<vmem>> -> memref<1024xf32, #tpu.memory_space<vmem>>
        tpu.enqueue_dma source(%dma_start3A_115 : memref<1024xf32, #tpu.memory_space<vmem>>) target(%dma_start3A_112 : memref<1024xf32, #tpu.memory_space<hbm>>) target_semaphore(%arg7 : memref<!tpu.dma_semaphore, #tpu.memory_space<semaphore_mem>>)
        %slice3A_116 = vector.extract_strided_slice %get3A_23 {offsets = [5], sizes = [1], strides = [1]} : vector<16xi32> to vector<1xi32>
        %squeeze3A_117 = vector.extract %slice3A_116[0] : i32 from vector<1xi32>
        %mul3A_118 = arith.constant 16 : i32
        %mul3A_119 = arith.muli %add3A_20, %mul3A_118 : i32
        %add3A_120 = arith.addi %mul3A_7, %mul3A_119 : i32
        %add3A_121 = arith.constant 5 : i32
        %add3A_122 = arith.addi %add3A_120, %add3A_121 : i32
        %dma_start3A_123 = arith.constant 0 : i32
        %dma_start3A_124 = tpu.memref_slice %arg5[%squeeze3A_117, %dma_start3A_123] : memref<16x1024xf32, #tpu.memory_space<vmem>> -> memref<1x1024xf32, #tpu.memory_space<vmem>>
        %dma_start3A_125 = tpu.memref_squeeze %dma_start3A_124 : memref<1x1024xf32, #tpu.memory_space<vmem>> -> memref<1024xf32, #tpu.memory_space<vmem>>
        %dma_start3A_126 = arith.constant 0 : i32
        %dma_start3A_127 = tpu.memref_slice %arg4[%add3A_122, %dma_start3A_126] : memref<32768x1024xf32, #tpu.memory_space<hbm>> -> memref<1x1024xf32, #tpu.memory_space<hbm>>
        %dma_start3A_128 = tpu.memref_squeeze %dma_start3A_127 : memref<1x1024xf32, #tpu.memory_space<hbm>> -> memref<1024xf32, #tpu.memory_space<hbm>>
        %dma_start3A_129 = arith.constant 0 : i32
        %dma_start3A_130 = tpu.memref_slice %arg4[%add3A_122, %dma_start3A_129] : memref<32768x1024xf32, #tpu.memory_space<hbm>> -> memref<1x1024xf32, #tpu.memory_space<hbm>>
        %dma_start3A_131 = tpu.memref_squeeze %dma_start3A_130 : memref<1x1024xf32, #tpu.memory_space<hbm>> -> memref<1024xf32, #tpu.memory_space<hbm>>
        %dma_start3A_132 = arith.constant 0 : i32
        %dma_start3A_133 = tpu.memref_slice %arg5[%squeeze3A_117, %dma_start3A_132] : memref<16x1024xf32, #tpu.memory_space<vmem>> -> memref<1x1024xf32, #tpu.memory_space<vmem>>
        %dma_start3A_134 = tpu.memref_squeeze %dma_start3A_133 : memref<1x1024xf32, #tpu.memory_space<vmem>> -> memref<1024xf32, #tpu.memory_space<vmem>>
        tpu.enqueue_dma source(%dma_start3A_134 : memref<1024xf32, #tpu.memory_space<vmem>>) target(%dma_start3A_131 : memref<1024xf32, #tpu.memory_space<hbm>>) target_semaphore(%arg7 : memref<!tpu.dma_semaphore, #tpu.memory_space<semaphore_mem>>)
        %slice3A_135 = vector.extract_strided_slice %get3A_23 {offsets = [6], sizes = [1], strides = [1]} : vector<16xi32> to vector<1xi32>
        %squeeze3A_136 = vector.extract %slice3A_135[0] : i32 from vector<1xi32>
        %mul3A_137 = arith.constant 16 : i32
        %mul3A_138 = arith.muli %add3A_20, %mul3A_137 : i32
        %add3A_139 = arith.addi %mul3A_7, %mul3A_138 : i32
        %add3A_140 = arith.constant 6 : i32
        %add3A_141 = arith.addi %add3A_139, %add3A_140 : i32
        %dma_start3A_142 = arith.constant 0 : i32
        %dma_start3A_143 = tpu.memref_slice %arg5[%squeeze3A_136, %dma_start3A_142] : memref<16x1024xf32, #tpu.memory_space<vmem>> -> memref<1x1024xf32, #tpu.memory_space<vmem>>
        %dma_start3A_144 = tpu.memref_squeeze %dma_start3A_143 : memref<1x1024xf32, #tpu.memory_space<vmem>> -> memref<1024xf32, #tpu.memory_space<vmem>>
        %dma_start3A_145 = arith.constant 0 : i32
        %dma_start3A_146 = tpu.memref_slice %arg4[%add3A_141, %dma_start3A_145] : memref<32768x1024xf32, #tpu.memory_space<hbm>> -> memref<1x1024xf32, #tpu.memory_space<hbm>>
        %dma_start3A_147 = tpu.memref_squeeze %dma_start3A_146 : memref<1x1024xf32, #tpu.memory_space<hbm>> -> memref<1024xf32, #tpu.memory_space<hbm>>
        %dma_start3A_148 = arith.constant 0 : i32
        %dma_start3A_149 = tpu.memref_slice %arg4[%add3A_141, %dma_start3A_148] : memref<32768x1024xf32, #tpu.memory_space<hbm>> -> memref<1x1024xf32, #tpu.memory_space<hbm>>
        %dma_start3A_150 = tpu.memref_squeeze %dma_start3A_149 : memref<1x1024xf32, #tpu.memory_space<hbm>> -> memref<1024xf32, #tpu.memory_space<hbm>>
        %dma_start3A_151 = arith.constant 0 : i32
        %dma_start3A_152 = tpu.memref_slice %arg5[%squeeze3A_136, %dma_start3A_151] : memref<16x1024xf32, #tpu.memory_space<vmem>> -> memref<1x1024xf32, #tpu.memory_space<vmem>>
        %dma_start3A_153 = tpu.memref_squeeze %dma_start3A_152 : memref<1x1024xf32, #tpu.memory_space<vmem>> -> memref<1024xf32, #tpu.memory_space<vmem>>
        tpu.enqueue_dma source(%dma_start3A_153 : memref<1024xf32, #tpu.memory_space<vmem>>) target(%dma_start3A_150 : memref<1024xf32, #tpu.memory_space<hbm>>) target_semaphore(%arg7 : memref<!tpu.dma_semaphore, #tpu.memory_space<semaphore_mem>>)
        %slice3A_154 = vector.extract_strided_slice %get3A_23 {offsets = [7], sizes = [1], strides = [1]} : vector<16xi32> to vector<1xi32>
        %squeeze3A_155 = vector.extract %slice3A_154[0] : i32 from vector<1xi32>
        %mul3A_156 = arith.constant 16 : i32
        %mul3A_157 = arith.muli %add3A_20, %mul3A_156 : i32
        %add3A_158 = arith.addi %mul3A_7, %mul3A_157 : i32
        %add3A_159 = arith.constant 7 : i32
        %add3A_160 = arith.addi %add3A_158, %add3A_159 : i32
        %dma_start3A_161 = arith.constant 0 : i32
        %dma_start3A_162 = tpu.memref_slice %arg5[%squeeze3A_155, %dma_start3A_161] : memref<16x1024xf32, #tpu.memory_space<vmem>> -> memref<1x1024xf32, #tpu.memory_space<vmem>>
        %dma_start3A_163 = tpu.memref_squeeze %dma_start3A_162 : memref<1x1024xf32, #tpu.memory_space<vmem>> -> memref<1024xf32, #tpu.memory_space<vmem>>
        %dma_start3A_164 = arith.constant 0 : i32
        %dma_start3A_165 = tpu.memref_slice %arg4[%add3A_160, %dma_start3A_164] : memref<32768x1024xf32, #tpu.memory_space<hbm>> -> memref<1x1024xf32, #tpu.memory_space<hbm>>
        %dma_start3A_166 = tpu.memref_squeeze %dma_start3A_165 : memref<1x1024xf32, #tpu.memory_space<hbm>> -> memref<1024xf32, #tpu.memory_space<hbm>>
        %dma_start3A_167 = arith.constant 0 : i32
        %dma_start3A_168 = tpu.memref_slice %arg4[%add3A_160, %dma_start3A_167] : memref<32768x1024xf32, #tpu.memory_space<hbm>> -> memref<1x1024xf32, #tpu.memory_space<hbm>>
        %dma_start3A_169 = tpu.memref_squeeze %dma_start3A_168 : memref<1x1024xf32, #tpu.memory_space<hbm>> -> memref<1024xf32, #tpu.memory_space<hbm>>
        %dma_start3A_170 = arith.constant 0 : i32
        %dma_start3A_171 = tpu.memref_slice %arg5[%squeeze3A_155, %dma_start3A_170] : memref<16x1024xf32, #tpu.memory_space<vmem>> -> memref<1x1024xf32, #tpu.memory_space<vmem>>
        %dma_start3A_172 = tpu.memref_squeeze %dma_start3A_171 : memref<1x1024xf32, #tpu.memory_space<vmem>> -> memref<1024xf32, #tpu.memory_space<vmem>>
        tpu.enqueue_dma source(%dma_start3A_172 : memref<1024xf32, #tpu.memory_space<vmem>>) target(%dma_start3A_169 : memref<1024xf32, #tpu.memory_space<hbm>>) target_semaphore(%arg7 : memref<!tpu.dma_semaphore, #tpu.memory_space<semaphore_mem>>)
        %slice3A_173 = vector.extract_strided_slice %get3A_23 {offsets = [8], sizes = [1], strides = [1]} : vector<16xi32> to vector<1xi32>
        %squeeze3A_174 = vector.extract %slice3A_173[0] : i32 from vector<1xi32>
        %mul3A_175 = arith.constant 16 : i32
        %mul3A_176 = arith.muli %add3A_20, %mul3A_175 : i32
        %add3A_177 = arith.addi %mul3A_7, %mul3A_176 : i32
        %add3A_178 = arith.constant 8 : i32
        %add3A_179 = arith.addi %add3A_177, %add3A_178 : i32
        %dma_start3A_180 = arith.constant 0 : i32
        %dma_start3A_181 = tpu.memref_slice %arg5[%squeeze3A_174, %dma_start3A_180] : memref<16x1024xf32, #tpu.memory_space<vmem>> -> memref<1x1024xf32, #tpu.memory_space<vmem>>
        %dma_start3A_182 = tpu.memref_squeeze %dma_start3A_181 : memref<1x1024xf32, #tpu.memory_space<vmem>> -> memref<1024xf32, #tpu.memory_space<vmem>>
        %dma_start3A_183 = arith.constant 0 : i32
        %dma_start3A_184 = tpu.memref_slice %arg4[%add3A_179, %dma_start3A_183] : memref<32768x1024xf32, #tpu.memory_space<hbm>> -> memref<1x1024xf32, #tpu.memory_space<hbm>>
        %dma_start3A_185 = tpu.memref_squeeze %dma_start3A_184 : memref<1x1024xf32, #tpu.memory_space<hbm>> -> memref<1024xf32, #tpu.memory_space<hbm>>
        %dma_start3A_186 = arith.constant 0 : i32
        %dma_start3A_187 = tpu.memref_slice %arg4[%add3A_179, %dma_start3A_186] : memref<32768x1024xf32, #tpu.memory_space<hbm>> -> memref<1x1024xf32, #tpu.memory_space<hbm>>
        %dma_start3A_188 = tpu.memref_squeeze %dma_start3A_187 : memref<1x1024xf32, #tpu.memory_space<hbm>> -> memref<1024xf32, #tpu.memory_space<hbm>>
        %dma_start3A_189 = arith.constant 0 : i32
        %dma_start3A_190 = tpu.memref_slice %arg5[%squeeze3A_174, %dma_start3A_189] : memref<16x1024xf32, #tpu.memory_space<vmem>> -> memref<1x1024xf32, #tpu.memory_space<vmem>>
        %dma_start3A_191 = tpu.memref_squeeze %dma_start3A_190 : memref<1x1024xf32, #tpu.memory_space<vmem>> -> memref<1024xf32, #tpu.memory_space<vmem>>
        tpu.enqueue_dma source(%dma_start3A_191 : memref<1024xf32, #tpu.memory_space<vmem>>) target(%dma_start3A_188 : memref<1024xf32, #tpu.memory_space<hbm>>) target_semaphore(%arg7 : memref<!tpu.dma_semaphore, #tpu.memory_space<semaphore_mem>>)
        %slice3A_192 = vector.extract_strided_slice %get3A_23 {offsets = [9], sizes = [1], strides = [1]} : vector<16xi32> to vector<1xi32>
        %squeeze3A_193 = vector.extract %slice3A_192[0] : i32 from vector<1xi32>
        %mul3A_194 = arith.constant 16 : i32
        %mul3A_195 = arith.muli %add3A_20, %mul3A_194 : i32
        %add3A_196 = arith.addi %mul3A_7, %mul3A_195 : i32
        %add3A_197 = arith.constant 9 : i32
        %add3A_198 = arith.addi %add3A_196, %add3A_197 : i32
        %dma_start3A_199 = arith.constant 0 : i32
        %dma_start3A_200 = tpu.memref_slice %arg5[%squeeze3A_193, %dma_start3A_199] : memref<16x1024xf32, #tpu.memory_space<vmem>> -> memref<1x1024xf32, #tpu.memory_space<vmem>>
        %dma_start3A_201 = tpu.memref_squeeze %dma_start3A_200 : memref<1x1024xf32, #tpu.memory_space<vmem>> -> memref<1024xf32, #tpu.memory_space<vmem>>
        %dma_start3A_202 = arith.constant 0 : i32
        %dma_start3A_203 = tpu.memref_slice %arg4[%add3A_198, %dma_start3A_202] : memref<32768x1024xf32, #tpu.memory_space<hbm>> -> memref<1x1024xf32, #tpu.memory_space<hbm>>
        %dma_start3A_204 = tpu.memref_squeeze %dma_start3A_203 : memref<1x1024xf32, #tpu.memory_space<hbm>> -> memref<1024xf32, #tpu.memory_space<hbm>>
        %dma_start3A_205 = arith.constant 0 : i32
        %dma_start3A_206 = tpu.memref_slice %arg4[%add3A_198, %dma_start3A_205] : memref<32768x1024xf32, #tpu.memory_space<hbm>> -> memref<1x1024xf32, #tpu.memory_space<hbm>>
        %dma_start3A_207 = tpu.memref_squeeze %dma_start3A_206 : memref<1x1024xf32, #tpu.memory_space<hbm>> -> memref<1024xf32, #tpu.memory_space<hbm>>
        %dma_start3A_208 = arith.constant 0 : i32
        %dma_start3A_209 = tpu.memref_slice %arg5[%squeeze3A_193, %dma_start3A_208] : memref<16x1024xf32, #tpu.memory_space<vmem>> -> memref<1x1024xf32, #tpu.memory_space<vmem>>
        %dma_start3A_210 = tpu.memref_squeeze %dma_start3A_209 : memref<1x1024xf32, #tpu.memory_space<vmem>> -> memref<1024xf32, #tpu.memory_space<vmem>>
        tpu.enqueue_dma source(%dma_start3A_210 : memref<1024xf32, #tpu.memory_space<vmem>>) target(%dma_start3A_207 : memref<1024xf32, #tpu.memory_space<hbm>>) target_semaphore(%arg7 : memref<!tpu.dma_semaphore, #tpu.memory_space<semaphore_mem>>)
        %slice3A_211 = vector.extract_strided_slice %get3A_23 {offsets = [10], sizes = [1], strides = [1]} : vector<16xi32> to vector<1xi32>
        %squeeze3A_212 = vector.extract %slice3A_211[0] : i32 from vector<1xi32>
        %mul3A_213 = arith.constant 16 : i32
        %mul3A_214 = arith.muli %add3A_20, %mul3A_213 : i32
        %add3A_215 = arith.addi %mul3A_7, %mul3A_214 : i32
        %add3A_216 = arith.constant 10 : i32
        %add3A_217 = arith.addi %add3A_215, %add3A_216 : i32
        %dma_start3A_218 = arith.constant 0 : i32
        %dma_start3A_219 = tpu.memref_slice %arg5[%squeeze3A_212, %dma_start3A_218] : memref<16x1024xf32, #tpu.memory_space<vmem>> -> memref<1x1024xf32, #tpu.memory_space<vmem>>
        %dma_start3A_220 = tpu.memref_squeeze %dma_start3A_219 : memref<1x1024xf32, #tpu.memory_space<vmem>> -> memref<1024xf32, #tpu.memory_space<vmem>>
        %dma_start3A_221 = arith.constant 0 : i32
        %dma_start3A_222 = tpu.memref_slice %arg4[%add3A_217, %dma_start3A_221] : memref<32768x1024xf32, #tpu.memory_space<hbm>> -> memref<1x1024xf32, #tpu.memory_space<hbm>>
        %dma_start3A_223 = tpu.memref_squeeze %dma_start3A_222 : memref<1x1024xf32, #tpu.memory_space<hbm>> -> memref<1024xf32, #tpu.memory_space<hbm>>
        %dma_start3A_224 = arith.constant 0 : i32
        %dma_start3A_225 = tpu.memref_slice %arg4[%add3A_217, %dma_start3A_224] : memref<32768x1024xf32, #tpu.memory_space<hbm>> -> memref<1x1024xf32, #tpu.memory_space<hbm>>
        %dma_start3A_226 = tpu.memref_squeeze %dma_start3A_225 : memref<1x1024xf32, #tpu.memory_space<hbm>> -> memref<1024xf32, #tpu.memory_space<hbm>>
        %dma_start3A_227 = arith.constant 0 : i32
        %dma_start3A_228 = tpu.memref_slice %arg5[%squeeze3A_212, %dma_start3A_227] : memref<16x1024xf32, #tpu.memory_space<vmem>> -> memref<1x1024xf32, #tpu.memory_space<vmem>>
        %dma_start3A_229 = tpu.memref_squeeze %dma_start3A_228 : memref<1x1024xf32, #tpu.memory_space<vmem>> -> memref<1024xf32, #tpu.memory_space<vmem>>
        tpu.enqueue_dma source(%dma_start3A_229 : memref<1024xf32, #tpu.memory_space<vmem>>) target(%dma_start3A_226 : memref<1024xf32, #tpu.memory_space<hbm>>) target_semaphore(%arg7 : memref<!tpu.dma_semaphore, #tpu.memory_space<semaphore_mem>>)
        %slice3A_230 = vector.extract_strided_slice %get3A_23 {offsets = [11], sizes = [1], strides = [1]} : vector<16xi32> to vector<1xi32>
        %squeeze3A_231 = vector.extract %slice3A_230[0] : i32 from vector<1xi32>
        %mul3A_232 = arith.constant 16 : i32
        %mul3A_233 = arith.muli %add3A_20, %mul3A_232 : i32
        %add3A_234 = arith.addi %mul3A_7, %mul3A_233 : i32
        %add3A_235 = arith.constant 11 : i32
        %add3A_236 = arith.addi %add3A_234, %add3A_235 : i32
        %dma_start3A_237 = arith.constant 0 : i32
        %dma_start3A_238 = tpu.memref_slice %arg5[%squeeze3A_231, %dma_start3A_237] : memref<16x1024xf32, #tpu.memory_space<vmem>> -> memref<1x1024xf32, #tpu.memory_space<vmem>>
        %dma_start3A_239 = tpu.memref_squeeze %dma_start3A_238 : memref<1x1024xf32, #tpu.memory_space<vmem>> -> memref<1024xf32, #tpu.memory_space<vmem>>
        %dma_start3A_240 = arith.constant 0 : i32
        %dma_start3A_241 = tpu.memref_slice %arg4[%add3A_236, %dma_start3A_240] : memref<32768x1024xf32, #tpu.memory_space<hbm>> -> memref<1x1024xf32, #tpu.memory_space<hbm>>
        %dma_start3A_242 = tpu.memref_squeeze %dma_start3A_241 : memref<1x1024xf32, #tpu.memory_space<hbm>> -> memref<1024xf32, #tpu.memory_space<hbm>>
        %dma_start3A_243 = arith.constant 0 : i32
        %dma_start3A_244 = tpu.memref_slice %arg4[%add3A_236, %dma_start3A_243] : memref<32768x1024xf32, #tpu.memory_space<hbm>> -> memref<1x1024xf32, #tpu.memory_space<hbm>>
        %dma_start3A_245 = tpu.memref_squeeze %dma_start3A_244 : memref<1x1024xf32, #tpu.memory_space<hbm>> -> memref<1024xf32, #tpu.memory_space<hbm>>
        %dma_start3A_246 = arith.constant 0 : i32
        %dma_start3A_247 = tpu.memref_slice %arg5[%squeeze3A_231, %dma_start3A_246] : memref<16x1024xf32, #tpu.memory_space<vmem>> -> memref<1x1024xf32, #tpu.memory_space<vmem>>
        %dma_start3A_248 = tpu.memref_squeeze %dma_start3A_247 : memref<1x1024xf32, #tpu.memory_space<vmem>> -> memref<1024xf32, #tpu.memory_space<vmem>>
        tpu.enqueue_dma source(%dma_start3A_248 : memref<1024xf32, #tpu.memory_space<vmem>>) target(%dma_start3A_245 : memref<1024xf32, #tpu.memory_space<hbm>>) target_semaphore(%arg7 : memref<!tpu.dma_semaphore, #tpu.memory_space<semaphore_mem>>)
        %slice3A_249 = vector.extract_strided_slice %get3A_23 {offsets = [12], sizes = [1], strides = [1]} : vector<16xi32> to vector<1xi32>
        %squeeze3A_250 = vector.extract %slice3A_249[0] : i32 from vector<1xi32>
        %mul3A_251 = arith.constant 16 : i32
        %mul3A_252 = arith.muli %add3A_20, %mul3A_251 : i32
        %add3A_253 = arith.addi %mul3A_7, %mul3A_252 : i32
        %add3A_254 = arith.constant 12 : i32
        %add3A_255 = arith.addi %add3A_253, %add3A_254 : i32
        %dma_start3A_256 = arith.constant 0 : i32
        %dma_start3A_257 = tpu.memref_slice %arg5[%squeeze3A_250, %dma_start3A_256] : memref<16x1024xf32, #tpu.memory_space<vmem>> -> memref<1x1024xf32, #tpu.memory_space<vmem>>
        %dma_start3A_258 = tpu.memref_squeeze %dma_start3A_257 : memref<1x1024xf32, #tpu.memory_space<vmem>> -> memref<1024xf32, #tpu.memory_space<vmem>>
        %dma_start3A_259 = arith.constant 0 : i32
        %dma_start3A_260 = tpu.memref_slice %arg4[%add3A_255, %dma_start3A_259] : memref<32768x1024xf32, #tpu.memory_space<hbm>> -> memref<1x1024xf32, #tpu.memory_space<hbm>>
        %dma_start3A_261 = tpu.memref_squeeze %dma_start3A_260 : memref<1x1024xf32, #tpu.memory_space<hbm>> -> memref<1024xf32, #tpu.memory_space<hbm>>
        %dma_start3A_262 = arith.constant 0 : i32
        %dma_start3A_263 = tpu.memref_slice %arg4[%add3A_255, %dma_start3A_262] : memref<32768x1024xf32, #tpu.memory_space<hbm>> -> memref<1x1024xf32, #tpu.memory_space<hbm>>
        %dma_start3A_264 = tpu.memref_squeeze %dma_start3A_263 : memref<1x1024xf32, #tpu.memory_space<hbm>> -> memref<1024xf32, #tpu.memory_space<hbm>>
        %dma_start3A_265 = arith.constant 0 : i32
        %dma_start3A_266 = tpu.memref_slice %arg5[%squeeze3A_250, %dma_start3A_265] : memref<16x1024xf32, #tpu.memory_space<vmem>> -> memref<1x1024xf32, #tpu.memory_space<vmem>>
        %dma_start3A_267 = tpu.memref_squeeze %dma_start3A_266 : memref<1x1024xf32, #tpu.memory_space<vmem>> -> memref<1024xf32, #tpu.memory_space<vmem>>
        tpu.enqueue_dma source(%dma_start3A_267 : memref<1024xf32, #tpu.memory_space<vmem>>) target(%dma_start3A_264 : memref<1024xf32, #tpu.memory_space<hbm>>) target_semaphore(%arg7 : memref<!tpu.dma_semaphore, #tpu.memory_space<semaphore_mem>>)
        %slice3A_268 = vector.extract_strided_slice %get3A_23 {offsets = [13], sizes = [1], strides = [1]} : vector<16xi32> to vector<1xi32>
        %squeeze3A_269 = vector.extract %slice3A_268[0] : i32 from vector<1xi32>
        %mul3A_270 = arith.constant 16 : i32
        %mul3A_271 = arith.muli %add3A_20, %mul3A_270 : i32
        %add3A_272 = arith.addi %mul3A_7, %mul3A_271 : i32
        %add3A_273 = arith.constant 13 : i32
        %add3A_274 = arith.addi %add3A_272, %add3A_273 : i32
        %dma_start3A_275 = arith.constant 0 : i32
        %dma_start3A_276 = tpu.memref_slice %arg5[%squeeze3A_269, %dma_start3A_275] : memref<16x1024xf32, #tpu.memory_space<vmem>> -> memref<1x1024xf32, #tpu.memory_space<vmem>>
        %dma_start3A_277 = tpu.memref_squeeze %dma_start3A_276 : memref<1x1024xf32, #tpu.memory_space<vmem>> -> memref<1024xf32, #tpu.memory_space<vmem>>
        %dma_start3A_278 = arith.constant 0 : i32
        %dma_start3A_279 = tpu.memref_slice %arg4[%add3A_274, %dma_start3A_278] : memref<32768x1024xf32, #tpu.memory_space<hbm>> -> memref<1x1024xf32, #tpu.memory_space<hbm>>
        %dma_start3A_280 = tpu.memref_squeeze %dma_start3A_279 : memref<1x1024xf32, #tpu.memory_space<hbm>> -> memref<1024xf32, #tpu.memory_space<hbm>>
        %dma_start3A_281 = arith.constant 0 : i32
        %dma_start3A_282 = tpu.memref_slice %arg4[%add3A_274, %dma_start3A_281] : memref<32768x1024xf32, #tpu.memory_space<hbm>> -> memref<1x1024xf32, #tpu.memory_space<hbm>>
        %dma_start3A_283 = tpu.memref_squeeze %dma_start3A_282 : memref<1x1024xf32, #tpu.memory_space<hbm>> -> memref<1024xf32, #tpu.memory_space<hbm>>
        %dma_start3A_284 = arith.constant 0 : i32
        %dma_start3A_285 = tpu.memref_slice %arg5[%squeeze3A_269, %dma_start3A_284] : memref<16x1024xf32, #tpu.memory_space<vmem>> -> memref<1x1024xf32, #tpu.memory_space<vmem>>
        %dma_start3A_286 = tpu.memref_squeeze %dma_start3A_285 : memref<1x1024xf32, #tpu.memory_space<vmem>> -> memref<1024xf32, #tpu.memory_space<vmem>>
        tpu.enqueue_dma source(%dma_start3A_286 : memref<1024xf32, #tpu.memory_space<vmem>>) target(%dma_start3A_283 : memref<1024xf32, #tpu.memory_space<hbm>>) target_semaphore(%arg7 : memref<!tpu.dma_semaphore, #tpu.memory_space<semaphore_mem>>)
        %slice3A_287 = vector.extract_strided_slice %get3A_23 {offsets = [14], sizes = [1], strides = [1]} : vector<16xi32> to vector<1xi32>
        %squeeze3A_288 = vector.extract %slice3A_287[0] : i32 from vector<1xi32>
        %mul3A_289 = arith.constant 16 : i32
        %mul3A_290 = arith.muli %add3A_20, %mul3A_289 : i32
        %add3A_291 = arith.addi %mul3A_7, %mul3A_290 : i32
        %add3A_292 = arith.constant 14 : i32
        %add3A_293 = arith.addi %add3A_291, %add3A_292 : i32
        %dma_start3A_294 = arith.constant 0 : i32
        %dma_start3A_295 = tpu.memref_slice %arg5[%squeeze3A_288, %dma_start3A_294] : memref<16x1024xf32, #tpu.memory_space<vmem>> -> memref<1x1024xf32, #tpu.memory_space<vmem>>
        %dma_start3A_296 = tpu.memref_squeeze %dma_start3A_295 : memref<1x1024xf32, #tpu.memory_space<vmem>> -> memref<1024xf32, #tpu.memory_space<vmem>>
        %dma_start3A_297 = arith.constant 0 : i32
        %dma_start3A_298 = tpu.memref_slice %arg4[%add3A_293, %dma_start3A_297] : memref<32768x1024xf32, #tpu.memory_space<hbm>> -> memref<1x1024xf32, #tpu.memory_space<hbm>>
        %dma_start3A_299 = tpu.memref_squeeze %dma_start3A_298 : memref<1x1024xf32, #tpu.memory_space<hbm>> -> memref<1024xf32, #tpu.memory_space<hbm>>
        %dma_start3A_300 = arith.constant 0 : i32
        %dma_start3A_301 = tpu.memref_slice %arg4[%add3A_293, %dma_start3A_300] : memref<32768x1024xf32, #tpu.memory_space<hbm>> -> memref<1x1024xf32, #tpu.memory_space<hbm>>
        %dma_start3A_302 = tpu.memref_squeeze %dma_start3A_301 : memref<1x1024xf32, #tpu.memory_space<hbm>> -> memref<1024xf32, #tpu.memory_space<hbm>>
        %dma_start3A_303 = arith.constant 0 : i32
        %dma_start3A_304 = tpu.memref_slice %arg5[%squeeze3A_288, %dma_start3A_303] : memref<16x1024xf32, #tpu.memory_space<vmem>> -> memref<1x1024xf32, #tpu.memory_space<vmem>>
        %dma_start3A_305 = tpu.memref_squeeze %dma_start3A_304 : memref<1x1024xf32, #tpu.memory_space<vmem>> -> memref<1024xf32, #tpu.memory_space<vmem>>
        tpu.enqueue_dma source(%dma_start3A_305 : memref<1024xf32, #tpu.memory_space<vmem>>) target(%dma_start3A_302 : memref<1024xf32, #tpu.memory_space<hbm>>) target_semaphore(%arg7 : memref<!tpu.dma_semaphore, #tpu.memory_space<semaphore_mem>>)
        %slice3A_306 = vector.extract_strided_slice %get3A_23 {offsets = [15], sizes = [1], strides = [1]} : vector<16xi32> to vector<1xi32>
        %squeeze3A_307 = vector.extract %slice3A_306[0] : i32 from vector<1xi32>
        %mul3A_308 = arith.constant 16 : i32
        %mul3A_309 = arith.muli %add3A_20, %mul3A_308 : i32
        %add3A_310 = arith.addi %mul3A_7, %mul3A_309 : i32
        %add3A_311 = arith.constant 15 : i32
        %add3A_312 = arith.addi %add3A_310, %add3A_311 : i32
        %dma_start3A_313 = arith.constant 0 : i32
        %dma_start3A_314 = tpu.memref_slice %arg5[%squeeze3A_307, %dma_start3A_313] : memref<16x1024xf32, #tpu.memory_space<vmem>> -> memref<1x1024xf32, #tpu.memory_space<vmem>>
        %dma_start3A_315 = tpu.memref_squeeze %dma_start3A_314 : memref<1x1024xf32, #tpu.memory_space<vmem>> -> memref<1024xf32, #tpu.memory_space<vmem>>
        %dma_start3A_316 = arith.constant 0 : i32
        %dma_start3A_317 = tpu.memref_slice %arg4[%add3A_312, %dma_start3A_316] : memref<32768x1024xf32, #tpu.memory_space<hbm>> -> memref<1x1024xf32, #tpu.memory_space<hbm>>
        %dma_start3A_318 = tpu.memref_squeeze %dma_start3A_317 : memref<1x1024xf32, #tpu.memory_space<hbm>> -> memref<1024xf32, #tpu.memory_space<hbm>>
        %dma_start3A_319 = arith.constant 0 : i32
        %dma_start3A_320 = tpu.memref_slice %arg4[%add3A_312, %dma_start3A_319] : memref<32768x1024xf32, #tpu.memory_space<hbm>> -> memref<1x1024xf32, #tpu.memory_space<hbm>>
        %dma_start3A_321 = tpu.memref_squeeze %dma_start3A_320 : memref<1x1024xf32, #tpu.memory_space<hbm>> -> memref<1024xf32, #tpu.memory_space<hbm>>
        %dma_start3A_322 = arith.constant 0 : i32
        %dma_start3A_323 = tpu.memref_slice %arg5[%squeeze3A_307, %dma_start3A_322] : memref<16x1024xf32, #tpu.memory_space<vmem>> -> memref<1x1024xf32, #tpu.memory_space<vmem>>
        %dma_start3A_324 = tpu.memref_squeeze %dma_start3A_323 : memref<1x1024xf32, #tpu.memory_space<vmem>> -> memref<1024xf32, #tpu.memory_space<vmem>>
        tpu.enqueue_dma source(%dma_start3A_324 : memref<1024xf32, #tpu.memory_space<vmem>>) target(%dma_start3A_321 : memref<1024xf32, #tpu.memory_space<hbm>>) target_semaphore(%arg7 : memref<!tpu.dma_semaphore, #tpu.memory_space<semaphore_mem>>)
      }
      %scan3A_11 = arith.constant 62 : i32
      %scan3A_12 = arith.constant 0 : i32
      %scan3A_13 = arith.constant 992 : i32
      %scan3A_14 = arith.addi %scan3A_12, %scan3A_13 : i32
      %scan3A_15 = arith.constant 1 : i32
      scf.for %scan3A_17 = %scan3A_12 to %scan3A_14 step %scan3A_15  : i32 {
        %mul3A_18 = arith.constant 1 : i32
        %mul3A_19 = arith.muli %scan3A_17, %mul3A_18 : i32
        %add3A = arith.constant 0 : i32
        %add3A_20 = arith.addi %add3A, %mul3A_19 : i32
        %dma_wait3A = arith.constant 0 : i32
        %dma_wait3A_21 = arith.constant 0 : i32
        %dma_wait3A_22 = arith.constant 0 : i32
        %dma_wait3A_23 = tpu.memref_slice %arg5[%dma_wait3A_21, %dma_wait3A_22] : memref<16x1024xf32, #tpu.memory_space<vmem>> -> memref<1x1024xf32, #tpu.memory_space<vmem>>
        %dma_wait3A_24 = tpu.memref_squeeze %dma_wait3A_23 : memref<1x1024xf32, #tpu.memory_space<vmem>> -> memref<1024xf32, #tpu.memory_space<vmem>>
        %dma_wait3A_25 = arith.constant 0 : i32
        %dma_wait3A_26 = tpu.memref_slice %arg4[%dma_wait3A, %dma_wait3A_25] : memref<32768x1024xf32, #tpu.memory_space<hbm>> -> memref<1x1024xf32, #tpu.memory_space<hbm>>
        %dma_wait3A_27 = tpu.memref_squeeze %dma_wait3A_26 : memref<1x1024xf32, #tpu.memory_space<hbm>> -> memref<1024xf32, #tpu.memory_space<hbm>>
        %dma_wait3A_28 = arith.constant 0 : i32
        %dma_wait3A_29 = tpu.memref_slice %arg5[%dma_wait3A_21, %dma_wait3A_28] : memref<16x1024xf32, #tpu.memory_space<vmem>> -> memref<1x1024xf32, #tpu.memory_space<vmem>>
        %dma_wait3A_30 = tpu.memref_squeeze %dma_wait3A_29 : memref<1x1024xf32, #tpu.memory_space<vmem>> -> memref<1024xf32, #tpu.memory_space<vmem>>
        %dma_wait3A_31 = arith.constant 0 : i32
        %dma_wait3A_32 = tpu.memref_slice %arg4[%dma_wait3A, %dma_wait3A_31] : memref<32768x1024xf32, #tpu.memory_space<hbm>> -> memref<1x1024xf32, #tpu.memory_space<hbm>>
        %dma_wait3A_33 = tpu.memref_squeeze %dma_wait3A_32 : memref<1x1024xf32, #tpu.memory_space<hbm>> -> memref<1024xf32, #tpu.memory_space<hbm>>
        tpu.wait_dma2 semaphore(%arg7 : memref<!tpu.dma_semaphore, #tpu.memory_space<semaphore_mem>>) src(%dma_wait3A_33 : memref<1024xf32, #tpu.memory_space<hbm>>) dst(%dma_wait3A_30 : memref<1024xf32, #tpu.memory_space<vmem>>)
      }
      %scan3A_16 = arith.constant 992 : i32
    } else {
    }
    %eq3A_2 = arith.constant 1 : i32
    %eq3A_3 = arith.cmpi eq, %arg0, %eq3A_2 : i32
    %convert_element_type3A_4 = arith.extui %eq3A_3 : i1 to i32
    %cond3A_5 = arith.constant 0 : i32
    %cond3A_6 = arith.cmpi ne, %convert_element_type3A_4, %cond3A_5 : i32
    scf.if %cond3A_6 {
      %mul3A = arith.constant 1056 : i32
      %mul3A_7 = arith.muli %arg1, %mul3A : i32
      %add3A = arith.constant 15872 : i32
      %add3A_8 = arith.addi %add3A, %mul3A_7 : i32
      "tpu.region"() ({
        %run_scoped3A = tpu.sem_alloc : memref<!tpu.dma_semaphore, #tpu.memory_space<semaphore_mem>>
        %dma_start3A = arith.constant 0 : i32
        %dma_start3A_18 = tpu.memref_slice %arg6[%dma_start3A] : memref<1056xi32, #tpu.memory_space<vmem>> -> memref<1056xi32, #tpu.memory_space<vmem>>
        %dma_start3A_19 = tpu.memref_slice %arg3[%add3A_8] : memref<32768xi32, #tpu.memory_space<hbm>> -> memref<1056xi32, #tpu.memory_space<hbm>>
        %dma_start3A_20 = arith.constant 0 : i32
        %dma_start3A_21 = tpu.memref_slice %arg6[%dma_start3A_20] : memref<1056xi32, #tpu.memory_space<vmem>> -> memref<1056xi32, #tpu.memory_space<vmem>>
        %dma_start3A_22 = tpu.memref_slice %arg3[%add3A_8] : memref<32768xi32, #tpu.memory_space<hbm>> -> memref<1056xi32, #tpu.memory_space<hbm>>
        tpu.enqueue_dma source(%dma_start3A_22 : memref<1056xi32, #tpu.memory_space<hbm>>) target(%dma_start3A_21 : memref<1056xi32, #tpu.memory_space<vmem>>) target_semaphore(%run_scoped3A : memref<!tpu.dma_semaphore, #tpu.memory_space<semaphore_mem>>)
        %dma_wait3A = arith.constant 0 : i32
        %dma_wait3A_23 = tpu.memref_slice %arg6[%dma_wait3A] : memref<1056xi32, #tpu.memory_space<vmem>> -> memref<1056xi32, #tpu.memory_space<vmem>>
        %dma_wait3A_24 = tpu.memref_slice %arg3[%add3A_8] : memref<32768xi32, #tpu.memory_space<hbm>> -> memref<1056xi32, #tpu.memory_space<hbm>>
        %dma_wait3A_25 = arith.constant 0 : i32
        %dma_wait3A_26 = tpu.memref_slice %arg6[%dma_wait3A_25] : memref<1056xi32, #tpu.memory_space<vmem>> -> memref<1056xi32, #tpu.memory_space<vmem>>
        %dma_wait3A_27 = tpu.memref_slice %arg3[%add3A_8] : memref<32768xi32, #tpu.memory_space<hbm>> -> memref<1056xi32, #tpu.memory_space<hbm>>
        tpu.wait_dma2 semaphore(%run_scoped3A : memref<!tpu.dma_semaphore, #tpu.memory_space<semaphore_mem>>) src(%dma_wait3A_27 : memref<1056xi32, #tpu.memory_space<hbm>>) dst(%dma_wait3A_26 : memref<1056xi32, #tpu.memory_space<vmem>>)
        tpu.yield
      }) : () -> ()
      %scan3A = arith.constant 0 : i32
      %scan3A_9 = arith.constant 66 : i32
      %scan3A_10 = arith.addi %scan3A, %scan3A_9 : i32
      %scan3A_11 = arith.constant 1 : i32
      scf.for %scan3A_18 = %scan3A to %scan3A_10 step %scan3A_11  : i32 {
        %mul3A_19 = arith.constant 1 : i32
        %mul3A_20 = arith.muli %scan3A_18, %mul3A_19 : i32
        %add3A_21 = arith.constant 0 : i32
        %add3A_22 = arith.addi %add3A_21, %mul3A_20 : i32
        %mul3A_23 = arith.constant 16 : i32
        %mul3A_24 = arith.muli %add3A_22, %mul3A_23 : i32
        %get3A = arith.index_cast %mul3A_24 : i32 to index
        %get3A_25 = tpu.vector_load %arg6[%get3A] {strides = array<i32>} : memref<1056xi32, #tpu.memory_space<vmem>>, vector<16xi32>,
        %slice3A = vector.extract_strided_slice %get3A_25 {offsets = [0], sizes = [1], strides = [1]} : vector<16xi32> to vector<1xi32>
        %squeeze3A = vector.extract %slice3A[0] : i32 from vector<1xi32>
        %mul3A_26 = arith.constant 16 : i32
        %mul3A_27 = arith.muli %add3A_22, %mul3A_26 : i32
        %add3A_28 = arith.addi %add3A_8, %mul3A_27 : i32
        %add3A_29 = arith.constant 0 : i32
        %add3A_30 = arith.addi %add3A_28, %add3A_29 : i32
        %dma_start3A = arith.constant 0 : i32
        %dma_start3A_31 = tpu.memref_slice %arg5[%squeeze3A, %dma_start3A] : memref<16x1024xf32, #tpu.memory_space<vmem>> -> memref<1x1024xf32, #tpu.memory_space<vmem>>
        %dma_start3A_32 = tpu.memref_squeeze %dma_start3A_31 : memref<1x1024xf32, #tpu.memory_space<vmem>> -> memref<1024xf32, #tpu.memory_space<vmem>>
        %dma_start3A_33 = arith.constant 0 : i32
        %dma_start3A_34 = tpu.memref_slice %arg4[%add3A_30, %dma_start3A_33] : memref<32768x1024xf32, #tpu.memory_space<hbm>> -> memref<1x1024xf32, #tpu.memory_space<hbm>>
        %dma_start3A_35 = tpu.memref_squeeze %dma_start3A_34 : memref<1x1024xf32, #tpu.memory_space<hbm>> -> memref<1024xf32, #tpu.memory_space<hbm>>
        %dma_start3A_36 = arith.constant 0 : i32
        %dma_start3A_37 = tpu.memref_slice %arg4[%add3A_30, %dma_start3A_36] : memref<32768x1024xf32, #tpu.memory_space<hbm>> -> memref<1x1024xf32, #tpu.memory_space<hbm>>
        %dma_start3A_38 = tpu.memref_squeeze %dma_start3A_37 : memref<1x1024xf32, #tpu.memory_space<hbm>> -> memref<1024xf32, #tpu.memory_space<hbm>>
        %dma_start3A_39 = arith.constant 0 : i32
        %dma_start3A_40 = tpu.memref_slice %arg5[%squeeze3A, %dma_start3A_39] : memref<16x1024xf32, #tpu.memory_space<vmem>> -> memref<1x1024xf32, #tpu.memory_space<vmem>>
        %dma_start3A_41 = tpu.memref_squeeze %dma_start3A_40 : memref<1x1024xf32, #tpu.memory_space<vmem>> -> memref<1024xf32, #tpu.memory_space<vmem>>
        tpu.enqueue_dma source(%dma_start3A_41 : memref<1024xf32, #tpu.memory_space<vmem>>) target(%dma_start3A_38 : memref<1024xf32, #tpu.memory_space<hbm>>) target_semaphore(%arg7 : memref<!tpu.dma_semaphore, #tpu.memory_space<semaphore_mem>>)
        %slice3A_42 = vector.extract_strided_slice %get3A_25 {offsets = [1], sizes = [1], strides = [1]} : vector<16xi32> to vector<1xi32>
        %squeeze3A_43 = vector.extract %slice3A_42[0] : i32 from vector<1xi32>
        %mul3A_44 = arith.constant 16 : i32
        %mul3A_45 = arith.muli %add3A_22, %mul3A_44 : i32
        %add3A_46 = arith.addi %add3A_8, %mul3A_45 : i32
        %add3A_47 = arith.constant 1 : i32
        %add3A_48 = arith.addi %add3A_46, %add3A_47 : i32
        %dma_start3A_49 = arith.constant 0 : i32
        %dma_start3A_50 = tpu.memref_slice %arg5[%squeeze3A_43, %dma_start3A_49] : memref<16x1024xf32, #tpu.memory_space<vmem>> -> memref<1x1024xf32, #tpu.memory_space<vmem>>
        %dma_start3A_51 = tpu.memref_squeeze %dma_start3A_50 : memref<1x1024xf32, #tpu.memory_space<vmem>> -> memref<1024xf32, #tpu.memory_space<vmem>>
        %dma_start3A_52 = arith.constant 0 : i32
        %dma_start3A_53 = tpu.memref_slice %arg4[%add3A_48, %dma_start3A_52] : memref<32768x1024xf32, #tpu.memory_space<hbm>> -> memref<1x1024xf32, #tpu.memory_space<hbm>>
        %dma_start3A_54 = tpu.memref_squeeze %dma_start3A_53 : memref<1x1024xf32, #tpu.memory_space<hbm>> -> memref<1024xf32, #tpu.memory_space<hbm>>
        %dma_start3A_55 = arith.constant 0 : i32
        %dma_start3A_56 = tpu.memref_slice %arg4[%add3A_48, %dma_start3A_55] : memref<32768x1024xf32, #tpu.memory_space<hbm>> -> memref<1x1024xf32, #tpu.memory_space<hbm>>
        %dma_start3A_57 = tpu.memref_squeeze %dma_start3A_56 : memref<1x1024xf32, #tpu.memory_space<hbm>> -> memref<1024xf32, #tpu.memory_space<hbm>>
        %dma_start3A_58 = arith.constant 0 : i32
        %dma_start3A_59 = tpu.memref_slice %arg5[%squeeze3A_43, %dma_start3A_58] : memref<16x1024xf32, #tpu.memory_space<vmem>> -> memref<1x1024xf32, #tpu.memory_space<vmem>>
        %dma_start3A_60 = tpu.memref_squeeze %dma_start3A_59 : memref<1x1024xf32, #tpu.memory_space<vmem>> -> memref<1024xf32, #tpu.memory_space<vmem>>
        tpu.enqueue_dma source(%dma_start3A_60 : memref<1024xf32, #tpu.memory_space<vmem>>) target(%dma_start3A_57 : memref<1024xf32, #tpu.memory_space<hbm>>) target_semaphore(%arg7 : memref<!tpu.dma_semaphore, #tpu.memory_space<semaphore_mem>>)
        %slice3A_61 = vector.extract_strided_slice %get3A_25 {offsets = [2], sizes = [1], strides = [1]} : vector<16xi32> to vector<1xi32>
        %squeeze3A_62 = vector.extract %slice3A_61[0] : i32 from vector<1xi32>
        %mul3A_63 = arith.constant 16 : i32
        %mul3A_64 = arith.muli %add3A_22, %mul3A_63 : i32
        %add3A_65 = arith.addi %add3A_8, %mul3A_64 : i32
        %add3A_66 = arith.constant 2 : i32
        %add3A_67 = arith.addi %add3A_65, %add3A_66 : i32
        %dma_start3A_68 = arith.constant 0 : i32
        %dma_start3A_69 = tpu.memref_slice %arg5[%squeeze3A_62, %dma_start3A_68] : memref<16x1024xf32, #tpu.memory_space<vmem>> -> memref<1x1024xf32, #tpu.memory_space<vmem>>
        %dma_start3A_70 = tpu.memref_squeeze %dma_start3A_69 : memref<1x1024xf32, #tpu.memory_space<vmem>> -> memref<1024xf32, #tpu.memory_space<vmem>>
        %dma_start3A_71 = arith.constant 0 : i32
        %dma_start3A_72 = tpu.memref_slice %arg4[%add3A_67, %dma_start3A_71] : memref<32768x1024xf32, #tpu.memory_space<hbm>> -> memref<1x1024xf32, #tpu.memory_space<hbm>>
        %dma_start3A_73 = tpu.memref_squeeze %dma_start3A_72 : memref<1x1024xf32, #tpu.memory_space<hbm>> -> memref<1024xf32, #tpu.memory_space<hbm>>
        %dma_start3A_74 = arith.constant 0 : i32
        %dma_start3A_75 = tpu.memref_slice %arg4[%add3A_67, %dma_start3A_74] : memref<32768x1024xf32, #tpu.memory_space<hbm>> -> memref<1x1024xf32, #tpu.memory_space<hbm>>
        %dma_start3A_76 = tpu.memref_squeeze %dma_start3A_75 : memref<1x1024xf32, #tpu.memory_space<hbm>> -> memref<1024xf32, #tpu.memory_space<hbm>>
        %dma_start3A_77 = arith.constant 0 : i32
        %dma_start3A_78 = tpu.memref_slice %arg5[%squeeze3A_62, %dma_start3A_77] : memref<16x1024xf32, #tpu.memory_space<vmem>> -> memref<1x1024xf32, #tpu.memory_space<vmem>>
        %dma_start3A_79 = tpu.memref_squeeze %dma_start3A_78 : memref<1x1024xf32, #tpu.memory_space<vmem>> -> memref<1024xf32, #tpu.memory_space<vmem>>
        tpu.enqueue_dma source(%dma_start3A_79 : memref<1024xf32, #tpu.memory_space<vmem>>) target(%dma_start3A_76 : memref<1024xf32, #tpu.memory_space<hbm>>) target_semaphore(%arg7 : memref<!tpu.dma_semaphore, #tpu.memory_space<semaphore_mem>>)
        %slice3A_80 = vector.extract_strided_slice %get3A_25 {offsets = [3], sizes = [1], strides = [1]} : vector<16xi32> to vector<1xi32>
        %squeeze3A_81 = vector.extract %slice3A_80[0] : i32 from vector<1xi32>
        %mul3A_82 = arith.constant 16 : i32
        %mul3A_83 = arith.muli %add3A_22, %mul3A_82 : i32
        %add3A_84 = arith.addi %add3A_8, %mul3A_83 : i32
        %add3A_85 = arith.constant 3 : i32
        %add3A_86 = arith.addi %add3A_84, %add3A_85 : i32
        %dma_start3A_87 = arith.constant 0 : i32
        %dma_start3A_88 = tpu.memref_slice %arg5[%squeeze3A_81, %dma_start3A_87] : memref<16x1024xf32, #tpu.memory_space<vmem>> -> memref<1x1024xf32, #tpu.memory_space<vmem>>
        %dma_start3A_89 = tpu.memref_squeeze %dma_start3A_88 : memref<1x1024xf32, #tpu.memory_space<vmem>> -> memref<1024xf32, #tpu.memory_space<vmem>>
        %dma_start3A_90 = arith.constant 0 : i32
        %dma_start3A_91 = tpu.memref_slice %arg4[%add3A_86, %dma_start3A_90] : memref<32768x1024xf32, #tpu.memory_space<hbm>> -> memref<1x1024xf32, #tpu.memory_space<hbm>>
        %dma_start3A_92 = tpu.memref_squeeze %dma_start3A_91 : memref<1x1024xf32, #tpu.memory_space<hbm>> -> memref<1024xf32, #tpu.memory_space<hbm>>
        %dma_start3A_93 = arith.constant 0 : i32
        %dma_start3A_94 = tpu.memref_slice %arg4[%add3A_86, %dma_start3A_93] : memref<32768x1024xf32, #tpu.memory_space<hbm>> -> memref<1x1024xf32, #tpu.memory_space<hbm>>
        %dma_start3A_95 = tpu.memref_squeeze %dma_start3A_94 : memref<1x1024xf32, #tpu.memory_space<hbm>> -> memref<1024xf32, #tpu.memory_space<hbm>>
        %dma_start3A_96 = arith.constant 0 : i32
        %dma_start3A_97 = tpu.memref_slice %arg5[%squeeze3A_81, %dma_start3A_96] : memref<16x1024xf32, #tpu.memory_space<vmem>> -> memref<1x1024xf32, #tpu.memory_space<vmem>>
        %dma_start3A_98 = tpu.memref_squeeze %dma_start3A_97 : memref<1x1024xf32, #tpu.memory_space<vmem>> -> memref<1024xf32, #tpu.memory_space<vmem>>
        tpu.enqueue_dma source(%dma_start3A_98 : memref<1024xf32, #tpu.memory_space<vmem>>) target(%dma_start3A_95 : memref<1024xf32, #tpu.memory_space<hbm>>) target_semaphore(%arg7 : memref<!tpu.dma_semaphore, #tpu.memory_space<semaphore_mem>>)
        %slice3A_99 = vector.extract_strided_slice %get3A_25 {offsets = [4], sizes = [1], strides = [1]} : vector<16xi32> to vector<1xi32>
        %squeeze3A_100 = vector.extract %slice3A_99[0] : i32 from vector<1xi32>
        %mul3A_101 = arith.constant 16 : i32
        %mul3A_102 = arith.muli %add3A_22, %mul3A_101 : i32
        %add3A_103 = arith.addi %add3A_8, %mul3A_102 : i32
        %add3A_104 = arith.constant 4 : i32
        %add3A_105 = arith.addi %add3A_103, %add3A_104 : i32
        %dma_start3A_106 = arith.constant 0 : i32
        %dma_start3A_107 = tpu.memref_slice %arg5[%squeeze3A_100, %dma_start3A_106] : memref<16x1024xf32, #tpu.memory_space<vmem>> -> memref<1x1024xf32, #tpu.memory_space<vmem>>
        %dma_start3A_108 = tpu.memref_squeeze %dma_start3A_107 : memref<1x1024xf32, #tpu.memory_space<vmem>> -> memref<1024xf32, #tpu.memory_space<vmem>>
        %dma_start3A_109 = arith.constant 0 : i32
        %dma_start3A_110 = tpu.memref_slice %arg4[%add3A_105, %dma_start3A_109] : memref<32768x1024xf32, #tpu.memory_space<hbm>> -> memref<1x1024xf32, #tpu.memory_space<hbm>>
        %dma_start3A_111 = tpu.memref_squeeze %dma_start3A_110 : memref<1x1024xf32, #tpu.memory_space<hbm>> -> memref<1024xf32, #tpu.memory_space<hbm>>
        %dma_start3A_112 = arith.constant 0 : i32
        %dma_start3A_113 = tpu.memref_slice %arg4[%add3A_105, %dma_start3A_112] : memref<32768x1024xf32, #tpu.memory_space<hbm>> -> memref<1x1024xf32, #tpu.memory_space<hbm>>
        %dma_start3A_114 = tpu.memref_squeeze %dma_start3A_113 : memref<1x1024xf32, #tpu.memory_space<hbm>> -> memref<1024xf32, #tpu.memory_space<hbm>>
        %dma_start3A_115 = arith.constant 0 : i32
        %dma_start3A_116 = tpu.memref_slice %arg5[%squeeze3A_100, %dma_start3A_115] : memref<16x1024xf32, #tpu.memory_space<vmem>> -> memref<1x1024xf32, #tpu.memory_space<vmem>>
        %dma_start3A_117 = tpu.memref_squeeze %dma_start3A_116 : memref<1x1024xf32, #tpu.memory_space<vmem>> -> memref<1024xf32, #tpu.memory_space<vmem>>
        tpu.enqueue_dma source(%dma_start3A_117 : memref<1024xf32, #tpu.memory_space<vmem>>) target(%dma_start3A_114 : memref<1024xf32, #tpu.memory_space<hbm>>) target_semaphore(%arg7 : memref<!tpu.dma_semaphore, #tpu.memory_space<semaphore_mem>>)
        %slice3A_118 = vector.extract_strided_slice %get3A_25 {offsets = [5], sizes = [1], strides = [1]} : vector<16xi32> to vector<1xi32>
        %squeeze3A_119 = vector.extract %slice3A_118[0] : i32 from vector<1xi32>
        %mul3A_120 = arith.constant 16 : i32
        %mul3A_121 = arith.muli %add3A_22, %mul3A_120 : i32
        %add3A_122 = arith.addi %add3A_8, %mul3A_121 : i32
        %add3A_123 = arith.constant 5 : i32
        %add3A_124 = arith.addi %add3A_122, %add3A_123 : i32
        %dma_start3A_125 = arith.constant 0 : i32
        %dma_start3A_126 = tpu.memref_slice %arg5[%squeeze3A_119, %dma_start3A_125] : memref<16x1024xf32, #tpu.memory_space<vmem>> -> memref<1x1024xf32, #tpu.memory_space<vmem>>
        %dma_start3A_127 = tpu.memref_squeeze %dma_start3A_126 : memref<1x1024xf32, #tpu.memory_space<vmem>> -> memref<1024xf32, #tpu.memory_space<vmem>>
        %dma_start3A_128 = arith.constant 0 : i32
        %dma_start3A_129 = tpu.memref_slice %arg4[%add3A_124, %dma_start3A_128] : memref<32768x1024xf32, #tpu.memory_space<hbm>> -> memref<1x1024xf32, #tpu.memory_space<hbm>>
        %dma_start3A_130 = tpu.memref_squeeze %dma_start3A_129 : memref<1x1024xf32, #tpu.memory_space<hbm>> -> memref<1024xf32, #tpu.memory_space<hbm>>
        %dma_start3A_131 = arith.constant 0 : i32
        %dma_start3A_132 = tpu.memref_slice %arg4[%add3A_124, %dma_start3A_131] : memref<32768x1024xf32, #tpu.memory_space<hbm>> -> memref<1x1024xf32, #tpu.memory_space<hbm>>
        %dma_start3A_133 = tpu.memref_squeeze %dma_start3A_132 : memref<1x1024xf32, #tpu.memory_space<hbm>> -> memref<1024xf32, #tpu.memory_space<hbm>>
        %dma_start3A_134 = arith.constant 0 : i32
        %dma_start3A_135 = tpu.memref_slice %arg5[%squeeze3A_119, %dma_start3A_134] : memref<16x1024xf32, #tpu.memory_space<vmem>> -> memref<1x1024xf32, #tpu.memory_space<vmem>>
        %dma_start3A_136 = tpu.memref_squeeze %dma_start3A_135 : memref<1x1024xf32, #tpu.memory_space<vmem>> -> memref<1024xf32, #tpu.memory_space<vmem>>
        tpu.enqueue_dma source(%dma_start3A_136 : memref<1024xf32, #tpu.memory_space<vmem>>) target(%dma_start3A_133 : memref<1024xf32, #tpu.memory_space<hbm>>) target_semaphore(%arg7 : memref<!tpu.dma_semaphore, #tpu.memory_space<semaphore_mem>>)
        %slice3A_137 = vector.extract_strided_slice %get3A_25 {offsets = [6], sizes = [1], strides = [1]} : vector<16xi32> to vector<1xi32>
        %squeeze3A_138 = vector.extract %slice3A_137[0] : i32 from vector<1xi32>
        %mul3A_139 = arith.constant 16 : i32
        %mul3A_140 = arith.muli %add3A_22, %mul3A_139 : i32
        %add3A_141 = arith.addi %add3A_8, %mul3A_140 : i32
        %add3A_142 = arith.constant 6 : i32
        %add3A_143 = arith.addi %add3A_141, %add3A_142 : i32
        %dma_start3A_144 = arith.constant 0 : i32
        %dma_start3A_145 = tpu.memref_slice %arg5[%squeeze3A_138, %dma_start3A_144] : memref<16x1024xf32, #tpu.memory_space<vmem>> -> memref<1x1024xf32, #tpu.memory_space<vmem>>
        %dma_start3A_146 = tpu.memref_squeeze %dma_start3A_145 : memref<1x1024xf32, #tpu.memory_space<vmem>> -> memref<1024xf32, #tpu.memory_space<vmem>>
        %dma_start3A_147 = arith.constant 0 : i32
        %dma_start3A_148 = tpu.memref_slice %arg4[%add3A_143, %dma_start3A_147] : memref<32768x1024xf32, #tpu.memory_space<hbm>> -> memref<1x1024xf32, #tpu.memory_space<hbm>>
        %dma_start3A_149 = tpu.memref_squeeze %dma_start3A_148 : memref<1x1024xf32, #tpu.memory_space<hbm>> -> memref<1024xf32, #tpu.memory_space<hbm>>
        %dma_start3A_150 = arith.constant 0 : i32
        %dma_start3A_151 = tpu.memref_slice %arg4[%add3A_143, %dma_start3A_150] : memref<32768x1024xf32, #tpu.memory_space<hbm>> -> memref<1x1024xf32, #tpu.memory_space<hbm>>
        %dma_start3A_152 = tpu.memref_squeeze %dma_start3A_151 : memref<1x1024xf32, #tpu.memory_space<hbm>> -> memref<1024xf32, #tpu.memory_space<hbm>>
        %dma_start3A_153 = arith.constant 0 : i32
        %dma_start3A_154 = tpu.memref_slice %arg5[%squeeze3A_138, %dma_start3A_153] : memref<16x1024xf32, #tpu.memory_space<vmem>> -> memref<1x1024xf32, #tpu.memory_space<vmem>>
        %dma_start3A_155 = tpu.memref_squeeze %dma_start3A_154 : memref<1x1024xf32, #tpu.memory_space<vmem>> -> memref<1024xf32, #tpu.memory_space<vmem>>
        tpu.enqueue_dma source(%dma_start3A_155 : memref<1024xf32, #tpu.memory_space<vmem>>) target(%dma_start3A_152 : memref<1024xf32, #tpu.memory_space<hbm>>) target_semaphore(%arg7 : memref<!tpu.dma_semaphore, #tpu.memory_space<semaphore_mem>>)
        %slice3A_156 = vector.extract_strided_slice %get3A_25 {offsets = [7], sizes = [1], strides = [1]} : vector<16xi32> to vector<1xi32>
        %squeeze3A_157 = vector.extract %slice3A_156[0] : i32 from vector<1xi32>
        %mul3A_158 = arith.constant 16 : i32
        %mul3A_159 = arith.muli %add3A_22, %mul3A_158 : i32
        %add3A_160 = arith.addi %add3A_8, %mul3A_159 : i32
        %add3A_161 = arith.constant 7 : i32
        %add3A_162 = arith.addi %add3A_160, %add3A_161 : i32
        %dma_start3A_163 = arith.constant 0 : i32
        %dma_start3A_164 = tpu.memref_slice %arg5[%squeeze3A_157, %dma_start3A_163] : memref<16x1024xf32, #tpu.memory_space<vmem>> -> memref<1x1024xf32, #tpu.memory_space<vmem>>
        %dma_start3A_165 = tpu.memref_squeeze %dma_start3A_164 : memref<1x1024xf32, #tpu.memory_space<vmem>> -> memref<1024xf32, #tpu.memory_space<vmem>>
        %dma_start3A_166 = arith.constant 0 : i32
        %dma_start3A_167 = tpu.memref_slice %arg4[%add3A_162, %dma_start3A_166] : memref<32768x1024xf32, #tpu.memory_space<hbm>> -> memref<1x1024xf32, #tpu.memory_space<hbm>>
        %dma_start3A_168 = tpu.memref_squeeze %dma_start3A_167 : memref<1x1024xf32, #tpu.memory_space<hbm>> -> memref<1024xf32, #tpu.memory_space<hbm>>
        %dma_start3A_169 = arith.constant 0 : i32
        %dma_start3A_170 = tpu.memref_slice %arg4[%add3A_162, %dma_start3A_169] : memref<32768x1024xf32, #tpu.memory_space<hbm>> -> memref<1x1024xf32, #tpu.memory_space<hbm>>
        %dma_start3A_171 = tpu.memref_squeeze %dma_start3A_170 : memref<1x1024xf32, #tpu.memory_space<hbm>> -> memref<1024xf32, #tpu.memory_space<hbm>>
        %dma_start3A_172 = arith.constant 0 : i32
        %dma_start3A_173 = tpu.memref_slice %arg5[%squeeze3A_157, %dma_start3A_172] : memref<16x1024xf32, #tpu.memory_space<vmem>> -> memref<1x1024xf32, #tpu.memory_space<vmem>>
        %dma_start3A_174 = tpu.memref_squeeze %dma_start3A_173 : memref<1x1024xf32, #tpu.memory_space<vmem>> -> memref<1024xf32, #tpu.memory_space<vmem>>
        tpu.enqueue_dma source(%dma_start3A_174 : memref<1024xf32, #tpu.memory_space<vmem>>) target(%dma_start3A_171 : memref<1024xf32, #tpu.memory_space<hbm>>) target_semaphore(%arg7 : memref<!tpu.dma_semaphore, #tpu.memory_space<semaphore_mem>>)
        %slice3A_175 = vector.extract_strided_slice %get3A_25 {offsets = [8], sizes = [1], strides = [1]} : vector<16xi32> to vector<1xi32>
        %squeeze3A_176 = vector.extract %slice3A_175[0] : i32 from vector<1xi32>
        %mul3A_177 = arith.constant 16 : i32
        %mul3A_178 = arith.muli %add3A_22, %mul3A_177 : i32
        %add3A_179 = arith.addi %add3A_8, %mul3A_178 : i32
        %add3A_180 = arith.constant 8 : i32
        %add3A_181 = arith.addi %add3A_179, %add3A_180 : i32
        %dma_start3A_182 = arith.constant 0 : i32
        %dma_start3A_183 = tpu.memref_slice %arg5[%squeeze3A_176, %dma_start3A_182] : memref<16x1024xf32, #tpu.memory_space<vmem>> -> memref<1x1024xf32, #tpu.memory_space<vmem>>
        %dma_start3A_184 = tpu.memref_squeeze %dma_start3A_183 : memref<1x1024xf32, #tpu.memory_space<vmem>> -> memref<1024xf32, #tpu.memory_space<vmem>>
        %dma_start3A_185 = arith.constant 0 : i32
        %dma_start3A_186 = tpu.memref_slice %arg4[%add3A_181, %dma_start3A_185] : memref<32768x1024xf32, #tpu.memory_space<hbm>> -> memref<1x1024xf32, #tpu.memory_space<hbm>>
        %dma_start3A_187 = tpu.memref_squeeze %dma_start3A_186 : memref<1x1024xf32, #tpu.memory_space<hbm>> -> memref<1024xf32, #tpu.memory_space<hbm>>
        %dma_start3A_188 = arith.constant 0 : i32
        %dma_start3A_189 = tpu.memref_slice %arg4[%add3A_181, %dma_start3A_188] : memref<32768x1024xf32, #tpu.memory_space<hbm>> -> memref<1x1024xf32, #tpu.memory_space<hbm>>
        %dma_start3A_190 = tpu.memref_squeeze %dma_start3A_189 : memref<1x1024xf32, #tpu.memory_space<hbm>> -> memref<1024xf32, #tpu.memory_space<hbm>>
        %dma_start3A_191 = arith.constant 0 : i32
        %dma_start3A_192 = tpu.memref_slice %arg5[%squeeze3A_176, %dma_start3A_191] : memref<16x1024xf32, #tpu.memory_space<vmem>> -> memref<1x1024xf32, #tpu.memory_space<vmem>>
        %dma_start3A_193 = tpu.memref_squeeze %dma_start3A_192 : memref<1x1024xf32, #tpu.memory_space<vmem>> -> memref<1024xf32, #tpu.memory_space<vmem>>
        tpu.enqueue_dma source(%dma_start3A_193 : memref<1024xf32, #tpu.memory_space<vmem>>) target(%dma_start3A_190 : memref<1024xf32, #tpu.memory_space<hbm>>) target_semaphore(%arg7 : memref<!tpu.dma_semaphore, #tpu.memory_space<semaphore_mem>>)
        %slice3A_194 = vector.extract_strided_slice %get3A_25 {offsets = [9], sizes = [1], strides = [1]} : vector<16xi32> to vector<1xi32>
        %squeeze3A_195 = vector.extract %slice3A_194[0] : i32 from vector<1xi32>
        %mul3A_196 = arith.constant 16 : i32
        %mul3A_197 = arith.muli %add3A_22, %mul3A_196 : i32
        %add3A_198 = arith.addi %add3A_8, %mul3A_197 : i32
        %add3A_199 = arith.constant 9 : i32
        %add3A_200 = arith.addi %add3A_198, %add3A_199 : i32
        %dma_start3A_201 = arith.constant 0 : i32
        %dma_start3A_202 = tpu.memref_slice %arg5[%squeeze3A_195, %dma_start3A_201] : memref<16x1024xf32, #tpu.memory_space<vmem>> -> memref<1x1024xf32, #tpu.memory_space<vmem>>
        %dma_start3A_203 = tpu.memref_squeeze %dma_start3A_202 : memref<1x1024xf32, #tpu.memory_space<vmem>> -> memref<1024xf32, #tpu.memory_space<vmem>>
        %dma_start3A_204 = arith.constant 0 : i32
        %dma_start3A_205 = tpu.memref_slice %arg4[%add3A_200, %dma_start3A_204] : memref<32768x1024xf32, #tpu.memory_space<hbm>> -> memref<1x1024xf32, #tpu.memory_space<hbm>>
        %dma_start3A_206 = tpu.memref_squeeze %dma_start3A_205 : memref<1x1024xf32, #tpu.memory_space<hbm>> -> memref<1024xf32, #tpu.memory_space<hbm>>
        %dma_start3A_207 = arith.constant 0 : i32
        %dma_start3A_208 = tpu.memref_slice %arg4[%add3A_200, %dma_start3A_207] : memref<32768x1024xf32, #tpu.memory_space<hbm>> -> memref<1x1024xf32, #tpu.memory_space<hbm>>
        %dma_start3A_209 = tpu.memref_squeeze %dma_start3A_208 : memref<1x1024xf32, #tpu.memory_space<hbm>> -> memref<1024xf32, #tpu.memory_space<hbm>>
        %dma_start3A_210 = arith.constant 0 : i32
        %dma_start3A_211 = tpu.memref_slice %arg5[%squeeze3A_195, %dma_start3A_210] : memref<16x1024xf32, #tpu.memory_space<vmem>> -> memref<1x1024xf32, #tpu.memory_space<vmem>>
        %dma_start3A_212 = tpu.memref_squeeze %dma_start3A_211 : memref<1x1024xf32, #tpu.memory_space<vmem>> -> memref<1024xf32, #tpu.memory_space<vmem>>
        tpu.enqueue_dma source(%dma_start3A_212 : memref<1024xf32, #tpu.memory_space<vmem>>) target(%dma_start3A_209 : memref<1024xf32, #tpu.memory_space<hbm>>) target_semaphore(%arg7 : memref<!tpu.dma_semaphore, #tpu.memory_space<semaphore_mem>>)
        %slice3A_213 = vector.extract_strided_slice %get3A_25 {offsets = [10], sizes = [1], strides = [1]} : vector<16xi32> to vector<1xi32>
        %squeeze3A_214 = vector.extract %slice3A_213[0] : i32 from vector<1xi32>
        %mul3A_215 = arith.constant 16 : i32
        %mul3A_216 = arith.muli %add3A_22, %mul3A_215 : i32
        %add3A_217 = arith.addi %add3A_8, %mul3A_216 : i32
        %add3A_218 = arith.constant 10 : i32
        %add3A_219 = arith.addi %add3A_217, %add3A_218 : i32
        %dma_start3A_220 = arith.constant 0 : i32
        %dma_start3A_221 = tpu.memref_slice %arg5[%squeeze3A_214, %dma_start3A_220] : memref<16x1024xf32, #tpu.memory_space<vmem>> -> memref<1x1024xf32, #tpu.memory_space<vmem>>
        %dma_start3A_222 = tpu.memref_squeeze %dma_start3A_221 : memref<1x1024xf32, #tpu.memory_space<vmem>> -> memref<1024xf32, #tpu.memory_space<vmem>>
        %dma_start3A_223 = arith.constant 0 : i32
        %dma_start3A_224 = tpu.memref_slice %arg4[%add3A_219, %dma_start3A_223] : memref<32768x1024xf32, #tpu.memory_space<hbm>> -> memref<1x1024xf32, #tpu.memory_space<hbm>>
        %dma_start3A_225 = tpu.memref_squeeze %dma_start3A_224 : memref<1x1024xf32, #tpu.memory_space<hbm>> -> memref<1024xf32, #tpu.memory_space<hbm>>
        %dma_start3A_226 = arith.constant 0 : i32
        %dma_start3A_227 = tpu.memref_slice %arg4[%add3A_219, %dma_start3A_226] : memref<32768x1024xf32, #tpu.memory_space<hbm>> -> memref<1x1024xf32, #tpu.memory_space<hbm>>
        %dma_start3A_228 = tpu.memref_squeeze %dma_start3A_227 : memref<1x1024xf32, #tpu.memory_space<hbm>> -> memref<1024xf32, #tpu.memory_space<hbm>>
        %dma_start3A_229 = arith.constant 0 : i32
        %dma_start3A_230 = tpu.memref_slice %arg5[%squeeze3A_214, %dma_start3A_229] : memref<16x1024xf32, #tpu.memory_space<vmem>> -> memref<1x1024xf32, #tpu.memory_space<vmem>>
        %dma_start3A_231 = tpu.memref_squeeze %dma_start3A_230 : memref<1x1024xf32, #tpu.memory_space<vmem>> -> memref<1024xf32, #tpu.memory_space<vmem>>
        tpu.enqueue_dma source(%dma_start3A_231 : memref<1024xf32, #tpu.memory_space<vmem>>) target(%dma_start3A_228 : memref<1024xf32, #tpu.memory_space<hbm>>) target_semaphore(%arg7 : memref<!tpu.dma_semaphore, #tpu.memory_space<semaphore_mem>>)
        %slice3A_232 = vector.extract_strided_slice %get3A_25 {offsets = [11], sizes = [1], strides = [1]} : vector<16xi32> to vector<1xi32>
        %squeeze3A_233 = vector.extract %slice3A_232[0] : i32 from vector<1xi32>
        %mul3A_234 = arith.constant 16 : i32
        %mul3A_235 = arith.muli %add3A_22, %mul3A_234 : i32
        %add3A_236 = arith.addi %add3A_8, %mul3A_235 : i32
        %add3A_237 = arith.constant 11 : i32
        %add3A_238 = arith.addi %add3A_236, %add3A_237 : i32
        %dma_start3A_239 = arith.constant 0 : i32
        %dma_start3A_240 = tpu.memref_slice %arg5[%squeeze3A_233, %dma_start3A_239] : memref<16x1024xf32, #tpu.memory_space<vmem>> -> memref<1x1024xf32, #tpu.memory_space<vmem>>
        %dma_start3A_241 = tpu.memref_squeeze %dma_start3A_240 : memref<1x1024xf32, #tpu.memory_space<vmem>> -> memref<1024xf32, #tpu.memory_space<vmem>>
        %dma_start3A_242 = arith.constant 0 : i32
        %dma_start3A_243 = tpu.memref_slice %arg4[%add3A_238, %dma_start3A_242] : memref<32768x1024xf32, #tpu.memory_space<hbm>> -> memref<1x1024xf32, #tpu.memory_space<hbm>>
        %dma_start3A_244 = tpu.memref_squeeze %dma_start3A_243 : memref<1x1024xf32, #tpu.memory_space<hbm>> -> memref<1024xf32, #tpu.memory_space<hbm>>
        %dma_start3A_245 = arith.constant 0 : i32
        %dma_start3A_246 = tpu.memref_slice %arg4[%add3A_238, %dma_start3A_245] : memref<32768x1024xf32, #tpu.memory_space<hbm>> -> memref<1x1024xf32, #tpu.memory_space<hbm>>
        %dma_start3A_247 = tpu.memref_squeeze %dma_start3A_246 : memref<1x1024xf32, #tpu.memory_space<hbm>> -> memref<1024xf32, #tpu.memory_space<hbm>>
        %dma_start3A_248 = arith.constant 0 : i32
        %dma_start3A_249 = tpu.memref_slice %arg5[%squeeze3A_233, %dma_start3A_248] : memref<16x1024xf32, #tpu.memory_space<vmem>> -> memref<1x1024xf32, #tpu.memory_space<vmem>>
        %dma_start3A_250 = tpu.memref_squeeze %dma_start3A_249 : memref<1x1024xf32, #tpu.memory_space<vmem>> -> memref<1024xf32, #tpu.memory_space<vmem>>
        tpu.enqueue_dma source(%dma_start3A_250 : memref<1024xf32, #tpu.memory_space<vmem>>) target(%dma_start3A_247 : memref<1024xf32, #tpu.memory_space<hbm>>) target_semaphore(%arg7 : memref<!tpu.dma_semaphore, #tpu.memory_space<semaphore_mem>>)
        %slice3A_251 = vector.extract_strided_slice %get3A_25 {offsets = [12], sizes = [1], strides = [1]} : vector<16xi32> to vector<1xi32>
        %squeeze3A_252 = vector.extract %slice3A_251[0] : i32 from vector<1xi32>
        %mul3A_253 = arith.constant 16 : i32
        %mul3A_254 = arith.muli %add3A_22, %mul3A_253 : i32
        %add3A_255 = arith.addi %add3A_8, %mul3A_254 : i32
        %add3A_256 = arith.constant 12 : i32
        %add3A_257 = arith.addi %add3A_255, %add3A_256 : i32
        %dma_start3A_258 = arith.constant 0 : i32
        %dma_start3A_259 = tpu.memref_slice %arg5[%squeeze3A_252, %dma_start3A_258] : memref<16x1024xf32, #tpu.memory_space<vmem>> -> memref<1x1024xf32, #tpu.memory_space<vmem>>
        %dma_start3A_260 = tpu.memref_squeeze %dma_start3A_259 : memref<1x1024xf32, #tpu.memory_space<vmem>> -> memref<1024xf32, #tpu.memory_space<vmem>>
        %dma_start3A_261 = arith.constant 0 : i32
        %dma_start3A_262 = tpu.memref_slice %arg4[%add3A_257, %dma_start3A_261] : memref<32768x1024xf32, #tpu.memory_space<hbm>> -> memref<1x1024xf32, #tpu.memory_space<hbm>>
        %dma_start3A_263 = tpu.memref_squeeze %dma_start3A_262 : memref<1x1024xf32, #tpu.memory_space<hbm>> -> memref<1024xf32, #tpu.memory_space<hbm>>
        %dma_start3A_264 = arith.constant 0 : i32
        %dma_start3A_265 = tpu.memref_slice %arg4[%add3A_257, %dma_start3A_264] : memref<32768x1024xf32, #tpu.memory_space<hbm>> -> memref<1x1024xf32, #tpu.memory_space<hbm>>
        %dma_start3A_266 = tpu.memref_squeeze %dma_start3A_265 : memref<1x1024xf32, #tpu.memory_space<hbm>> -> memref<1024xf32, #tpu.memory_space<hbm>>
        %dma_start3A_267 = arith.constant 0 : i32
        %dma_start3A_268 = tpu.memref_slice %arg5[%squeeze3A_252, %dma_start3A_267] : memref<16x1024xf32, #tpu.memory_space<vmem>> -> memref<1x1024xf32, #tpu.memory_space<vmem>>
        %dma_start3A_269 = tpu.memref_squeeze %dma_start3A_268 : memref<1x1024xf32, #tpu.memory_space<vmem>> -> memref<1024xf32, #tpu.memory_space<vmem>>
        tpu.enqueue_dma source(%dma_start3A_269 : memref<1024xf32, #tpu.memory_space<vmem>>) target(%dma_start3A_266 : memref<1024xf32, #tpu.memory_space<hbm>>) target_semaphore(%arg7 : memref<!tpu.dma_semaphore, #tpu.memory_space<semaphore_mem>>)
        %slice3A_270 = vector.extract_strided_slice %get3A_25 {offsets = [13], sizes = [1], strides = [1]} : vector<16xi32> to vector<1xi32>
        %squeeze3A_271 = vector.extract %slice3A_270[0] : i32 from vector<1xi32>
        %mul3A_272 = arith.constant 16 : i32
        %mul3A_273 = arith.muli %add3A_22, %mul3A_272 : i32
        %add3A_274 = arith.addi %add3A_8, %mul3A_273 : i32
        %add3A_275 = arith.constant 13 : i32
        %add3A_276 = arith.addi %add3A_274, %add3A_275 : i32
        %dma_start3A_277 = arith.constant 0 : i32
        %dma_start3A_278 = tpu.memref_slice %arg5[%squeeze3A_271, %dma_start3A_277] : memref<16x1024xf32, #tpu.memory_space<vmem>> -> memref<1x1024xf32, #tpu.memory_space<vmem>>
        %dma_start3A_279 = tpu.memref_squeeze %dma_start3A_278 : memref<1x1024xf32, #tpu.memory_space<vmem>> -> memref<1024xf32, #tpu.memory_space<vmem>>
        %dma_start3A_280 = arith.constant 0 : i32
        %dma_start3A_281 = tpu.memref_slice %arg4[%add3A_276, %dma_start3A_280] : memref<32768x1024xf32, #tpu.memory_space<hbm>> -> memref<1x1024xf32, #tpu.memory_space<hbm>>
        %dma_start3A_282 = tpu.memref_squeeze %dma_start3A_281 : memref<1x1024xf32, #tpu.memory_space<hbm>> -> memref<1024xf32, #tpu.memory_space<hbm>>
        %dma_start3A_283 = arith.constant 0 : i32
        %dma_start3A_284 = tpu.memref_slice %arg4[%add3A_276, %dma_start3A_283] : memref<32768x1024xf32, #tpu.memory_space<hbm>> -> memref<1x1024xf32, #tpu.memory_space<hbm>>
        %dma_start3A_285 = tpu.memref_squeeze %dma_start3A_284 : memref<1x1024xf32, #tpu.memory_space<hbm>> -> memref<1024xf32, #tpu.memory_space<hbm>>
        %dma_start3A_286 = arith.constant 0 : i32
        %dma_start3A_287 = tpu.memref_slice %arg5[%squeeze3A_271, %dma_start3A_286] : memref<16x1024xf32, #tpu.memory_space<vmem>> -> memref<1x1024xf32, #tpu.memory_space<vmem>>
        %dma_start3A_288 = tpu.memref_squeeze %dma_start3A_287 : memref<1x1024xf32, #tpu.memory_space<vmem>> -> memref<1024xf32, #tpu.memory_space<vmem>>
        tpu.enqueue_dma source(%dma_start3A_288 : memref<1024xf32, #tpu.memory_space<vmem>>) target(%dma_start3A_285 : memref<1024xf32, #tpu.memory_space<hbm>>) target_semaphore(%arg7 : memref<!tpu.dma_semaphore, #tpu.memory_space<semaphore_mem>>)
        %slice3A_289 = vector.extract_strided_slice %get3A_25 {offsets = [14], sizes = [1], strides = [1]} : vector<16xi32> to vector<1xi32>
        %squeeze3A_290 = vector.extract %slice3A_289[0] : i32 from vector<1xi32>
        %mul3A_291 = arith.constant 16 : i32
        %mul3A_292 = arith.muli %add3A_22, %mul3A_291 : i32
        %add3A_293 = arith.addi %add3A_8, %mul3A_292 : i32
        %add3A_294 = arith.constant 14 : i32
        %add3A_295 = arith.addi %add3A_293, %add3A_294 : i32
        %dma_start3A_296 = arith.constant 0 : i32
        %dma_start3A_297 = tpu.memref_slice %arg5[%squeeze3A_290, %dma_start3A_296] : memref<16x1024xf32, #tpu.memory_space<vmem>> -> memref<1x1024xf32, #tpu.memory_space<vmem>>
        %dma_start3A_298 = tpu.memref_squeeze %dma_start3A_297 : memref<1x1024xf32, #tpu.memory_space<vmem>> -> memref<1024xf32, #tpu.memory_space<vmem>>
        %dma_start3A_299 = arith.constant 0 : i32
        %dma_start3A_300 = tpu.memref_slice %arg4[%add3A_295, %dma_start3A_299] : memref<32768x1024xf32, #tpu.memory_space<hbm>> -> memref<1x1024xf32, #tpu.memory_space<hbm>>
        %dma_start3A_301 = tpu.memref_squeeze %dma_start3A_300 : memref<1x1024xf32, #tpu.memory_space<hbm>> -> memref<1024xf32, #tpu.memory_space<hbm>>
        %dma_start3A_302 = arith.constant 0 : i32
        %dma_start3A_303 = tpu.memref_slice %arg4[%add3A_295, %dma_start3A_302] : memref<32768x1024xf32, #tpu.memory_space<hbm>> -> memref<1x1024xf32, #tpu.memory_space<hbm>>
        %dma_start3A_304 = tpu.memref_squeeze %dma_start3A_303 : memref<1x1024xf32, #tpu.memory_space<hbm>> -> memref<1024xf32, #tpu.memory_space<hbm>>
        %dma_start3A_305 = arith.constant 0 : i32
        %dma_start3A_306 = tpu.memref_slice %arg5[%squeeze3A_290, %dma_start3A_305] : memref<16x1024xf32, #tpu.memory_space<vmem>> -> memref<1x1024xf32, #tpu.memory_space<vmem>>
        %dma_start3A_307 = tpu.memref_squeeze %dma_start3A_306 : memref<1x1024xf32, #tpu.memory_space<vmem>> -> memref<1024xf32, #tpu.memory_space<vmem>>
        tpu.enqueue_dma source(%dma_start3A_307 : memref<1024xf32, #tpu.memory_space<vmem>>) target(%dma_start3A_304 : memref<1024xf32, #tpu.memory_space<hbm>>) target_semaphore(%arg7 : memref<!tpu.dma_semaphore, #tpu.memory_space<semaphore_mem>>)
        %slice3A_308 = vector.extract_strided_slice %get3A_25 {offsets = [15], sizes = [1], strides = [1]} : vector<16xi32> to vector<1xi32>
        %squeeze3A_309 = vector.extract %slice3A_308[0] : i32 from vector<1xi32>
        %mul3A_310 = arith.constant 16 : i32
        %mul3A_311 = arith.muli %add3A_22, %mul3A_310 : i32
        %add3A_312 = arith.addi %add3A_8, %mul3A_311 : i32
        %add3A_313 = arith.constant 15 : i32
        %add3A_314 = arith.addi %add3A_312, %add3A_313 : i32
        %dma_start3A_315 = arith.constant 0 : i32
        %dma_start3A_316 = tpu.memref_slice %arg5[%squeeze3A_309, %dma_start3A_315] : memref<16x1024xf32, #tpu.memory_space<vmem>> -> memref<1x1024xf32, #tpu.memory_space<vmem>>
        %dma_start3A_317 = tpu.memref_squeeze %dma_start3A_316 : memref<1x1024xf32, #tpu.memory_space<vmem>> -> memref<1024xf32, #tpu.memory_space<vmem>>
        %dma_start3A_318 = arith.constant 0 : i32
        %dma_start3A_319 = tpu.memref_slice %arg4[%add3A_314, %dma_start3A_318] : memref<32768x1024xf32, #tpu.memory_space<hbm>> -> memref<1x1024xf32, #tpu.memory_space<hbm>>
        %dma_start3A_320 = tpu.memref_squeeze %dma_start3A_319 : memref<1x1024xf32, #tpu.memory_space<hbm>> -> memref<1024xf32, #tpu.memory_space<hbm>>
        %dma_start3A_321 = arith.constant 0 : i32
        %dma_start3A_322 = tpu.memref_slice %arg4[%add3A_314, %dma_start3A_321] : memref<32768x1024xf32, #tpu.memory_space<hbm>> -> memref<1x1024xf32, #tpu.memory_space<hbm>>
        %dma_start3A_323 = tpu.memref_squeeze %dma_start3A_322 : memref<1x1024xf32, #tpu.memory_space<hbm>> -> memref<1024xf32, #tpu.memory_space<hbm>>
        %dma_start3A_324 = arith.constant 0 : i32
        %dma_start3A_325 = tpu.memref_slice %arg5[%squeeze3A_309, %dma_start3A_324] : memref<16x1024xf32, #tpu.memory_space<vmem>> -> memref<1x1024xf32, #tpu.memory_space<vmem>>
        %dma_start3A_326 = tpu.memref_squeeze %dma_start3A_325 : memref<1x1024xf32, #tpu.memory_space<vmem>> -> memref<1024xf32, #tpu.memory_space<vmem>>
        tpu.enqueue_dma source(%dma_start3A_326 : memref<1024xf32, #tpu.memory_space<vmem>>) target(%dma_start3A_323 : memref<1024xf32, #tpu.memory_space<hbm>>) target_semaphore(%arg7 : memref<!tpu.dma_semaphore, #tpu.memory_space<semaphore_mem>>)
      }
      %scan3A_12 = arith.constant 66 : i32
      %scan3A_13 = arith.constant 0 : i32
      %scan3A_14 = arith.constant 1056 : i32
      %scan3A_15 = arith.addi %scan3A_13, %scan3A_14 : i32
      %scan3A_16 = arith.constant 1 : i32
      scf.for %scan3A_18 = %scan3A_13 to %scan3A_15 step %scan3A_16  : i32 {
        %mul3A_19 = arith.constant 1 : i32
        %mul3A_20 = arith.muli %scan3A_18, %mul3A_19 : i32
        %add3A_21 = arith.constant 0 : i32
        %add3A_22 = arith.addi %add3A_21, %mul3A_20 : i32
        %dma_wait3A = arith.constant 0 : i32
        %dma_wait3A_23 = arith.constant 0 : i32
        %dma_wait3A_24 = arith.constant 0 : i32
        %dma_wait3A_25 = tpu.memref_slice %arg5[%dma_wait3A_23, %dma_wait3A_24] : memref<16x1024xf32, #tpu.memory_space<vmem>> -> memref<1x1024xf32, #tpu.memory_space<vmem>>
        %dma_wait3A_26 = tpu.memref_squeeze %dma_wait3A_25 : memref<1x1024xf32, #tpu.memory_space<vmem>> -> memref<1024xf32, #tpu.memory_space<vmem>>
        %dma_wait3A_27 = arith.constant 0 : i32
        %dma_wait3A_28 = tpu.memref_slice %arg4[%dma_wait3A, %dma_wait3A_27] : memref<32768x1024xf32, #tpu.memory_space<hbm>> -> memref<1x1024xf32, #tpu.memory_space<hbm>>
        %dma_wait3A_29 = tpu.memref_squeeze %dma_wait3A_28 : memref<1x1024xf32, #tpu.memory_space<hbm>> -> memref<1024xf32, #tpu.memory_space<hbm>>
        %dma_wait3A_30 = arith.constant 0 : i32
        %dma_wait3A_31 = tpu.memref_slice %arg5[%dma_wait3A_23, %dma_wait3A_30] : memref<16x1024xf32, #tpu.memory_space<vmem>> -> memref<1x1024xf32, #tpu.memory_space<vmem>>
        %dma_wait3A_32 = tpu.memref_squeeze %dma_wait3A_31 : memref<1x1024xf32, #tpu.memory_space<vmem>> -> memref<1024xf32, #tpu.memory_space<vmem>>
        %dma_wait3A_33 = arith.constant 0 : i32
        %dma_wait3A_34 = tpu.memref_slice %arg4[%dma_wait3A, %dma_wait3A_33] : memref<32768x1024xf32, #tpu.memory_space<hbm>> -> memref<1x1024xf32, #tpu.memory_space<hbm>>
        %dma_wait3A_35 = tpu.memref_squeeze %dma_wait3A_34 : memref<1x1024xf32, #tpu.memory_space<hbm>> -> memref<1024xf32, #tpu.memory_space<hbm>>
        tpu.wait_dma2 semaphore(%arg7 : memref<!tpu.dma_semaphore, #tpu.memory_space<semaphore_mem>>) src(%dma_wait3A_35 : memref<1024xf32, #tpu.memory_space<hbm>>) dst(%dma_wait3A_32 : memref<1024xf32, #tpu.memory_space<vmem>>)
      }
      %scan3A_17 = arith.constant 1056 : i32
    } else {
    }
    return
  }
}

</mosaic_0001>

<sc_bundles>
// kernel: kernel.3.cloned.1.call-start
scs
__scs_entry_jumppad:
0x0: {  	(pc) =	sbr.rel $0x88, $3  }
0x1: {  	(tag) =	ssettag $0x0;
	lr =	simm.s32 $0x1  }
0x2: {  	[smem:$0x3F9F] =	sst lr;
	_ =	strace $0xD0000000  }
0x3: {  	_ = 	snop  }
0x4: {  	_ = 	snop  }
0x5: {  	_ = 	snop  }
0x6: {  	_ = 	snop  }
0x7: {  	_ = 	snop  }
__scs_overlays_trampoline_lowered:
0x8: {  	[smem:$0x3FAE] =	sst s0  }
0x9: {  	[smem:$0x3FAF] =	sst s1  }
0xa: {  	[smem:$0x3FB0] =	sst s2  }
0xb: {  	[smem:$0x3FB1] =	sst s3  }
0xc: {  	[smem:$0x3FB2] =	sst s4  }
0xd: {  	[smem:$0x3FB3] =	sst s5  }
0xe: {  	[smem:$0x3FB4] =	sst s6  }
0xf: {  	[smem:$0x3FB5] =	sst s7  }
0x10: {  	[smem:$0x3FB6] =	sst s8  }
0x11: {  	[smem:$0x3FB7] =	sst s9;
	s0 =	simm.s32 @!p0 $0x0  }
0x12: {  	s1 =	sld [smem:$0x3F9D];
	s0 =	simm.s32 @p0 $0x1  }
0x13: {  	[smem:$0x3FB8] =	sst s0;
	s0 =	simm.s32 @!p1 $0x0  }
0x14: {  	s2 =	sld [smem:$0x3F9C];
	s0 =	simm.s32 @p1 $0x1  }
0x15: {  	[smem:$0x3FB9] =	sst s0;
	s0 =	simm.s32 @!p2 $0x0  }
0x16: {  	s3 =	sld [smem:$0x3FDB];
	s0 =	simm.s32 @p2 $0x1  }
0x17: {  	s4 =	simm.s32 $0x1BF5;
	[smem:$0x3FBB] =	sst s0  }
0x18: {  	s0 =	sld [smem:$0x3F9E];
	_ =	swait.ge [sflag:s4], $0x0  }
0x19: {  	s7 =	sld [smem:$0x3F9F]  }
0x1a: {  	s8 =	sadd.s32 $0xFFFFE003, lr  }
0x1b: {  	s9 =	sadd.s32 $0xFFFFFEF7, lr;
	s5 =	simm.s32 $0xFFFFFFFF;
	p2 =	slt.u32 s8, $0xFFFFF086  }
0x1c: {  	p1 =	slt.u32 s9, $0xF7A;
	s5 =	simm.s32 @!p2 $0x0  }
0x1d: {  	s5 =	simm.s32 @p1 $0x1;
	p0 =	seq.s32 s7, s2  }
0x1e: {  	s7 =	smul.u32 @!p0 $0xF7A, s2;
	p2 =	seq.s32 @!p0 s5, $0x0  }
0x1f: {  	s9 =	smul.u32 $0xF7A, s1;
	s8 =	simm.s32 @!p0 $0x1BF5;
	p2 =	por !p2, p0  }
0x20: {  	[sflag:s8] =	ssyncset.s32 @!p0 $0xFFFFF086;
	s6 =	sadd.s32 @!p0 s3, s7;
	s7 =	simm.s32 @!p0 $0x108  }
0x21: {  	s3 =	sadd.s32 s3, s9;
	s6 =	sadd.s32 @!p0 $0x88, s6;
	s7 =	simm.s32 @p2 $0x1082  }
0x22: {  	[simem:s7], [sflag:s8] =	dma.local @!p0 [hbm:s6], $0xF7A  }
0x23: {  	s9 =	sor.u32 $0xD0000000, s2;
	s6 =	simm.s32 $0x108;
	_ =	swait.ge @!p0 [sflag:s8], $0x0  }
0x24: {  	s3 =	sadd.s32 $0x88, s3;
	s6 =	simm.s32 @!p1 $0x1082;
	[sflag:s4] =	ssyncset.s32 $0xFFFFF086  }
0x25: {  	[simem:s6], [sflag:s4] =	dma.local [hbm:s3], $0xF7A  }
0x26: {  	[smem:$0x3F9F] =	sst s1;
	(tag) =	ssettag s2;
	_ =	strace s9  }
0x27: {  	s1 =	sld [smem:$0x3FAF]  }
0x28: {  	s2 =	sld [smem:$0x3FB0]  }
0x29: {  	s4 =	sld [smem:$0x3FB2]  }
0x2a: {  	p0 =	seq.s32 s5, $0x0;
	s5 =	sld [smem:$0x3FB3]  }
0x2b: {  	s6 =	sld [smem:$0x3FB4]  }
0x2c: {  	s7 =	sld [smem:$0x3FB5]  }
0x2d: {  	s3 =	simm.s32 $0x108;
	s8 =	sld [smem:$0x3FB6]  }
0x2e: {  	s3 =	simm.s32 @!p0 $0x1082;
	s9 =	sld [smem:$0x3FB7]  }
0x2f: {  	lr =	sadd.s32 s0, s3;
	s0 =	sld [smem:$0x3FAE]  }
0x30: {  	s3 =	sld [smem:$0x3FB1]  }
0x31: {  	[smem:$0x3FBA] =	sst s10  }
0x32: {  	s10 =	sld [smem:$0x3FB8];
	_ =	sdelay $0x3  }
0x33: {  	p0 =	seq.s32 s10, $0x1;
	s10 =	sld [smem:$0x3FBA];
	_ =	sdelay $0x3  }
0x34: {  	[smem:$0x3FBA] =	sst s10  }
0x35: {  	s10 =	sld [smem:$0x3FB9];
	_ =	sdelay $0x3  }
0x36: {  	p1 =	seq.s32 s10, $0x1;
	s10 =	sld [smem:$0x3FBA];
	_ =	sdelay $0x3  }
0x37: {  	[smem:$0x3FBA] =	sst s10  }
0x38: {  	s10 =	sld [smem:$0x3FBB]  }
0x39: {  	_ = 	snop;
	(pc) =	sbr.ind lr, $3  }
0x3a: {  	_ = 	snop  }
0x3b: {  	_ = 	snop  }
0x3c: {  	p2 =	seq.s32 s10, $0x1;
	s10 =	sld [smem:$0x3FBA]  }
0x3d: {  	_ =	shalt  }
0x3e: {  	_ =	shalt  }
0x3f: {  	_ =	shalt  }
0x40: {  	_ =	shalt  }
0x41: {  	_ =	shalt  }
0x42: {  	_ =	shalt  }
0x43: {  	_ =	shalt  }
0x44: {  	_ =	shalt  }
0x45: {  	_ =	shalt  }
0x46: {  	_ =	shalt  }
0x47: {  	_ =	shalt  }
0x48: {  	_ =	shalt  }
0x49: {  	_ =	shalt  }
0x4a: {  	_ =	shalt  }
0x4b: {  	_ =	shalt  }
0x4c: {  	_ =	shalt  }
0x4d: {  	_ =	shalt  }
0x4e: {  	_ =	shalt  }
0x4f: {  	_ =	shalt  }
0x50: {  	_ =	shalt  }
0x51: {  	_ =	shalt  }
0x52: {  	_ =	shalt  }
0x53: {  	_ =	shalt  }
0x54: {  	_ =	shalt  }
0x55: {  	_ =	shalt  }
0x56: {  	_ =	shalt  }
0x57: {  	_ =	shalt  }
0x58: {  	_ =	shalt  }
0x59: {  	_ =	shalt  }
0x5a: {  	_ =	shalt  }
0x5b: {  	_ =	shalt  }
0x5c: {  	_ =	shalt  }
0x5d: {  	_ =	shalt  }
0x5e: {  	_ =	shalt  }
0x5f: {  	_ =	shalt  }
0x60: {  	_ =	shalt  }
0x61: {  	_ =	shalt  }
0x62: {  	_ =	shalt  }
0x63: {  	_ =	shalt  }
0x64: {  	_ =	shalt  }
0x65: {  	_ =	shalt  }
0x66: {  	_ =	shalt  }
0x67: {  	_ =	shalt  }
0x68: {  	_ =	shalt  }
0x69: {  	_ =	shalt  }
0x6a: {  	_ =	shalt  }
0x6b: {  	_ =	shalt  }
0x6c: {  	_ =	shalt  }
0x6d: {  	_ =	shalt  }
0x6e: {  	_ =	shalt  }
0x6f: {  	_ =	shalt  }
0x70: {  	_ =	shalt  }
0x71: {  	_ =	shalt  }
0x72: {  	_ =	shalt  }
0x73: {  	_ =	shalt  }
0x74: {  	_ =	shalt  }
0x75: {  	_ =	shalt  }
0x76: {  	_ =	shalt  }
0x77: {  	_ =	shalt  }
0x78: {  	_ =	shalt  }
0x79: {  	_ =	shalt  }
0x7a: {  	_ =	shalt  }
0x7b: {  	_ =	shalt  }
0x7c: {  	_ =	shalt  }
0x7d: {  	_ =	shalt  }
0x7e: {  	_ =	shalt  }
0x7f: {  	_ =	shalt  }
0x80: {  	_ =	shalt  }
0x81: {  	_ =	shalt  }
0x82: {  	_ =	shalt  }
0x83: {  	_ =	shalt  }
0x84: {  	_ =	shalt  }
0x85: {  	_ =	shalt  }
0x86: {  	_ =	shalt  }
0x87: {  	_ =	shalt  }
.Lfunc_end0:
.L_simem_size_0:
called_computation_lowered:
.L_overlay_start_0:
0x88: {  	s2 =	sld [smem:$0x3FD9]  }
0x89: {  	s3 =	sld [smem:$0x3FFE];
	_ =	sdelay $0x1  }
0x8a: {  	s1 =	srdreg.scid  }
0x8b: {  	s0 =	sand.u32 $0x1, s1  }
0x8c: {  	s17 =	sshll.u32 s0, $0xA;
	s2 =	sadd.s32 s3, s2  }
0x8d: {  	s2 =	sadd.s32 s2, s17  }
0x8e: {  	[smem:$0x3FC6] =	sst s2  }
0x8f: {  	_ = 	snop  }
0x90: {  	s2 =	sld [smem:$0x3FC8]  }
0x91: {  	s18 =	sld [smem:$0x3FD0];
	(tm) =	ssettm $0x1  }
0x92: {  	s4 =	sld [smem:$0x3FFB];
	_ =	sdelay $0x3  }
0x93: {  	_ =	strace s4  }
0x94: {  	s4 =	sld [smem:$0x3FFC];
	_ =	sdelay $0x3  }
0x95: {  	_ =	strace s4  }
0x96: {  	s4 =	sld [smem:$0x3FFD];
	_ =	sdelay $0x3  }
0x97: {  	_ =	strace s4  }
0x98: {  	_ =	strace $0x8FFFFFFF  }
0x99: {  	s19 =	sld [smem:$0x3FDB];
	_ =	sdelay $0x1  }
0x9a: {  	s5 =	simm.s32 $_scs_section_size  }
0x9b: {  	s6 =	simm.s32 $_size__tile_overlayer_lowered;
	s7 =	simm.s32 $_tile_overlayer_lowered  }
0x9c: {  	s22 =	simm.s32 $0x1BFF;
	s21 =	sshll.u32 s7, $0x1;
	s4 =	sadd.s32 s5, s19  }
0x9d: {  	s8 =	simm.s32 $0x0;
	s20 =	sshll.u32 s6, $0x1;
	s6 =	sadd.s32 s21, s4  }
0x9e: {  	[timem:s8], [sflag:s22] =	dma.local [hbm:s6], s20  }
0x9f: {  	_ =	swait.ge [sflag:s22], s20  }
0xa0: {  	s5 =	ssub.s32 $0x0, s20;
	[sflag:s22] =	ssyncset.done $0x0  }
0xa1: {  	[sflag:s22] =	ssyncadd.s32 s5;
	_ =	sdelay $0x1  }
0xa2: {  	s23 =	simm.s32 $0x1B8B  }
0xa3: {  	_ =	swait.ge [sflag:s23], $0x1  }
0xa4: {  	[sflag:s23] =	ssyncset.done $0x0  }
0xa5: {  	s25 =	simm.s32 $0x1B8E;
	s24 =	sld [smem:$0x3FFE];
	[sflag:s23] =	ssyncadd.s32 $0xFFFFFFFF  }
0xa6: {  	s26 =	simm.s32 $execute0_lowered;
	[smem:$0x3FD2] =	sst s25  }
0xa7: {  	s6 =	sshll.u32 s26, $0x1;
	_ =	strace $0x80000046;
	[dreg:$0x1] =	wrdreg $0xFFFFFFFF  }
0xa8: {  	s28 =	simm.s32 $_size_execute0_lowered;
	s4 =	sadd.s32 s4, s6;
	[dreg:$0x0] =	wrdreg $0x0  }
0xa9: {  	s6 =	sshll.u32 s28, $0x1;
	[dreg:$0x2] =	wrdreg s4  }
0xaa: {  	[dreg:$0x3] =	wrdreg s6  }
0xab: {  	[dreg:$0x4] =	wrdreg $0xC0  }
0xac: {  	_ =	task [dreg:s8], $0x5FFFF  }
0xad: {  	[dreg:$0x1] =	wrdreg $0xFFFFFFFF  }
0xae: {  	[dreg:$0x0] =	wrdreg $0x60  }
0xaf: {  	[dreg:$0x2] =	wrdreg s2  }
0xb0: {  	[dreg:$0x3] =	wrdreg s24  }
0xb1: {  	[dreg:$0x4] =	wrdreg s18  }
0xb2: {  	[dreg:$0x5] =	wrdreg $0x9  }
0xb3: {  	_ =	task.clear_ibuf [dreg:s8], $0x6FFFF;
	_ =	strace $0x90000046  }
0xb4: {  	s29 =	simm.s32 $0x9;
	_ =	strace $0x80000048  }
0xb5: {  	_ =	swait.ge [sflag:s29], $0x1  }
0xb6: {  	[sflag:s29] =	ssyncadd.s32 $0xFFFFFFFF  }
0xb7: {  	_ =	strace $0x90000048  }
0xb8: {  	_ =	sfence  }
0xb9: {  	s30 =	sld [smem:$0x0];
	_ =	sdelay $0x2  }
0xba: {  	s31 =	sshll.u32 s1, $0xD;
	s1 =	sshrl.u32 s1, $0x2  }
0xbb: {  	s3 =	sand.u32 $0x4000, s31;
	s1 =	sadd.s32 s1, s30  }
0xbc: {  	s0 =	sor.u32 s3, s0;
	s1 =	sshll.u32 s1, $0x11  }
0xbd: {  	s0 =	sor.u32 s1, s0  }
0xbe: {  	s0 =	sadd.s32 $0x8F2B, s0  }
0xbf: {  	[sflag:s0] =	ssyncadd.remote.s32 $0x1  }
0xc0: {  	_ =	sfence.sel $0xFFFF  }
0xc1: {  	[dreg:$0x0] =	wrdreg $0xFFFFFFFF;
	(pc) =	sbr.abs _section_cstart, $3  }
0xc2: {  	[dreg:$0x1] =	wrdreg $0xFFFFFFFF  }
0xc3: {  	_ =	task.clear_ibuf [dreg:s8], $0x2FFFF;
	_ =	strace $0x9FFFFFFF  }
0xc4: {  	(tm) =	ssettm $0x7FFFFFFF  }
0xc5: {  	_ =	shalt  }
tec
execute0_lowered:
.L_overlay_start_1:
0x0: {  	(tag) =	ssettag $0x1  }
0x1: {  	s1 =	rddreg [dreg:$0x0]  }
0x2: {  	s4 =	rddreg [dreg:$0x1]  }
0x3: {  	s5 =	rddreg [dreg:$0x2];
	s2 =	stileid.u32  }
0x4: {  	s0 =	rddreg [dreg:$0x3];
	s8 =	smul.u32 $0x3E0, s2  }
0x5: {  	s6 =	srdreg.scid;
	s3 =	simm.s32 $0x0;
	s10 =	smul.u32 $0x420, s2  }
0x6: {  	s6 =	sand.u32 $0x1, s6;
	[smem:$0x7FF] =	sst s3;
	s26 =	smul.u32 $0x1F000, s2  }
0x7: {  	s11 =	sadd.s32 $0x400, s4;
	s29 =	smul.u32 $0x21000, s2;
	s7 =	ssub.s32 $0x2, s6  }
0x8: {  	_ =	strace $0x80000047;
	p0 =	seq.s32 s6, $0x1;
	s9 =	sshrl.u32 s7, $0x1  }
.Ltmp0:
0x9: {  	s28 =	sshrl.u32 s8, $0x3;
	s30 =	sshrl.u32 s10, $0x3;
	(pc) =	sbr.rel .LBB2_1-.Ltmp0, $4  }
0xa: {  	s31 =	sadd.s32 s29, s5;
	s7 =	ssub.s32 s7, s9;
	s4 =	sadd.s32 s11, s28  }
0xb: {  	s9 =	sadd.s32 s26, s5;
	s8 =	sadd.s32 s11, s30;
	[dreg:$0x5] =	wrdreg s31  }
0xc: {  	[dreg:$0x4] =	wrdreg s9;
	s5 =	sadd.s32 $0x7C0, s8;
	s6 =	smax.u32 s7, $0x1  }
0xd: {  	s7 =	simm.s32 $0x2;
	s8 =	simm.s32 $0x1;
	s9 =	simm.s32 $0x0  }
.LBB2_11:
0xe: {  	[sflag:s8] =	ssyncadd.s32 $0xFFFFFC00  }
.LBB2_12:
0xf: {  	s9 =	sadd.s32 $0x1, s9  }
0x10: {  	p1 =	sne.s32 s9, s6  }
.Ltmp1:
0x11: {  	_ = 	snop;
	(pc) =	sbr.rel @!p1 .LBB2_13-.Ltmp1, $1  }
0x12: {  	_ =	sdelay $0x3  }
.LBB2_1:
.Ltmp2:
0x13: {  	(pc) =	sbr.rel @!p0 .LBB2_2-.Ltmp2, $4  }
0x14: {  	[tilespmem:s3], [sflag:$0x2] =	stream.linear.gather [hbm4b:s1+s3], $0x4000, $0x38;
	[tilespmem:$0x4480] =	vst v63  }
0x15: {  	_ =	swait.ge [sflag:s7], $0x4000  }
0x16: {  	[sflag:s7] =	ssyncset.done $0x0  }
0x17: {  	s10 =	simm.s32 $0x0;
	s11 =	simm.s32 $0x4000;
	[sflag:s7] =	ssyncadd.s32 $0xFFFFC000  }
0x18: {  	[tilespmem:s11], [sflag:$0x2] =	stream.linear.gather [hbm4b:s5+s10], $0x420, $0x38;
	[tilespmem:$0x4480] =	vst v63  }
0x19: {  	_ =	swait.ge [sflag:s7], $0x420  }
0x1a: {  	[sflag:s7] =	ssyncset.done $0x0  }
0x1b: {  	[sflag:s7] =	ssyncadd.s32 $0xFFFFFBE0  }
0x1c: {  	v0 =	vld [tilespmem:s11+$0x0];
	_ =	sdelay $0x4  }
0x1d: {  	(v2sf) =	vpush v0, $0x1  }
0x1e: {  	(v2sf) =	vpush v0, $0x0;
	_ =	sdelay $0xd  }
0x1f: {  	s23 =	spop (v2sf)  }
0x20: {  	s12 =	spop (v2sf)  }
0x21: {  	s22 =	rddreg [dreg:$0x5];
	s13 =	sshll.u32 s12, $0xA;
	s12 =	sshll.u32 s12, $0x7  }
0x22: {  	s10 =	sadd.s32 $0x0, s22;
	s13 =	sand.u32 $0xFFFFE000, s13;
	s12 =	sand.u32 $0x380, s12  }
0x23: {  	s14 =	sadd.s32 $0x1F0000, s10;
	s12 =	sor.u32 s12, s13  }
0x24: {  	[hbm4b:s14+s3] =	stream.linear.scatter [tilespmem:s12], [sflag:$0x1], $0x80, $0x38;
	[tilespmem:$0x4480] =	vst v63  }
0x25: {  	s24 =	sadd.s32 $0x80, s14;
	s15 =	sor.u32 $0x400, s12  }
0x26: {  	[hbm4b:s24+s3] =	stream.linear.scatter [tilespmem:s15], [sflag:$0x1], $0x80, $0x38;
	[tilespmem:$0x4480] =	vst v63  }
0x27: {  	s26 =	sadd.s32 $0x100, s14;
	s25 =	sor.u32 $0x800, s12  }
0x28: {  	[hbm4b:s26+s3] =	stream.linear.scatter [tilespmem:s25], [sflag:$0x1], $0x80, $0x38;
	[tilespmem:$0x4480] =	vst v63  }
0x29: {  	s29 =	sadd.s32 $0x180, s14;
	s28 =	sor.u32 $0xC00, s12  }
0x2a: {  	(v2sf) =	vpush v0, $0x2;
	[hbm4b:s29+s3] =	stream.linear.scatter [tilespmem:s28], [sflag:$0x1], $0x80, $0x38;
	[tilespmem:$0x4480] =	vst v63  }
0x2b: {  	s16 =	sadd.s32 $0x200, s14;
	s18 =	sadd.s32 $0x280, s14;
	s31 =	sor.u32 $0x1000, s12  }
0x2c: {  	[hbm4b:s16+s3] =	stream.linear.scatter [tilespmem:s31], [sflag:$0x1], $0x80, $0x38;
	[tilespmem:$0x4480] =	vst v63  }
0x2d: {  	s20 =	sadd.s32 $0x300, s14;
	s11 =	sshll.u32 s23, $0x7;
	s17 =	sor.u32 $0x1400, s12  }
0x2e: {  	[hbm4b:s18+s3] =	stream.linear.scatter [tilespmem:s17], [sflag:$0x1], $0x80, $0x38;
	[tilespmem:$0x4480] =	vst v63  }
0x2f: {  	s30 =	sshll.u32 s23, $0xA;
	s11 =	sand.u32 $0x380, s11;
	s19 =	sor.u32 $0x1800, s12  }
0x30: {  	[hbm4b:s20+s3] =	stream.linear.scatter [tilespmem:s19], [sflag:$0x1], $0x80, $0x38;
	[tilespmem:$0x4480] =	vst v63  }
0x31: {  	s13 =	sand.u32 $0xFFFFE000, s30;
	s12 =	sor.u32 $0x1C00, s12;
	s14 =	sadd.s32 $0x380, s14  }
0x32: {  	[hbm4b:s14+s3] =	stream.linear.scatter [tilespmem:s12], [sflag:$0x1], $0x80, $0x38;
	[tilespmem:$0x4480] =	vst v63  }
0x33: {  	s21 =	sadd.s32 $0x1F0010, s10;
	s11 =	sor.u32 s11, s13  }
0x34: {  	[hbm4b:s21+s3] =	stream.linear.scatter [tilespmem:s11], [sflag:$0x1], $0x80, $0x38;
	[tilespmem:$0x4480] =	vst v63  }
0x35: {  	s22 =	sadd.s32 $0x80, s21;
	s13 =	sor.u32 $0x400, s11  }
0x36: {  	[hbm4b:s22+s3] =	stream.linear.scatter [tilespmem:s13], [sflag:$0x1], $0x80, $0x38;
	[tilespmem:$0x4480] =	vst v63  }
0x37: {  	s23 =	sor.u32 $0x800, s11;
	s24 =	sadd.s32 $0x100, s21  }
0x38: {  	[hbm4b:s24+s3] =	stream.linear.scatter [tilespmem:s23], [sflag:$0x1], $0x80, $0x38;
	[tilespmem:$0x4480] =	vst v63  }
0x39: {  	s26 =	sor.u32 $0xC00, s11;
	s28 =	sadd.s32 $0x180, s21;
	s25 =	spop (v2sf)  }
0x3a: {  	(v2sf) =	vpush v0, $0x3;
	[hbm4b:s28+s3] =	stream.linear.scatter [tilespmem:s26], [sflag:$0x1], $0x80, $0x38;
	[tilespmem:$0x4480] =	vst v63  }
0x3b: {  	s30 =	sor.u32 $0x1000, s11;
	s31 =	sadd.s32 $0x200, s21;
	s16 =	sor.u32 $0x1400, s11  }
0x3c: {  	[hbm4b:s31+s3] =	stream.linear.scatter [tilespmem:s30], [sflag:$0x1], $0x80, $0x38;
	[tilespmem:$0x4480] =	vst v63  }
0x3d: {  	s17 =	sadd.s32 $0x280, s21;
	s18 =	sor.u32 $0x1800, s11;
	s29 =	sshll.u32 s25, $0xA  }
0x3e: {  	[hbm4b:s17+s3] =	stream.linear.scatter [tilespmem:s16], [sflag:$0x1], $0x80, $0x38;
	[tilespmem:$0x4480] =	vst v63  }
0x3f: {  	s19 =	sadd.s32 $0x300, s21;
	s14 =	sand.u32 $0xFFFFE000, s29;
	s13 =	sshll.u32 s25, $0x7  }
0x40: {  	[hbm4b:s19+s3] =	stream.linear.scatter [tilespmem:s18], [sflag:$0x1], $0x80, $0x38;
	[tilespmem:$0x4480] =	vst v63  }
0x41: {  	s12 =	sadd.s32 $0x380, s21;
	s11 =	sor.u32 $0x1C00, s11;
	s13 =	sand.u32 $0x380, s13  }
0x42: {  	[hbm4b:s12+s3] =	stream.linear.scatter [tilespmem:s11], [sflag:$0x1], $0x80, $0x38;
	[tilespmem:$0x4480] =	vst v63  }
0x43: {  	s21 =	sadd.s32 $0x1F0020, s10;
	s20 =	sor.u32 s13, s14  }
0x44: {  	[hbm4b:s21+s3] =	stream.linear.scatter [tilespmem:s20], [sflag:$0x1], $0x80, $0x38;
	[tilespmem:$0x4480] =	vst v63  }
0x45: {  	s22 =	sadd.s32 $0x80, s21;
	s13 =	sor.u32 $0x400, s20  }
0x46: {  	[hbm4b:s22+s3] =	stream.linear.scatter [tilespmem:s13], [sflag:$0x1], $0x80, $0x38;
	[tilespmem:$0x4480] =	vst v63  }
0x47: {  	s24 =	sadd.s32 $0x100, s21;
	s23 =	sor.u32 $0x800, s20  }
0x48: {  	[hbm4b:s24+s3] =	stream.linear.scatter [tilespmem:s23], [sflag:$0x1], $0x80, $0x38;
	[tilespmem:$0x4480] =	vst v63  }
0x49: {  	s26 =	sor.u32 $0xC00, s20;
	s28 =	sadd.s32 $0x180, s21;
	s25 =	spop (v2sf)  }
0x4a: {  	(v2sf) =	vpush v0, $0x4;
	[hbm4b:s28+s3] =	stream.linear.scatter [tilespmem:s26], [sflag:$0x1], $0x80, $0x38;
	[tilespmem:$0x4480] =	vst v63  }
0x4b: {  	s30 =	sor.u32 $0x1000, s20;
	s31 =	sadd.s32 $0x200, s21;
	s29 =	sshll.u32 s25, $0xA  }
0x4c: {  	[hbm4b:s31+s3] =	stream.linear.scatter [tilespmem:s30], [sflag:$0x1], $0x80, $0x38;
	[tilespmem:$0x4480] =	vst v63  }
0x4d: {  	s16 =	sor.u32 $0x1400, s20;
	s17 =	sadd.s32 $0x280, s21;
	s14 =	sand.u32 $0xFFFFE000, s29  }
0x4e: {  	[hbm4b:s17+s3] =	stream.linear.scatter [tilespmem:s16], [sflag:$0x1], $0x80, $0x38;
	[tilespmem:$0x4480] =	vst v63  }
0x4f: {  	s18 =	sor.u32 $0x1800, s20;
	s19 =	sadd.s32 $0x300, s21;
	s13 =	sshll.u32 s25, $0x7  }
0x50: {  	[hbm4b:s19+s3] =	stream.linear.scatter [tilespmem:s18], [sflag:$0x1], $0x80, $0x38;
	[tilespmem:$0x4480] =	vst v63  }
0x51: {  	s11 =	sor.u32 $0x1C00, s20;
	s12 =	sadd.s32 $0x380, s21;
	s13 =	sand.u32 $0x380, s13  }
0x52: {  	[hbm4b:s12+s3] =	stream.linear.scatter [tilespmem:s11], [sflag:$0x1], $0x80, $0x38;
	[tilespmem:$0x4480] =	vst v63  }
0x53: {  	s21 =	sadd.s32 $0x1F0030, s10;
	s20 =	sor.u32 s13, s14  }
0x54: {  	[hbm4b:s21+s3] =	stream.linear.scatter [tilespmem:s20], [sflag:$0x1], $0x80, $0x38;
	[tilespmem:$0x4480] =	vst v63  }
0x55: {  	s22 =	sadd.s32 $0x80, s21;
	s13 =	sor.u32 $0x400, s20  }
0x56: {  	[hbm4b:s22+s3] =	stream.linear.scatter [tilespmem:s13], [sflag:$0x1], $0x80, $0x38;
	[tilespmem:$0x4480] =	vst v63  }
0x57: {  	s24 =	sadd.s32 $0x100, s21;
	s23 =	sor.u32 $0x800, s20  }
0x58: {  	[hbm4b:s24+s3] =	stream.linear.scatter [tilespmem:s23], [sflag:$0x1], $0x80, $0x38;
	[tilespmem:$0x4480] =	vst v63  }
0x59: {  	s26 =	sor.u32 $0xC00, s20;
	s28 =	sadd.s32 $0x180, s21;
	s25 =	spop (v2sf)  }
0x5a: {  	(v2sf) =	vpush v0, $0x5;
	[hbm4b:s28+s3] =	stream.linear.scatter [tilespmem:s26], [sflag:$0x1], $0x80, $0x38;
	[tilespmem:$0x4480] =	vst v63  }
0x5b: {  	s30 =	sor.u32 $0x1000, s20;
	s31 =	sadd.s32 $0x200, s21;
	s29 =	sshll.u32 s25, $0xA  }
0x5c: {  	[hbm4b:s31+s3] =	stream.linear.scatter [tilespmem:s30], [sflag:$0x1], $0x80, $0x38;
	[tilespmem:$0x4480] =	vst v63  }
0x5d: {  	s14 =	sand.u32 $0xFFFFE000, s29;
	s16 =	sor.u32 $0x1400, s20;
	s17 =	sadd.s32 $0x280, s21  }
0x5e: {  	[hbm4b:s17+s3] =	stream.linear.scatter [tilespmem:s16], [sflag:$0x1], $0x80, $0x38;
	[tilespmem:$0x4480] =	vst v63  }
0x5f: {  	s18 =	sor.u32 $0x1800, s20;
	s19 =	sadd.s32 $0x300, s21;
	s13 =	sshll.u32 s25, $0x7  }
0x60: {  	[hbm4b:s19+s3] =	stream.linear.scatter [tilespmem:s18], [sflag:$0x1], $0x80, $0x38;
	[tilespmem:$0x4480] =	vst v63  }
0x61: {  	s11 =	sor.u32 $0x1C00, s20;
	s12 =	sadd.s32 $0x380, s21;
	s13 =	sand.u32 $0x380, s13  }
0x62: {  	[hbm4b:s12+s3] =	stream.linear.scatter [tilespmem:s11], [sflag:$0x1], $0x80, $0x38;
	[tilespmem:$0x4480] =	vst v63  }
0x63: {  	s21 =	sadd.s32 $0x1F0040, s10;
	s20 =	sor.u32 s13, s14  }
0x64: {  	[hbm4b:s21+s3] =	stream.linear.scatter [tilespmem:s20], [sflag:$0x1], $0x80, $0x38;
	[tilespmem:$0x4480] =	vst v63  }
0x65: {  	s22 =	sadd.s32 $0x80, s21;
	s13 =	sor.u32 $0x400, s20  }
0x66: {  	[hbm4b:s22+s3] =	stream.linear.scatter [tilespmem:s13], [sflag:$0x1], $0x80, $0x38;
	[tilespmem:$0x4480] =	vst v63  }
0x67: {  	s24 =	sadd.s32 $0x100, s21;
	s23 =	sor.u32 $0x800, s20  }
0x68: {  	[hbm4b:s24+s3] =	stream.linear.scatter [tilespmem:s23], [sflag:$0x1], $0x80, $0x38;
	[tilespmem:$0x4480] =	vst v63  }
0x69: {  	s26 =	sor.u32 $0xC00, s20;
	s28 =	sadd.s32 $0x180, s21;
	s25 =	spop (v2sf)  }
0x6a: {  	(v2sf) =	vpush v0, $0x6;
	[hbm4b:s28+s3] =	stream.linear.scatter [tilespmem:s26], [sflag:$0x1], $0x80, $0x38;
	[tilespmem:$0x4480] =	vst v63  }
0x6b: {  	s29 =	sshll.u32 s25, $0xA;
	s30 =	sor.u32 $0x1000, s20;
	s31 =	sadd.s32 $0x200, s21  }
0x6c: {  	[hbm4b:s31+s3] =	stream.linear.scatter [tilespmem:s30], [sflag:$0x1], $0x80, $0x38;
	[tilespmem:$0x4480] =	vst v63  }
0x6d: {  	s14 =	sand.u32 $0xFFFFE000, s29;
	s16 =	sor.u32 $0x1400, s20;
	s17 =	sadd.s32 $0x280, s21  }
0x6e: {  	[hbm4b:s17+s3] =	stream.linear.scatter [tilespmem:s16], [sflag:$0x1], $0x80, $0x38;
	[tilespmem:$0x4480] =	vst v63  }
0x6f: {  	s18 =	sor.u32 $0x1800, s20;
	s19 =	sadd.s32 $0x300, s21;
	s13 =	sshll.u32 s25, $0x7  }
0x70: {  	[hbm4b:s19+s3] =	stream.linear.scatter [tilespmem:s18], [sflag:$0x1], $0x80, $0x38;
	[tilespmem:$0x4480] =	vst v63  }
0x71: {  	s11 =	sor.u32 $0x1C00, s20;
	s12 =	sadd.s32 $0x380, s21;
	s13 =	sand.u32 $0x380, s13  }
0x72: {  	[hbm4b:s12+s3] =	stream.linear.scatter [tilespmem:s11], [sflag:$0x1], $0x80, $0x38;
	[tilespmem:$0x4480] =	vst v63  }
0x73: {  	s21 =	sadd.s32 $0x1F0050, s10;
	s20 =	sor.u32 s13, s14  }
0x74: {  	[hbm4b:s21+s3] =	stream.linear.scatter [tilespmem:s20], [sflag:$0x1], $0x80, $0x38;
	[tilespmem:$0x4480] =	vst v63  }
0x75: {  	s22 =	sadd.s32 $0x80, s21;
	s13 =	sor.u32 $0x400, s20  }
0x76: {  	[hbm4b:s22+s3] =	stream.linear.scatter [tilespmem:s13], [sflag:$0x1], $0x80, $0x38;
	[tilespmem:$0x4480] =	vst v63  }
0x77: {  	s24 =	sadd.s32 $0x100, s21;
	s23 =	sor.u32 $0x800, s20  }
0x78: {  	[hbm4b:s24+s3] =	stream.linear.scatter [tilespmem:s23], [sflag:$0x1], $0x80, $0x38;
	[tilespmem:$0x4480] =	vst v63  }
0x79: {  	s25 =	spop (v2sf);
	s26 =	sor.u32 $0xC00, s20;
	s28 =	sadd.s32 $0x180, s21  }
0x7a: {  	(v2sf) =	vpush v0, $0x7;
	[hbm4b:s28+s3] =	stream.linear.scatter [tilespmem:s26], [sflag:$0x1], $0x80, $0x38;
	[tilespmem:$0x4480] =	vst v63  }
0x7b: {  	s29 =	sshll.u32 s25, $0xA;
	s30 =	sor.u32 $0x1000, s20;
	s31 =	sadd.s32 $0x200, s21  }
0x7c: {  	[hbm4b:s31+s3] =	stream.linear.scatter [tilespmem:s30], [sflag:$0x1], $0x80, $0x38;
	[tilespmem:$0x4480] =	vst v63  }
0x7d: {  	s14 =	sand.u32 $0xFFFFE000, s29;
	s16 =	sor.u32 $0x1400, s20;
	s17 =	sadd.s32 $0x280, s21  }
0x7e: {  	[hbm4b:s17+s3] =	stream.linear.scatter [tilespmem:s16], [sflag:$0x1], $0x80, $0x38;
	[tilespmem:$0x4480] =	vst v63  }
0x7f: {  	s18 =	sor.u32 $0x1800, s20;
	s19 =	sadd.s32 $0x300, s21;
	s13 =	sshll.u32 s25, $0x7  }
0x80: {  	[hbm4b:s19+s3] =	stream.linear.scatter [tilespmem:s18], [sflag:$0x1], $0x80, $0x38;
	[tilespmem:$0x4480] =	vst v63  }
0x81: {  	s11 =	sor.u32 $0x1C00, s20;
	s12 =	sadd.s32 $0x380, s21;
	s13 =	sand.u32 $0x380, s13  }
0x82: {  	[hbm4b:s12+s3] =	stream.linear.scatter [tilespmem:s11], [sflag:$0x1], $0x80, $0x38;
	[tilespmem:$0x4480] =	vst v63  }
0x83: {  	s21 =	sadd.s32 $0x1F0060, s10;
	s20 =	sor.u32 s13, s14  }
0x84: {  	[hbm4b:s21+s3] =	stream.linear.scatter [tilespmem:s20], [sflag:$0x1], $0x80, $0x38;
	[tilespmem:$0x4480] =	vst v63  }
0x85: {  	s22 =	sadd.s32 $0x80, s21;
	s13 =	sor.u32 $0x400, s20  }
0x86: {  	[hbm4b:s22+s3] =	stream.linear.scatter [tilespmem:s13], [sflag:$0x1], $0x80, $0x38;
	[tilespmem:$0x4480] =	vst v63  }
0x87: {  	s24 =	sadd.s32 $0x100, s21;
	s23 =	sor.u32 $0x800, s20  }
0x88: {  	[hbm4b:s24+s3] =	stream.linear.scatter [tilespmem:s23], [sflag:$0x1], $0x80, $0x38;
	[tilespmem:$0x4480] =	vst v63  }
0x89: {  	s25 =	spop (v2sf);
	s26 =	sor.u32 $0xC00, s20;
	s28 =	sadd.s32 $0x180, s21  }
0x8a: {  	(v2sf) =	vpush v0, $0x8;
	[hbm4b:s28+s3] =	stream.linear.scatter [tilespmem:s26], [sflag:$0x1], $0x80, $0x38;
	[tilespmem:$0x4480] =	vst v63  }
0x8b: {  	s29 =	sshll.u32 s25, $0xA;
	s30 =	sor.u32 $0x1000, s20;
	s31 =	sadd.s32 $0x200, s21  }
0x8c: {  	[hbm4b:s31+s3] =	stream.linear.scatter [tilespmem:s30], [sflag:$0x1], $0x80, $0x38;
	[tilespmem:$0x4480] =	vst v63  }
0x8d: {  	s14 =	sand.u32 $0xFFFFE000, s29;
	s16 =	sor.u32 $0x1400, s20;
	s17 =	sadd.s32 $0x280, s21  }
0x8e: {  	[hbm4b:s17+s3] =	stream.linear.scatter [tilespmem:s16], [sflag:$0x1], $0x80, $0x38;
	[tilespmem:$0x4480] =	vst v63  }
0x8f: {  	s18 =	sor.u32 $0x1800, s20;
	s19 =	sadd.s32 $0x300, s21;
	s13 =	sshll.u32 s25, $0x7  }
0x90: {  	[hbm4b:s19+s3] =	stream.linear.scatter [tilespmem:s18], [sflag:$0x1], $0x80, $0x38;
	[tilespmem:$0x4480] =	vst v63  }
0x91: {  	s11 =	sor.u32 $0x1C00, s20;
	s12 =	sadd.s32 $0x380, s21;
	s13 =	sand.u32 $0x380, s13  }
0x92: {  	[hbm4b:s12+s3] =	stream.linear.scatter [tilespmem:s11], [sflag:$0x1], $0x80, $0x38;
	[tilespmem:$0x4480] =	vst v63  }
0x93: {  	s20 =	sadd.s32 $0x1F0070, s10;
	s21 =	sor.u32 s13, s14  }
0x94: {  	[hbm4b:s20+s3] =	stream.linear.scatter [tilespmem:s21], [sflag:$0x1], $0x80, $0x38;
	[tilespmem:$0x4480] =	vst v63  }
0x95: {  	s22 =	sadd.s32 $0x80, s20;
	s13 =	sor.u32 $0x400, s21  }
0x96: {  	[hbm4b:s22+s3] =	stream.linear.scatter [tilespmem:s13], [sflag:$0x1], $0x80, $0x38;
	[tilespmem:$0x4480] =	vst v63  }
0x97: {  	s24 =	sadd.s32 $0x100, s20;
	s23 =	sor.u32 $0x800, s21  }
0x98: {  	[hbm4b:s24+s3] =	stream.linear.scatter [tilespmem:s23], [sflag:$0x1], $0x80, $0x38;
	[tilespmem:$0x4480] =	vst v63  }
0x99: {  	s25 =	spop (v2sf);
	s26 =	sor.u32 $0xC00, s21;
	s28 =	sadd.s32 $0x180, s20  }
0x9a: {  	(v2sf) =	vpush v0, $0x9;
	[hbm4b:s28+s3] =	stream.linear.scatter [tilespmem:s26], [sflag:$0x1], $0x80, $0x38;
	[tilespmem:$0x4480] =	vst v63  }
0x9b: {  	s29 =	sshll.u32 s25, $0xA;
	s30 =	sor.u32 $0x1000, s21;
	s31 =	sadd.s32 $0x200, s20  }
0x9c: {  	[hbm4b:s31+s3] =	stream.linear.scatter [tilespmem:s30], [sflag:$0x1], $0x80, $0x38;
	[tilespmem:$0x4480] =	vst v63  }
0x9d: {  	s14 =	sand.u32 $0xFFFFE000, s29;
	s16 =	sor.u32 $0x1400, s21;
	s17 =	sadd.s32 $0x280, s20  }
0x9e: {  	[hbm4b:s17+s3] =	stream.linear.scatter [tilespmem:s16], [sflag:$0x1], $0x80, $0x38;
	[tilespmem:$0x4480] =	vst v63  }
0x9f: {  	s18 =	sor.u32 $0x1800, s21;
	s19 =	sadd.s32 $0x300, s20;
	s13 =	sshll.u32 s25, $0x7  }
0xa0: {  	[hbm4b:s19+s3] =	stream.linear.scatter [tilespmem:s18], [sflag:$0x1], $0x80, $0x38;
	[tilespmem:$0x4480] =	vst v63  }
0xa1: {  	s12 =	sor.u32 $0x1C00, s21;
	s11 =	sadd.s32 $0x380, s20;
	s13 =	sand.u32 $0x380, s13  }
0xa2: {  	[hbm4b:s11+s3] =	stream.linear.scatter [tilespmem:s12], [sflag:$0x1], $0x80, $0x38;
	[tilespmem:$0x4480] =	vst v63  }
0xa3: {  	s20 =	sadd.s32 $0x1F0400, s10;
	s21 =	sor.u32 s13, s14  }
0xa4: {  	[hbm4b:s20+s3] =	stream.linear.scatter [tilespmem:s21], [sflag:$0x1], $0x80, $0x38;
	[tilespmem:$0x4480] =	vst v63  }
0xa5: {  	s22 =	sadd.s32 $0x80, s20;
	s13 =	sor.u32 $0x400, s21  }
0xa6: {  	[hbm4b:s22+s3] =	stream.linear.scatter [tilespmem:s13], [sflag:$0x1], $0x80, $0x38;
	[tilespmem:$0x4480] =	vst v63  }
0xa7: {  	s24 =	sadd.s32 $0x100, s20;
	s23 =	sor.u32 $0x800, s21  }
0xa8: {  	[hbm4b:s24+s3] =	stream.linear.scatter [tilespmem:s23], [sflag:$0x1], $0x80, $0x38;
	[tilespmem:$0x4480] =	vst v63  }
0xa9: {  	s25 =	spop (v2sf);
	s26 =	sor.u32 $0xC00, s21;
	s28 =	sadd.s32 $0x180, s20  }
0xaa: {  	(v2sf) =	vpush v0, $0xA;
	[hbm4b:s28+s3] =	stream.linear.scatter [tilespmem:s26], [sflag:$0x1], $0x80, $0x38;
	[tilespmem:$0x4480] =	vst v63  }
0xab: {  	s29 =	sshll.u32 s25, $0xA;
	s30 =	sor.u32 $0x1000, s21;
	s31 =	sadd.s32 $0x200, s20  }
0xac: {  	[hbm4b:s31+s3] =	stream.linear.scatter [tilespmem:s30], [sflag:$0x1], $0x80, $0x38;
	[tilespmem:$0x4480] =	vst v63  }
0xad: {  	s14 =	sand.u32 $0xFFFFE000, s29;
	s16 =	sor.u32 $0x1400, s21;
	s17 =	sadd.s32 $0x280, s20  }
0xae: {  	[hbm4b:s17+s3] =	stream.linear.scatter [tilespmem:s16], [sflag:$0x1], $0x80, $0x38;
	[tilespmem:$0x4480] =	vst v63  }
0xaf: {  	s18 =	sor.u32 $0x1800, s21;
	s19 =	sadd.s32 $0x300, s20;
	s13 =	sshll.u32 s25, $0x7  }
0xb0: {  	[hbm4b:s19+s3] =	stream.linear.scatter [tilespmem:s18], [sflag:$0x1], $0x80, $0x38;
	[tilespmem:$0x4480] =	vst v63  }
0xb1: {  	s12 =	sor.u32 $0x1C00, s21;
	s11 =	sadd.s32 $0x380, s20;
	s13 =	sand.u32 $0x380, s13  }
0xb2: {  	[hbm4b:s11+s3] =	stream.linear.scatter [tilespmem:s12], [sflag:$0x1], $0x80, $0x38;
	[tilespmem:$0x4480] =	vst v63  }
0xb3: {  	s21 =	sadd.s32 $0x1F0410, s10;
	s20 =	sor.u32 s13, s14  }
0xb4: {  	[hbm4b:s21+s3] =	stream.linear.scatter [tilespmem:s20], [sflag:$0x1], $0x80, $0x38;
	[tilespmem:$0x4480] =	vst v63  }
0xb5: {  	s22 =	sadd.s32 $0x80, s21;
	s13 =	sor.u32 $0x400, s20  }
0xb6: {  	[hbm4b:s22+s3] =	stream.linear.scatter [tilespmem:s13], [sflag:$0x1], $0x80, $0x38;
	[tilespmem:$0x4480] =	vst v63  }
0xb7: {  	s24 =	sadd.s32 $0x100, s21;
	s23 =	sor.u32 $0x800, s20  }
0xb8: {  	[hbm4b:s24+s3] =	stream.linear.scatter [tilespmem:s23], [sflag:$0x1], $0x80, $0x38;
	[tilespmem:$0x4480] =	vst v63  }
0xb9: {  	s25 =	spop (v2sf);
	s26 =	sor.u32 $0xC00, s20;
	s28 =	sadd.s32 $0x180, s21  }
0xba: {  	(v2sf) =	vpush v0, $0xB;
	[hbm4b:s28+s3] =	stream.linear.scatter [tilespmem:s26], [sflag:$0x1], $0x80, $0x38;
	[tilespmem:$0x4480] =	vst v63  }
0xbb: {  	s29 =	sshll.u32 s25, $0xA;
	s30 =	sor.u32 $0x1000, s20;
	s31 =	sadd.s32 $0x200, s21  }
0xbc: {  	[hbm4b:s31+s3] =	stream.linear.scatter [tilespmem:s30], [sflag:$0x1], $0x80, $0x38;
	[tilespmem:$0x4480] =	vst v63  }
0xbd: {  	s14 =	sand.u32 $0xFFFFE000, s29;
	s16 =	sor.u32 $0x1400, s20;
	s17 =	sadd.s32 $0x280, s21  }
0xbe: {  	[hbm4b:s17+s3] =	stream.linear.scatter [tilespmem:s16], [sflag:$0x1], $0x80, $0x38;
	[tilespmem:$0x4480] =	vst v63  }
0xbf: {  	s18 =	sor.u32 $0x1800, s20;
	s19 =	sadd.s32 $0x300, s21;
	s13 =	sshll.u32 s25, $0x7  }
0xc0: {  	[hbm4b:s19+s3] =	stream.linear.scatter [tilespmem:s18], [sflag:$0x1], $0x80, $0x38;
	[tilespmem:$0x4480] =	vst v63  }
0xc1: {  	s11 =	sor.u32 $0x1C00, s20;
	s12 =	sadd.s32 $0x380, s21;
	s13 =	sand.u32 $0x380, s13  }
0xc2: {  	[hbm4b:s12+s3] =	stream.linear.scatter [tilespmem:s11], [sflag:$0x1], $0x80, $0x38;
	[tilespmem:$0x4480] =	vst v63  }
0xc3: {  	s20 =	sadd.s32 $0x1F0420, s10;
	s21 =	sor.u32 s13, s14  }
0xc4: {  	[hbm4b:s20+s3] =	stream.linear.scatter [tilespmem:s21], [sflag:$0x1], $0x80, $0x38;
	[tilespmem:$0x4480] =	vst v63  }
0xc5: {  	s22 =	sadd.s32 $0x80, s20;
	s13 =	sor.u32 $0x400, s21  }
0xc6: {  	[hbm4b:s22+s3] =	stream.linear.scatter [tilespmem:s13], [sflag:$0x1], $0x80, $0x38;
	[tilespmem:$0x4480] =	vst v63  }
0xc7: {  	s24 =	sadd.s32 $0x100, s20;
	s23 =	sor.u32 $0x800, s21  }
0xc8: {  	[hbm4b:s24+s3] =	stream.linear.scatter [tilespmem:s23], [sflag:$0x1], $0x80, $0x38;
	[tilespmem:$0x4480] =	vst v63  }
0xc9: {  	s25 =	spop (v2sf);
	s26 =	sor.u32 $0xC00, s21;
	s28 =	sadd.s32 $0x180, s20  }
0xca: {  	(v2sf) =	vpush v0, $0xC;
	[hbm4b:s28+s3] =	stream.linear.scatter [tilespmem:s26], [sflag:$0x1], $0x80, $0x38;
	[tilespmem:$0x4480] =	vst v63  }
0xcb: {  	s29 =	sshll.u32 s25, $0xA;
	s30 =	sor.u32 $0x1000, s21;
	s31 =	sadd.s32 $0x200, s20  }
0xcc: {  	[hbm4b:s31+s3] =	stream.linear.scatter [tilespmem:s30], [sflag:$0x1], $0x80, $0x38;
	[tilespmem:$0x4480] =	vst v63  }
0xcd: {  	s14 =	sand.u32 $0xFFFFE000, s29;
	s16 =	sor.u32 $0x1400, s21;
	s17 =	sadd.s32 $0x280, s20  }
0xce: {  	[hbm4b:s17+s3] =	stream.linear.scatter [tilespmem:s16], [sflag:$0x1], $0x80, $0x38;
	[tilespmem:$0x4480] =	vst v63  }
0xcf: {  	s18 =	sor.u32 $0x1800, s21;
	s19 =	sadd.s32 $0x300, s20;
	s13 =	sshll.u32 s25, $0x7  }
0xd0: {  	[hbm4b:s19+s3] =	stream.linear.scatter [tilespmem:s18], [sflag:$0x1], $0x80, $0x38;
	[tilespmem:$0x4480] =	vst v63  }
0xd1: {  	s12 =	sor.u32 $0x1C00, s21;
	s11 =	sadd.s32 $0x380, s20;
	s13 =	sand.u32 $0x380, s13  }
0xd2: {  	[hbm4b:s11+s3] =	stream.linear.scatter [tilespmem:s12], [sflag:$0x1], $0x80, $0x38;
	[tilespmem:$0x4480] =	vst v63  }
0xd3: {  	s21 =	sadd.s32 $0x1F0430, s10;
	s20 =	sor.u32 s13, s14  }
0xd4: {  	[hbm4b:s21+s3] =	stream.linear.scatter [tilespmem:s20], [sflag:$0x1], $0x80, $0x38;
	[tilespmem:$0x4480] =	vst v63  }
0xd5: {  	s22 =	sadd.s32 $0x80, s21;
	s13 =	sor.u32 $0x400, s20  }
0xd6: {  	[hbm4b:s22+s3] =	stream.linear.scatter [tilespmem:s13], [sflag:$0x1], $0x80, $0x38;
	[tilespmem:$0x4480] =	vst v63  }
0xd7: {  	s24 =	sadd.s32 $0x100, s21;
	s23 =	sor.u32 $0x800, s20  }
0xd8: {  	[hbm4b:s24+s3] =	stream.linear.scatter [tilespmem:s23], [sflag:$0x1], $0x80, $0x38;
	[tilespmem:$0x4480] =	vst v63  }
0xd9: {  	s25 =	spop (v2sf);
	s26 =	sor.u32 $0xC00, s20;
	s28 =	sadd.s32 $0x180, s21  }
0xda: {  	(v2sf) =	vpush v0, $0xD;
	[hbm4b:s28+s3] =	stream.linear.scatter [tilespmem:s26], [sflag:$0x1], $0x80, $0x38;
	[tilespmem:$0x4480] =	vst v63  }
0xdb: {  	s29 =	sshll.u32 s25, $0xA;
	s30 =	sor.u32 $0x1000, s20;
	s31 =	sadd.s32 $0x200, s21  }
0xdc: {  	[hbm4b:s31+s3] =	stream.linear.scatter [tilespmem:s30], [sflag:$0x1], $0x80, $0x38;
	[tilespmem:$0x4480] =	vst v63  }
0xdd: {  	s14 =	sand.u32 $0xFFFFE000, s29;
	s16 =	sor.u32 $0x1400, s20;
	s17 =	sadd.s32 $0x280, s21  }
0xde: {  	[hbm4b:s17+s3] =	stream.linear.scatter [tilespmem:s16], [sflag:$0x1], $0x80, $0x38;
	[tilespmem:$0x4480] =	vst v63  }
0xdf: {  	s18 =	sor.u32 $0x1800, s20;
	s19 =	sadd.s32 $0x300, s21;
	s13 =	sshll.u32 s25, $0x7  }
0xe0: {  	[hbm4b:s19+s3] =	stream.linear.scatter [tilespmem:s18], [sflag:$0x1], $0x80, $0x38;
	[tilespmem:$0x4480] =	vst v63  }
0xe1: {  	s11 =	sor.u32 $0x1C00, s20;
	s12 =	sadd.s32 $0x380, s21;
	s13 =	sand.u32 $0x380, s13  }
0xe2: {  	[hbm4b:s12+s3] =	stream.linear.scatter [tilespmem:s11], [sflag:$0x1], $0x80, $0x38;
	[tilespmem:$0x4480] =	vst v63  }
0xe3: {  	s21 =	sadd.s32 $0x1F0440, s10;
	s20 =	sor.u32 s13, s14  }
0xe4: {  	[hbm4b:s21+s3] =	stream.linear.scatter [tilespmem:s20], [sflag:$0x1], $0x80, $0x38;
	[tilespmem:$0x4480] =	vst v63  }
0xe5: {  	s22 =	sadd.s32 $0x80, s21;
	s13 =	sor.u32 $0x400, s20  }
0xe6: {  	[hbm4b:s22+s3] =	stream.linear.scatter [tilespmem:s13], [sflag:$0x1], $0x80, $0x38;
	[tilespmem:$0x4480] =	vst v63  }
0xe7: {  	s24 =	sadd.s32 $0x100, s21;
	s23 =	sor.u32 $0x800, s20  }
0xe8: {  	[hbm4b:s24+s3] =	stream.linear.scatter [tilespmem:s23], [sflag:$0x1], $0x80, $0x38;
	[tilespmem:$0x4480] =	vst v63  }
0xe9: {  	s25 =	spop (v2sf);
	s26 =	sor.u32 $0xC00, s20;
	s28 =	sadd.s32 $0x180, s21  }
0xea: {  	(v2sf) =	vpush v0, $0xE;
	[hbm4b:s28+s3] =	stream.linear.scatter [tilespmem:s26], [sflag:$0x1], $0x80, $0x38;
	[tilespmem:$0x4480] =	vst v63  }
0xeb: {  	s29 =	sshll.u32 s25, $0xA;
	s30 =	sor.u32 $0x1000, s20;
	s31 =	sadd.s32 $0x200, s21  }
0xec: {  	[hbm4b:s31+s3] =	stream.linear.scatter [tilespmem:s30], [sflag:$0x1], $0x80, $0x38;
	[tilespmem:$0x4480] =	vst v63  }
0xed: {  	s14 =	sand.u32 $0xFFFFE000, s29;
	s16 =	sor.u32 $0x1400, s20;
	s17 =	sadd.s32 $0x280, s21  }
0xee: {  	[hbm4b:s17+s3] =	stream.linear.scatter [tilespmem:s16], [sflag:$0x1], $0x80, $0x38;
	[tilespmem:$0x4480] =	vst v63  }
0xef: {  	s18 =	sor.u32 $0x1800, s20;
	s19 =	sadd.s32 $0x300, s21;
	s13 =	sshll.u32 s25, $0x7  }
0xf0: {  	[hbm4b:s19+s3] =	stream.linear.scatter [tilespmem:s18], [sflag:$0x1], $0x80, $0x38;
	[tilespmem:$0x4480] =	vst v63  }
0xf1: {  	s11 =	sor.u32 $0x1C00, s20;
	s12 =	sadd.s32 $0x380, s21;
	s13 =	sand.u32 $0x380, s13  }
0xf2: {  	[hbm4b:s12+s3] =	stream.linear.scatter [tilespmem:s11], [sflag:$0x1], $0x80, $0x38;
	[tilespmem:$0x4480] =	vst v63  }
0xf3: {  	s20 =	sadd.s32 $0x1F0450, s10;
	s21 =	sor.u32 s13, s14  }
0xf4: {  	[hbm4b:s20+s3] =	stream.linear.scatter [tilespmem:s21], [sflag:$0x1], $0x80, $0x38;
	[tilespmem:$0x4480] =	vst v63  }
0xf5: {  	s22 =	sadd.s32 $0x80, s20;
	s13 =	sor.u32 $0x400, s21  }
0xf6: {  	[hbm4b:s22+s3] =	stream.linear.scatter [tilespmem:s13], [sflag:$0x1], $0x80, $0x38;
	[tilespmem:$0x4480] =	vst v63  }
0xf7: {  	s24 =	sadd.s32 $0x100, s20;
	s23 =	sor.u32 $0x800, s21  }
0xf8: {  	[hbm4b:s24+s3] =	stream.linear.scatter [tilespmem:s23], [sflag:$0x1], $0x80, $0x38;
	[tilespmem:$0x4480] =	vst v63  }
0xf9: {  	s25 =	spop (v2sf);
	s26 =	sor.u32 $0xC00, s21;
	s28 =	sadd.s32 $0x180, s20  }
0xfa: {  	(v2sf) =	vpush v0, $0xF;
	[hbm4b:s28+s3] =	stream.linear.scatter [tilespmem:s26], [sflag:$0x1], $0x80, $0x38;
	[tilespmem:$0x4480] =	vst v63  }
0xfb: {  	s29 =	sshll.u32 s25, $0xA;
	s30 =	sor.u32 $0x1000, s21;
	s31 =	sadd.s32 $0x200, s20  }
0xfc: {  	[hbm4b:s31+s3] =	stream.linear.scatter [tilespmem:s30], [sflag:$0x1], $0x80, $0x38;
	[tilespmem:$0x4480] =	vst v63  }
0xfd: {  	s14 =	sand.u32 $0xFFFFE000, s29;
	s16 =	sor.u32 $0x1400, s21;
	s17 =	sadd.s32 $0x280, s20  }
0xfe: {  	[hbm4b:s17+s3] =	stream.linear.scatter [tilespmem:s16], [sflag:$0x1], $0x80, $0x38;
	[tilespmem:$0x4480] =	vst v63  }
0xff: {  	s18 =	sor.u32 $0x1800, s21;
	s19 =	sadd.s32 $0x300, s20;
	s13 =	sshll.u32 s25, $0x7  }
0x100: {  	[hbm4b:s19+s3] =	stream.linear.scatter [tilespmem:s18], [sflag:$0x1], $0x80, $0x38;
	[tilespmem:$0x4480] =	vst v63  }
0x101: {  	s12 =	sor.u32 $0x1C00, s21;
	s11 =	sadd.s32 $0x380, s20;
	s13 =	sand.u32 $0x380, s13  }
0x102: {  	[hbm4b:s11+s3] =	stream.linear.scatter [tilespmem:s12], [sflag:$0x1], $0x80, $0x38;
	[tilespmem:$0x4480] =	vst v63  }
0x103: {  	s20 =	sadd.s32 $0x1F0460, s10;
	s21 =	sor.u32 s13, s14  }
0x104: {  	[hbm4b:s20+s3] =	stream.linear.scatter [tilespmem:s21], [sflag:$0x1], $0x80, $0x38;
	[tilespmem:$0x4480] =	vst v63  }
0x105: {  	s22 =	sadd.s32 $0x80, s20;
	s13 =	sor.u32 $0x400, s21  }
0x106: {  	[hbm4b:s22+s3] =	stream.linear.scatter [tilespmem:s13], [sflag:$0x1], $0x80, $0x38;
	[tilespmem:$0x4480] =	vst v63  }
0x107: {  	s24 =	sadd.s32 $0x100, s20;
	s23 =	sor.u32 $0x800, s21  }
0x108: {  	[hbm4b:s24+s3] =	stream.linear.scatter [tilespmem:s23], [sflag:$0x1], $0x80, $0x38;
	[tilespmem:$0x4480] =	vst v63  }
0x109: {  	s25 =	spop (v2sf);
	s26 =	sor.u32 $0xC00, s21;
	s28 =	sadd.s32 $0x180, s20  }
0x10a: {  	[hbm4b:s28+s3] =	stream.linear.scatter [tilespmem:s26], [sflag:$0x1], $0x80, $0x38;
	[tilespmem:$0x4480] =	vst v63  }
0x10b: {  	s29 =	sshll.u32 s25, $0xA;
	s30 =	sor.u32 $0x1000, s21;
	s31 =	sadd.s32 $0x200, s20  }
0x10c: {  	[hbm4b:s31+s3] =	stream.linear.scatter [tilespmem:s30], [sflag:$0x1], $0x80, $0x38;
	[tilespmem:$0x4480] =	vst v63  }
0x10d: {  	s14 =	sand.u32 $0xFFFFE000, s29;
	s16 =	sor.u32 $0x1400, s21;
	s17 =	sadd.s32 $0x280, s20  }
0x10e: {  	[hbm4b:s17+s3] =	stream.linear.scatter [tilespmem:s16], [sflag:$0x1], $0x80, $0x38;
	[tilespmem:$0x4480] =	vst v63  }
0x10f: {  	s18 =	sor.u32 $0x1800, s21;
	s19 =	sadd.s32 $0x300, s20;
	s13 =	sshll.u32 s25, $0x7  }
0x110: {  	[hbm4b:s19+s3] =	stream.linear.scatter [tilespmem:s18], [sflag:$0x1], $0x80, $0x38;
	[tilespmem:$0x4480] =	vst v63  }
0x111: {  	s12 =	sor.u32 $0x1C00, s21;
	s11 =	sadd.s32 $0x380, s20;
	s13 =	sand.u32 $0x380, s13  }
0x112: {  	[hbm4b:s11+s3] =	stream.linear.scatter [tilespmem:s12], [sflag:$0x1], $0x80, $0x38;
	[tilespmem:$0x4480] =	vst v63  }
0x113: {  	s20 =	sadd.s32 $0x1F0470, s10;
	s10 =	simm.s32 $0x800;
	s13 =	sor.u32 s13, s14  }
0x114: {  	[hbm4b:s20+s3] =	stream.linear.scatter [tilespmem:s13], [sflag:$0x1], $0x80, $0x38;
	[tilespmem:$0x4480] =	vst v63  }
0x115: {  	s29 =	sadd.s32 $0x200, s20;
	s22 =	sadd.s32 $0x80, s20;
	s21 =	sor.u32 $0x400, s13  }
0x116: {  	[hbm4b:s22+s3] =	stream.linear.scatter [tilespmem:s21], [sflag:$0x1], $0x80, $0x38;
	[tilespmem:$0x4480] =	vst v63  }
0x117: {  	s15 =	sadd.s32 $0x380, s20;
	s24 =	sadd.s32 $0x100, s20;
	s23 =	sor.u32 $0x800, s13  }
0x118: {  	[hbm4b:s24+s3] =	stream.linear.scatter [tilespmem:s23], [sflag:$0x1], $0x80, $0x38;
	[tilespmem:$0x4480] =	vst v63  }
0x119: {  	s14 =	sadd.s32 $0x300, s20;
	s25 =	sor.u32 $0xC00, s13;
	s26 =	sadd.s32 $0x180, s20  }
0x11a: {  	[hbm4b:s26+s3] =	stream.linear.scatter [tilespmem:s25], [sflag:$0x1], $0x80, $0x38;
	[tilespmem:$0x4480] =	vst v63  }
0x11b: {  	s28 =	sor.u32 $0x1000, s13;
	s30 =	sor.u32 $0x1400, s13;
	s31 =	sadd.s32 $0x280, s20  }
0x11c: {  	[hbm4b:s29+s3] =	stream.linear.scatter [tilespmem:s28], [sflag:$0x1], $0x80, $0x38;
	[tilespmem:$0x4480] =	vst v63  }
0x11d: {  	s12 =	sor.u32 $0x1800, s13;
	s11 =	simm.s32 $0x4010;
	s13 =	sor.u32 $0x1C00, s13  }
0x11e: {  	[hbm4b:s31+s3] =	stream.linear.scatter [tilespmem:s30], [sflag:$0x1], $0x80, $0x38;
	[tilespmem:$0x4480] =	vst v63  }
.LBB2_8:
0x11f: {  	[hbm4b:s14+s3] =	stream.linear.scatter [tilespmem:s12], [sflag:$0x1], $0x80, $0x38;
	[tilespmem:$0x4480] =	vst v63  }
0x120: {  	_ = 	snop  }
0x121: {  	[hbm4b:s15+s3] =	stream.linear.scatter [tilespmem:s13], [sflag:$0x1], $0x80, $0x38;
	[tilespmem:$0x4480] =	vst v63  }
0x122: {  	v0 =	vld [tilespmem:s11+$0x0];
	_ =	sdelay $0x4  }
0x123: {  	(v2sf) =	vpush v0, $0x1  }
0x124: {  	(v2sf) =	vpush v0, $0x0;
	_ =	sdelay $0xa  }
0x125: {  	(v2sf) =	vpush v0, $0x2;
	_ =	sdelay $0x2  }
0x126: {  	s28 =	spop (v2sf)  }
0x127: {  	s25 =	smov.u32 s10;
	s26 =	rddreg [dreg:$0x5];
	s16 =	spop (v2sf)  }
0x128: {  	s12 =	sadd.s32 s25, s26;
	s30 =	sshll.u32 s16, $0xA;
	s16 =	sshll.u32 s16, $0x7  }
0x129: {  	s17 =	sadd.s32 $0x1F0000, s12;
	s13 =	sand.u32 $0xFFFFE000, s30;
	s16 =	sand.u32 $0x380, s16  }
0x12a: {  	s31 =	sadd.s32 $0x80, s17;
	s21 =	sadd.s32 $0x100, s17;
	s13 =	sor.u32 s16, s13  }
0x12b: {  	[hbm4b:s17+s3] =	stream.linear.scatter [tilespmem:s13], [sflag:$0x1], $0x80, $0x38;
	[tilespmem:$0x4480] =	vst v63  }
0x12c: {  	s23 =	sadd.s32 $0x180, s17;
	s26 =	sadd.s32 $0x200, s17;
	s18 =	sor.u32 $0x400, s13  }
0x12d: {  	[hbm4b:s31+s3] =	stream.linear.scatter [tilespmem:s18], [sflag:$0x1], $0x80, $0x38;
	[tilespmem:$0x4480] =	vst v63  }
0x12e: {  	s29 =	sshll.u32 s28, $0xA;
	s14 =	sshll.u32 s28, $0x7;
	s20 =	sor.u32 $0x800, s13  }
0x12f: {  	(v2sf) =	vpush v0, $0x3;
	[hbm4b:s21+s3] =	stream.linear.scatter [tilespmem:s20], [sflag:$0x1], $0x80, $0x38;
	[tilespmem:$0x4480] =	vst v63  }
0x130: {  	s15 =	sand.u32 $0xFFFFE000, s29;
	s14 =	sand.u32 $0x380, s14;
	s22 =	sor.u32 $0xC00, s13  }
0x131: {  	[hbm4b:s23+s3] =	stream.linear.scatter [tilespmem:s22], [sflag:$0x1], $0x80, $0x38;
	[tilespmem:$0x4480] =	vst v63  }
0x132: {  	s19 =	spop (v2sf);
	s29 =	sadd.s32 $0x280, s17;
	s25 =	sor.u32 $0x1000, s13  }
0x133: {  	[hbm4b:s26+s3] =	stream.linear.scatter [tilespmem:s25], [sflag:$0x1], $0x80, $0x38;
	[tilespmem:$0x4480] =	vst v63  }
0x134: {  	s24 =	sshll.u32 s19, $0xA;
	s19 =	sshll.u32 s19, $0x7;
	s28 =	sor.u32 $0x1400, s13  }
0x135: {  	[hbm4b:s29+s3] =	stream.linear.scatter [tilespmem:s28], [sflag:$0x1], $0x80, $0x38;
	[tilespmem:$0x4480] =	vst v63  }
0x136: {  	s19 =	sand.u32 $0x380, s19;
	s30 =	sor.u32 $0x1800, s13;
	s31 =	sadd.s32 $0x300, s17  }
0x137: {  	(v2sf) =	vpush v0, $0x4;
	[hbm4b:s31+s3] =	stream.linear.scatter [tilespmem:s30], [sflag:$0x1], $0x80, $0x38;
	[tilespmem:$0x4480] =	vst v63  }
0x138: {  	s13 =	sor.u32 $0x1C00, s13;
	s18 =	sand.u32 $0xFFFFE000, s24;
	s20 =	sadd.s32 $0x380, s17  }
0x139: {  	[hbm4b:s20+s3] =	stream.linear.scatter [tilespmem:s13], [sflag:$0x1], $0x80, $0x38;
	[tilespmem:$0x4480] =	vst v63  }
0x13a: {  	s15 =	sor.u32 s14, s15;
	s16 =	sadd.s32 $0x1F0010, s12;
	s14 =	sor.u32 s19, s18  }
0x13b: {  	[hbm4b:s16+s3] =	stream.linear.scatter [tilespmem:s15], [sflag:$0x1], $0x80, $0x38;
	[tilespmem:$0x4480] =	vst v63  }
0x13c: {  	s18 =	sor.u32 $0xC00, s14;
	s22 =	sor.u32 $0x400, s15;
	s23 =	sadd.s32 $0x80, s16  }
0x13d: {  	[hbm4b:s23+s3] =	stream.linear.scatter [tilespmem:s22], [sflag:$0x1], $0x80, $0x38;
	[tilespmem:$0x4480] =	vst v63  }
0x13e: {  	s25 =	sor.u32 $0x800, s15;
	s26 =	sadd.s32 $0x100, s16;
	s21 =	spop (v2sf)  }
0x13f: {  	[hbm4b:s26+s3] =	stream.linear.scatter [tilespmem:s25], [sflag:$0x1], $0x80, $0x38;
	[tilespmem:$0x4480] =	vst v63  }
0x140: {  	s28 =	sor.u32 $0xC00, s15;
	s29 =	sadd.s32 $0x180, s16;
	s24 =	sshll.u32 s21, $0xA  }
0x141: {  	[hbm4b:s29+s3] =	stream.linear.scatter [tilespmem:s28], [sflag:$0x1], $0x80, $0x38;
	[tilespmem:$0x4480] =	vst v63  }
0x142: {  	s30 =	sor.u32 $0x1000, s15;
	s31 =	sadd.s32 $0x200, s16;
	s19 =	sand.u32 $0xFFFFE000, s24  }
0x143: {  	[hbm4b:s31+s3] =	stream.linear.scatter [tilespmem:s30], [sflag:$0x1], $0x80, $0x38;
	[tilespmem:$0x4480] =	vst v63  }
0x144: {  	s13 =	sshll.u32 s21, $0x7;
	s20 =	sor.u32 $0x1400, s15;
	s21 =	sadd.s32 $0x280, s16  }
0x145: {  	(v2sf) =	vpush v0, $0x5;
	[hbm4b:s21+s3] =	stream.linear.scatter [tilespmem:s20], [sflag:$0x1], $0x80, $0x38;
	[tilespmem:$0x4480] =	vst v63  }
0x146: {  	s24 =	spop (v2sf);
	s22 =	sor.u32 $0x1800, s15;
	s23 =	sadd.s32 $0x300, s16  }
0x147: {  	[hbm4b:s23+s3] =	stream.linear.scatter [tilespmem:s22], [sflag:$0x1], $0x80, $0x38;
	[tilespmem:$0x4480] =	vst v63  }
0x148: {  	s13 =	sand.u32 $0x380, s13;
	s15 =	sor.u32 $0x1C00, s15;
	s16 =	sadd.s32 $0x380, s16  }
0x149: {  	(v2sf) =	vpush v0, $0x6;
	[hbm4b:s16+s3] =	stream.linear.scatter [tilespmem:s15], [sflag:$0x1], $0x80, $0x38;
	[tilespmem:$0x4480] =	vst v63  }
0x14a: {  	s13 =	sor.u32 s13, s19;
	s25 =	sshll.u32 s24, $0xA;
	s15 =	sadd.s32 $0x1F0020, s12  }
0x14b: {  	[hbm4b:s15+s3] =	stream.linear.scatter [tilespmem:s14], [sflag:$0x1], $0x80, $0x38;
	[tilespmem:$0x4480] =	vst v63  }
0x14c: {  	s26 =	sand.u32 $0xFFFFE000, s25;
	s29 =	sor.u32 $0x400, s14;
	s30 =	sadd.s32 $0x80, s15  }
0x14d: {  	[hbm4b:s30+s3] =	stream.linear.scatter [tilespmem:s29], [sflag:$0x1], $0x80, $0x38;
	[tilespmem:$0x4480] =	vst v63  }
0x14e: {  	s28 =	sshll.u32 s24, $0x7;
	s31 =	sor.u32 $0x800, s14;
	s20 =	sadd.s32 $0x100, s15  }
0x14f: {  	[hbm4b:s20+s3] =	stream.linear.scatter [tilespmem:s31], [sflag:$0x1], $0x80, $0x38;
	[tilespmem:$0x4480] =	vst v63  }
0x150: {  	s25 =	sor.u32 $0x1400, s14;
	s17 =	sand.u32 $0x380, s28;
	s20 =	sadd.s32 $0x180, s15  }
0x151: {  	[hbm4b:s20+s3] =	stream.linear.scatter [tilespmem:s18], [sflag:$0x1], $0x80, $0x38;
	[tilespmem:$0x4480] =	vst v63  }
0x152: {  	s28 =	sor.u32 $0x1800, s14;
	s22 =	sor.u32 $0x1000, s14;
	s23 =	sadd.s32 $0x200, s15  }
0x153: {  	[hbm4b:s23+s3] =	stream.linear.scatter [tilespmem:s22], [sflag:$0x1], $0x80, $0x38;
	[tilespmem:$0x4480] =	vst v63  }
0x154: {  	s19 =	sor.u32 s17, s26;
	s21 =	spop (v2sf);
	s26 =	sadd.s32 $0x280, s15  }
0x155: {  	[hbm4b:s26+s3] =	stream.linear.scatter [tilespmem:s25], [sflag:$0x1], $0x80, $0x38;
	[tilespmem:$0x4480] =	vst v63  }
0x156: {  	s24 =	sshll.u32 s21, $0xA;
	s14 =	sor.u32 $0x1C00, s14;
	s29 =	sadd.s32 $0x300, s15  }
0x157: {  	[hbm4b:s29+s3] =	stream.linear.scatter [tilespmem:s28], [sflag:$0x1], $0x80, $0x38;
	[tilespmem:$0x4480] =	vst v63  }
0x158: {  	s15 =	sadd.s32 $0x380, s15;
	s31 =	spop (v2sf);
	s18 =	sshll.u32 s21, $0x7  }
0x159: {  	(v2sf) =	vpush v0, $0x7;
	[hbm4b:s15+s3] =	stream.linear.scatter [tilespmem:s14], [sflag:$0x1], $0x80, $0x38;
	[tilespmem:$0x4480] =	vst v63  }
0x15a: {  	s20 =	sand.u32 $0xFFFFE000, s24;
	s30 =	sand.u32 $0x380, s18;
	s14 =	sadd.s32 $0x1F0030, s12  }
0x15b: {  	(v2sf) =	vpush v0, $0x8;
	[hbm4b:s14+s3] =	stream.linear.scatter [tilespmem:s13], [sflag:$0x1], $0x80, $0x38;
	[tilespmem:$0x4480] =	vst v63  }
0x15c: {  	s16 =	sor.u32 s30, s20;
	s20 =	sor.u32 $0x400, s13;
	s21 =	sadd.s32 $0x80, s14  }
0x15d: {  	[hbm4b:s21+s3] =	stream.linear.scatter [tilespmem:s20], [sflag:$0x1], $0x80, $0x38;
	[tilespmem:$0x4480] =	vst v63  }
0x15e: {  	s22 =	sshll.u32 s31, $0xA;
	s23 =	sor.u32 $0x800, s13;
	s24 =	sadd.s32 $0x100, s14  }
0x15f: {  	[hbm4b:s24+s3] =	stream.linear.scatter [tilespmem:s23], [sflag:$0x1], $0x80, $0x38;
	[tilespmem:$0x4480] =	vst v63  }
0x160: {  	s30 =	sor.u32 $0x1400, s13;
	s25 =	sor.u32 $0xC00, s13;
	s26 =	sadd.s32 $0x180, s14  }
0x161: {  	[hbm4b:s26+s3] =	stream.linear.scatter [tilespmem:s25], [sflag:$0x1], $0x80, $0x38;
	[tilespmem:$0x4480] =	vst v63  }
0x162: {  	s28 =	sor.u32 $0x1000, s13;
	s15 =	sshll.u32 s31, $0x7;
	s29 =	sadd.s32 $0x200, s14  }
0x163: {  	[hbm4b:s29+s3] =	stream.linear.scatter [tilespmem:s28], [sflag:$0x1], $0x80, $0x38;
	[tilespmem:$0x4480] =	vst v63  }
0x164: {  	s15 =	sand.u32 $0x380, s15;
	s31 =	sadd.s32 $0x280, s14;
	s20 =	sand.u32 $0xFFFFE000, s22  }
0x165: {  	[hbm4b:s31+s3] =	stream.linear.scatter [tilespmem:s30], [sflag:$0x1], $0x80, $0x38;
	[tilespmem:$0x4480] =	vst v63  }
0x166: {  	s21 =	sor.u32 $0x1800, s13;
	s22 =	sadd.s32 $0x300, s14;
	s13 =	sor.u32 $0x1C00, s13  }
0x167: {  	(v2sf) =	vpush v0, $0x9;
	[hbm4b:s22+s3] =	stream.linear.scatter [tilespmem:s21], [sflag:$0x1], $0x80, $0x38;
	[tilespmem:$0x4480] =	vst v63  }
0x168: {  	s14 =	sadd.s32 $0x380, s14;
	s15 =	sor.u32 s15, s20;
	s23 =	spop (v2sf)  }
0x169: {  	[hbm4b:s14+s3] =	stream.linear.scatter [tilespmem:s13], [sflag:$0x1], $0x80, $0x38;
	[tilespmem:$0x4480] =	vst v63  }
0x16a: {  	s17 =	sshll.u32 s23, $0xA;
	s24 =	spop (v2sf);
	s21 =	sadd.s32 $0x1F0040, s12  }
0x16b: {  	(v2sf) =	vpush v0, $0xA;
	[hbm4b:s21+s3] =	stream.linear.scatter [tilespmem:s19], [sflag:$0x1], $0x80, $0x38;
	[tilespmem:$0x4480] =	vst v63  }
0x16c: {  	s18 =	sshll.u32 s23, $0x7;
	s25 =	sor.u32 $0x400, s19;
	s26 =	sadd.s32 $0x80, s21  }
0x16d: {  	[hbm4b:s26+s3] =	stream.linear.scatter [tilespmem:s25], [sflag:$0x1], $0x80, $0x38;
	[tilespmem:$0x4480] =	vst v63  }
0x16e: {  	s23 =	sshll.u32 s24, $0x7;
	s28 =	sor.u32 $0x800, s19;
	s29 =	sadd.s32 $0x100, s21  }
0x16f: {  	[hbm4b:s29+s3] =	stream.linear.scatter [tilespmem:s28], [sflag:$0x1], $0x80, $0x38;
	[tilespmem:$0x4480] =	vst v63  }
0x170: {  	s30 =	sor.u32 $0xC00, s19;
	s22 =	sshll.u32 s24, $0xA;
	s31 =	sadd.s32 $0x180, s21  }
0x171: {  	[hbm4b:s31+s3] =	stream.linear.scatter [tilespmem:s30], [sflag:$0x1], $0x80, $0x38;
	[tilespmem:$0x4480] =	vst v63  }
0x172: {  	s24 =	sor.u32 $0x1000, s19;
	s13 =	sand.u32 $0xFFFFE000, s22;
	s25 =	sadd.s32 $0x200, s21  }
0x173: {  	[hbm4b:s25+s3] =	stream.linear.scatter [tilespmem:s24], [sflag:$0x1], $0x80, $0x38;
	[tilespmem:$0x4480] =	vst v63  }
0x174: {  	s14 =	sand.u32 $0x380, s23;
	s26 =	sor.u32 $0x1400, s19;
	s28 =	sadd.s32 $0x280, s21  }
0x175: {  	[hbm4b:s28+s3] =	stream.linear.scatter [tilespmem:s26], [sflag:$0x1], $0x80, $0x38;
	[tilespmem:$0x4480] =	vst v63  }
0x176: {  	s29 =	spop (v2sf);
	s30 =	sor.u32 $0x1800, s19;
	s31 =	sadd.s32 $0x300, s21  }
0x177: {  	[hbm4b:s31+s3] =	stream.linear.scatter [tilespmem:s30], [sflag:$0x1], $0x80, $0x38;
	[tilespmem:$0x4480] =	vst v63  }
0x178: {  	s22 =	sshll.u32 s29, $0x7;
	s19 =	sor.u32 $0x1C00, s19;
	s21 =	sadd.s32 $0x380, s21  }
0x179: {  	(v2sf) =	vpush v0, $0xB;
	[hbm4b:s21+s3] =	stream.linear.scatter [tilespmem:s19], [sflag:$0x1], $0x80, $0x38;
	[tilespmem:$0x4480] =	vst v63  }
0x17a: {  	s24 =	sshll.u32 s29, $0xA;
	s29 =	spop (v2sf);
	s19 =	sadd.s32 $0x1F0050, s12  }
0x17b: {  	(v2sf) =	vpush v0, $0xC;
	[hbm4b:s19+s3] =	stream.linear.scatter [tilespmem:s16], [sflag:$0x1], $0x80, $0x38;
	[tilespmem:$0x4480] =	vst v63  }
0x17c: {  	s23 =	sand.u32 $0xFFFFE000, s24;
	s24 =	sor.u32 $0x400, s16;
	s25 =	sadd.s32 $0x80, s19  }
0x17d: {  	[hbm4b:s25+s3] =	stream.linear.scatter [tilespmem:s24], [sflag:$0x1], $0x80, $0x38;
	[tilespmem:$0x4480] =	vst v63  }
0x17e: {  	s26 =	sor.u32 $0x800, s16;
	s30 =	sor.u32 $0xC00, s16;
	s28 =	sadd.s32 $0x100, s19  }
0x17f: {  	[hbm4b:s28+s3] =	stream.linear.scatter [tilespmem:s26], [sflag:$0x1], $0x80, $0x38;
	[tilespmem:$0x4480] =	vst v63  }
0x180: {  	s21 =	sand.u32 $0x380, s22;
	s22 =	sshll.u32 s29, $0xA;
	s31 =	sadd.s32 $0x180, s19  }
0x181: {  	[hbm4b:s31+s3] =	stream.linear.scatter [tilespmem:s30], [sflag:$0x1], $0x80, $0x38;
	[tilespmem:$0x4480] =	vst v63  }
0x182: {  	s20 =	sor.u32 s21, s23;
	s25 =	sor.u32 $0x1000, s16;
	s26 =	sadd.s32 $0x200, s19  }
0x183: {  	[hbm4b:s26+s3] =	stream.linear.scatter [tilespmem:s25], [sflag:$0x1], $0x80, $0x38;
	[tilespmem:$0x4480] =	vst v63  }
0x184: {  	s23 =	sshll.u32 s29, $0x7;
	s29 =	sadd.s32 $0x280, s19;
	s28 =	sor.u32 $0x1400, s16  }
0x185: {  	[hbm4b:s29+s3] =	stream.linear.scatter [tilespmem:s28], [sflag:$0x1], $0x80, $0x38;
	[tilespmem:$0x4480] =	vst v63  }
0x186: {  	s30 =	sor.u32 $0x1800, s16;
	s31 =	sadd.s32 $0x300, s19  }
0x187: {  	[hbm4b:s31+s3] =	stream.linear.scatter [tilespmem:s30], [sflag:$0x1], $0x80, $0x38;
	[tilespmem:$0x4480] =	vst v63  }
0x188: {  	s16 =	sor.u32 $0x1C00, s16;
	s19 =	sadd.s32 $0x380, s19;
	s25 =	spop (v2sf)  }
0x189: {  	[hbm4b:s19+s3] =	stream.linear.scatter [tilespmem:s16], [sflag:$0x1], $0x80, $0x38;
	[tilespmem:$0x4480] =	vst v63  }
0x18a: {  	s26 =	sshll.u32 s25, $0xA;
	s24 =	spop (v2sf);
	s19 =	sadd.s32 $0x1F0060, s12  }
0x18b: {  	[hbm4b:s19+s3] =	stream.linear.scatter [tilespmem:s15], [sflag:$0x1], $0x80, $0x38;
	[tilespmem:$0x4480] =	vst v63  }
0x18c: {  	s21 =	sand.u32 $0xFFFFE000, s26;
	s28 =	sor.u32 $0x400, s15;
	s29 =	sadd.s32 $0x80, s19  }
0x18d: {  	[hbm4b:s29+s3] =	stream.linear.scatter [tilespmem:s28], [sflag:$0x1], $0x80, $0x38;
	[tilespmem:$0x4480] =	vst v63  }
0x18e: {  	s26 =	sshll.u32 s25, $0x7;
	s30 =	sor.u32 $0x800, s15;
	s31 =	sadd.s32 $0x100, s19  }
0x18f: {  	[hbm4b:s31+s3] =	stream.linear.scatter [tilespmem:s30], [sflag:$0x1], $0x80, $0x38;
	[tilespmem:$0x4480] =	vst v63  }
0x190: {  	s16 =	sand.u32 $0x380, s26;
	s26 =	sor.u32 $0xC00, s15;
	s28 =	sadd.s32 $0x180, s19  }
0x191: {  	(v2sf) =	vpush v0, $0xD;
	[hbm4b:s28+s3] =	stream.linear.scatter [tilespmem:s26], [sflag:$0x1], $0x80, $0x38;
	[tilespmem:$0x4480] =	vst v63  }
0x192: {  	s29 =	sshll.u32 s24, $0xA;
	s30 =	sor.u32 $0x1000, s15;
	s31 =	sadd.s32 $0x200, s19  }
0x193: {  	[hbm4b:s31+s3] =	stream.linear.scatter [tilespmem:s30], [sflag:$0x1], $0x80, $0x38;
	[tilespmem:$0x4480] =	vst v63  }
0x194: {  	s26 =	sand.u32 $0xFFFFE000, s29;
	s28 =	sor.u32 $0x1400, s15;
	s29 =	sadd.s32 $0x280, s19  }
0x195: {  	[hbm4b:s29+s3] =	stream.linear.scatter [tilespmem:s28], [sflag:$0x1], $0x80, $0x38;
	[tilespmem:$0x4480] =	vst v63  }
0x196: {  	s18 =	sand.u32 $0x380, s18;
	s30 =	sor.u32 $0x1800, s15;
	s31 =	sadd.s32 $0x300, s19  }
0x197: {  	[hbm4b:s31+s3] =	stream.linear.scatter [tilespmem:s30], [sflag:$0x1], $0x80, $0x38;
	[tilespmem:$0x4480] =	vst v63  }
0x198: {  	s17 =	sand.u32 $0xFFFFE000, s17;
	s15 =	sor.u32 $0x1C00, s15;
	s19 =	sadd.s32 $0x380, s19  }
0x199: {  	[hbm4b:s19+s3] =	stream.linear.scatter [tilespmem:s15], [sflag:$0x1], $0x80, $0x38;
	[tilespmem:$0x4480] =	vst v63  }
0x19a: {  	s18 =	sor.u32 s18, s17;
	s24 =	sshll.u32 s24, $0x7;
	s15 =	sadd.s32 $0x1F0070, s12  }
0x19b: {  	[hbm4b:s15+s3] =	stream.linear.scatter [tilespmem:s18], [sflag:$0x1], $0x80, $0x38;
	[tilespmem:$0x4480] =	vst v63  }
0x19c: {  	s25 =	sor.u32 $0x400, s18;
	s24 =	sand.u32 $0x380, s24;
	s28 =	sadd.s32 $0x80, s15  }
0x19d: {  	(v2sf) =	vpush v0, $0xE;
	[hbm4b:s28+s3] =	stream.linear.scatter [tilespmem:s25], [sflag:$0x1], $0x80, $0x38;
	[tilespmem:$0x4480] =	vst v63  }
0x19e: {  	s17 =	sor.u32 s24, s26;
	s29 =	sor.u32 $0x800, s18;
	s30 =	sadd.s32 $0x100, s15  }
0x19f: {  	[hbm4b:s30+s3] =	stream.linear.scatter [tilespmem:s29], [sflag:$0x1], $0x80, $0x38;
	[tilespmem:$0x4480] =	vst v63  }
0x1a0: {  	s31 =	spop (v2sf);
	s26 =	sadd.s32 $0x180, s15;
	s25 =	sor.u32 $0xC00, s18  }
0x1a1: {  	[hbm4b:s26+s3] =	stream.linear.scatter [tilespmem:s25], [sflag:$0x1], $0x80, $0x38;
	[tilespmem:$0x4480] =	vst v63  }
0x1a2: {  	s24 =	sshll.u32 s31, $0x7;
	s28 =	sor.u32 $0x1000, s18;
	s29 =	sadd.s32 $0x200, s15  }
0x1a3: {  	[hbm4b:s29+s3] =	stream.linear.scatter [tilespmem:s28], [sflag:$0x1], $0x80, $0x38;
	[tilespmem:$0x4480] =	vst v63  }
0x1a4: {  	s19 =	sshll.u32 s31, $0xA;
	s31 =	sadd.s32 $0x280, s15;
	s30 =	sor.u32 $0x1400, s18  }
0x1a5: {  	[hbm4b:s31+s3] =	stream.linear.scatter [tilespmem:s30], [sflag:$0x1], $0x80, $0x38;
	[tilespmem:$0x4480] =	vst v63  }
0x1a6: {  	s16 =	sor.u32 s16, s21;
	s26 =	sor.u32 $0x1800, s18;
	s28 =	sadd.s32 $0x300, s15  }
0x1a7: {  	[hbm4b:s28+s3] =	stream.linear.scatter [tilespmem:s26], [sflag:$0x1], $0x80, $0x38;
	[tilespmem:$0x4480] =	vst v63  }
0x1a8: {  	s18 =	sor.u32 $0x1C00, s18;
	s25 =	sor.u32 s14, s13;
	s30 =	sadd.s32 $0x380, s15  }
0x1a9: {  	(v2sf) =	vpush v0, $0xF;
	[hbm4b:s30+s3] =	stream.linear.scatter [tilespmem:s18], [sflag:$0x1], $0x80, $0x38;
	[tilespmem:$0x4480] =	vst v63  }
0x1aa: {  	s21 =	sand.u32 $0x380, s24;
	s24 =	sadd.s32 $0x1F0400, s12;
	s13 =	sor.u32 $0x400, s25  }
0x1ab: {  	[hbm4b:s24+s3] =	stream.linear.scatter [tilespmem:s25], [sflag:$0x1], $0x80, $0x38;
	[tilespmem:$0x4480] =	vst v63  }
0x1ac: {  	s14 =	sor.u32 $0x800, s25;
	s29 =	spop (v2sf);
	s31 =	sadd.s32 $0x80, s24  }
0x1ad: {  	[hbm4b:s31+s3] =	stream.linear.scatter [tilespmem:s13], [sflag:$0x1], $0x80, $0x38;
	[tilespmem:$0x4480] =	vst v63  }
0x1ae: {  	s15 =	sshll.u32 s29, $0xA;
	s18 =	sshll.u32 s29, $0x7;
	s29 =	sadd.s32 $0x100, s24  }
0x1af: {  	[hbm4b:s29+s3] =	stream.linear.scatter [tilespmem:s14], [sflag:$0x1], $0x80, $0x38;
	[tilespmem:$0x4480] =	vst v63  }
0x1b0: {  	s30 =	sor.u32 $0xC00, s25;
	s29 =	sadd.s32 $0x180, s24  }
0x1b1: {  	[hbm4b:s29+s3] =	stream.linear.scatter [tilespmem:s30], [sflag:$0x1], $0x80, $0x38;
	[tilespmem:$0x4480] =	vst v63  }
0x1b2: {  	s31 =	sor.u32 $0x1000, s25;
	s30 =	sadd.s32 $0x200, s24  }
0x1b3: {  	[hbm4b:s30+s3] =	stream.linear.scatter [tilespmem:s31], [sflag:$0x1], $0x80, $0x38;
	[tilespmem:$0x4480] =	vst v63  }
0x1b4: {  	s29 =	sadd.s32 $0x280, s24;
	s31 =	sor.u32 $0x1400, s25  }
0x1b5: {  	[hbm4b:s29+s3] =	stream.linear.scatter [tilespmem:s31], [sflag:$0x1], $0x80, $0x38;
	[tilespmem:$0x4480] =	vst v63  }
0x1b6: {  	s30 =	sor.u32 $0x1800, s25;
	s31 =	sadd.s32 $0x300, s24  }
0x1b7: {  	[hbm4b:s31+s3] =	stream.linear.scatter [tilespmem:s30], [sflag:$0x1], $0x80, $0x38;
	[tilespmem:$0x4480] =	vst v63  }
0x1b8: {  	s26 =	spop (v2sf);
	s25 =	sor.u32 $0x1C00, s25;
	s24 =	sadd.s32 $0x380, s24  }
0x1b9: {  	[hbm4b:s24+s3] =	stream.linear.scatter [tilespmem:s25], [sflag:$0x1], $0x80, $0x38;
	[tilespmem:$0x4480] =	vst v63  }
0x1ba: {  	s28 =	sshll.u32 s26, $0xA;
	s24 =	sadd.s32 $0x1F0410, s12  }
0x1bb: {  	[hbm4b:s24+s3] =	stream.linear.scatter [tilespmem:s20], [sflag:$0x1], $0x80, $0x38;
	[tilespmem:$0x4480] =	vst v63  }
0x1bc: {  	s13 =	sand.u32 $0xFFFFE000, s28;
	s28 =	sor.u32 $0x400, s20;
	s29 =	sadd.s32 $0x80, s24  }
0x1bd: {  	[hbm4b:s29+s3] =	stream.linear.scatter [tilespmem:s28], [sflag:$0x1], $0x80, $0x38;
	[tilespmem:$0x4480] =	vst v63  }
0x1be: {  	s30 =	sor.u32 $0x800, s20;
	s31 =	sadd.s32 $0x100, s24  }
0x1bf: {  	[hbm4b:s31+s3] =	stream.linear.scatter [tilespmem:s30], [sflag:$0x1], $0x80, $0x38;
	[tilespmem:$0x4480] =	vst v63  }
0x1c0: {  	s28 =	sor.u32 $0xC00, s20;
	s29 =	sadd.s32 $0x180, s24  }
0x1c1: {  	[hbm4b:s29+s3] =	stream.linear.scatter [tilespmem:s28], [sflag:$0x1], $0x80, $0x38;
	[tilespmem:$0x4480] =	vst v63  }
0x1c2: {  	s30 =	sor.u32 $0x1000, s20;
	s31 =	sadd.s32 $0x200, s24  }
0x1c3: {  	[hbm4b:s31+s3] =	stream.linear.scatter [tilespmem:s30], [sflag:$0x1], $0x80, $0x38;
	[tilespmem:$0x4480] =	vst v63  }
0x1c4: {  	s14 =	sshll.u32 s26, $0x7;
	s26 =	sor.u32 $0x1400, s20;
	s29 =	sadd.s32 $0x280, s24  }
0x1c5: {  	[hbm4b:s29+s3] =	stream.linear.scatter [tilespmem:s26], [sflag:$0x1], $0x80, $0x38;
	[tilespmem:$0x4480] =	vst v63  }
0x1c6: {  	s22 =	sand.u32 $0xFFFFE000, s22;
	s30 =	sor.u32 $0x1800, s20;
	s31 =	sadd.s32 $0x300, s24  }
0x1c7: {  	[hbm4b:s31+s3] =	stream.linear.scatter [tilespmem:s30], [sflag:$0x1], $0x80, $0x38;
	[tilespmem:$0x4480] =	vst v63  }
0x1c8: {  	s23 =	sand.u32 $0x380, s23;
	s20 =	sor.u32 $0x1C00, s20;
	s24 =	sadd.s32 $0x380, s24  }
0x1c9: {  	[hbm4b:s24+s3] =	stream.linear.scatter [tilespmem:s20], [sflag:$0x1], $0x80, $0x38;
	[tilespmem:$0x4480] =	vst v63  }
0x1ca: {  	s22 =	sor.u32 s23, s22;
	s28 =	sadd.s32 $0x1F0420, s12  }
0x1cb: {  	[hbm4b:s28+s3] =	stream.linear.scatter [tilespmem:s22], [sflag:$0x1], $0x80, $0x38;
	[tilespmem:$0x4480] =	vst v63  }
0x1cc: {  	s25 =	sadd.s32 $0x80, s28;
	s24 =	sor.u32 $0x400, s22  }
0x1cd: {  	[hbm4b:s25+s3] =	stream.linear.scatter [tilespmem:s24], [sflag:$0x1], $0x80, $0x38;
	[tilespmem:$0x4480] =	vst v63  }
0x1ce: {  	s26 =	sor.u32 $0x800, s22;
	s29 =	sadd.s32 $0x100, s28  }
0x1cf: {  	[hbm4b:s29+s3] =	stream.linear.scatter [tilespmem:s26], [sflag:$0x1], $0x80, $0x38;
	[tilespmem:$0x4480] =	vst v63  }
0x1d0: {  	s30 =	sor.u32 $0xC00, s22;
	s31 =	sadd.s32 $0x180, s28  }
0x1d1: {  	[hbm4b:s31+s3] =	stream.linear.scatter [tilespmem:s30], [sflag:$0x1], $0x80, $0x38;
	[tilespmem:$0x4480] =	vst v63  }
0x1d2: {  	s26 =	sor.u32 $0x1000, s22;
	s29 =	sadd.s32 $0x200, s28  }
0x1d3: {  	[hbm4b:s29+s3] =	stream.linear.scatter [tilespmem:s26], [sflag:$0x1], $0x80, $0x38;
	[tilespmem:$0x4480] =	vst v63  }
0x1d4: {  	s30 =	sor.u32 $0x1400, s22;
	s31 =	sadd.s32 $0x280, s28  }
0x1d5: {  	[hbm4b:s31+s3] =	stream.linear.scatter [tilespmem:s30], [sflag:$0x1], $0x80, $0x38;
	[tilespmem:$0x4480] =	vst v63  }
0x1d6: {  	s26 =	sor.u32 $0x1800, s22;
	s29 =	sadd.s32 $0x300, s28  }
0x1d7: {  	[hbm4b:s29+s3] =	stream.linear.scatter [tilespmem:s26], [sflag:$0x1], $0x80, $0x38;
	[tilespmem:$0x4480] =	vst v63  }
0x1d8: {  	s30 =	sor.u32 $0x1C00, s22;
	s31 =	sadd.s32 $0x380, s28  }
0x1d9: {  	[hbm4b:s31+s3] =	stream.linear.scatter [tilespmem:s30], [sflag:$0x1], $0x80, $0x38;
	[tilespmem:$0x4480] =	vst v63  }
0x1da: {  	s23 =	sadd.s32 $0x1F0430, s12  }
0x1db: {  	[hbm4b:s23+s3] =	stream.linear.scatter [tilespmem:s16], [sflag:$0x1], $0x80, $0x38;
	[tilespmem:$0x4480] =	vst v63  }
0x1dc: {  	s25 =	sor.u32 $0x400, s16;
	s26 =	sadd.s32 $0x80, s23  }
0x1dd: {  	[hbm4b:s26+s3] =	stream.linear.scatter [tilespmem:s25], [sflag:$0x1], $0x80, $0x38;
	[tilespmem:$0x4480] =	vst v63  }
0x1de: {  	s28 =	sor.u32 $0x800, s16;
	s29 =	sadd.s32 $0x100, s23  }
0x1df: {  	[hbm4b:s29+s3] =	stream.linear.scatter [tilespmem:s28], [sflag:$0x1], $0x80, $0x38;
	[tilespmem:$0x4480] =	vst v63  }
0x1e0: {  	s30 =	sor.u32 $0xC00, s16;
	s31 =	sadd.s32 $0x180, s23  }
0x1e1: {  	[hbm4b:s31+s3] =	stream.linear.scatter [tilespmem:s30], [sflag:$0x1], $0x80, $0x38;
	[tilespmem:$0x4480] =	vst v63  }
0x1e2: {  	s25 =	sor.u32 $0x1000, s16;
	s26 =	sadd.s32 $0x200, s23  }
0x1e3: {  	[hbm4b:s26+s3] =	stream.linear.scatter [tilespmem:s25], [sflag:$0x1], $0x80, $0x38;
	[tilespmem:$0x4480] =	vst v63  }
0x1e4: {  	s28 =	sor.u32 $0x1400, s16;
	s29 =	sadd.s32 $0x280, s23  }
0x1e5: {  	[hbm4b:s29+s3] =	stream.linear.scatter [tilespmem:s28], [sflag:$0x1], $0x80, $0x38;
	[tilespmem:$0x4480] =	vst v63  }
0x1e6: {  	s30 =	sor.u32 $0x1800, s16;
	s31 =	sadd.s32 $0x300, s23  }
0x1e7: {  	[hbm4b:s31+s3] =	stream.linear.scatter [tilespmem:s30], [sflag:$0x1], $0x80, $0x38;
	[tilespmem:$0x4480] =	vst v63  }
0x1e8: {  	s16 =	sor.u32 $0x1C00, s16;
	s23 =	sadd.s32 $0x380, s23  }
0x1e9: {  	[hbm4b:s23+s3] =	stream.linear.scatter [tilespmem:s16], [sflag:$0x1], $0x80, $0x38;
	[tilespmem:$0x4480] =	vst v63  }
0x1ea: {  	s22 =	sadd.s32 $0x1F0440, s12  }
0x1eb: {  	[hbm4b:s22+s3] =	stream.linear.scatter [tilespmem:s17], [sflag:$0x1], $0x80, $0x38;
	[tilespmem:$0x4480] =	vst v63  }
0x1ec: {  	s25 =	sor.u32 $0x400, s17;
	s26 =	sadd.s32 $0x80, s22  }
0x1ed: {  	[hbm4b:s26+s3] =	stream.linear.scatter [tilespmem:s25], [sflag:$0x1], $0x80, $0x38;
	[tilespmem:$0x4480] =	vst v63  }
0x1ee: {  	s28 =	sor.u32 $0x800, s17;
	s29 =	sadd.s32 $0x100, s22  }
0x1ef: {  	[hbm4b:s29+s3] =	stream.linear.scatter [tilespmem:s28], [sflag:$0x1], $0x80, $0x38;
	[tilespmem:$0x4480] =	vst v63  }
0x1f0: {  	s30 =	sor.u32 $0xC00, s17;
	s31 =	sadd.s32 $0x180, s22  }
0x1f1: {  	[hbm4b:s31+s3] =	stream.linear.scatter [tilespmem:s30], [sflag:$0x1], $0x80, $0x38;
	[tilespmem:$0x4480] =	vst v63  }
0x1f2: {  	s25 =	sor.u32 $0x1000, s17;
	s26 =	sadd.s32 $0x200, s22  }
0x1f3: {  	[hbm4b:s26+s3] =	stream.linear.scatter [tilespmem:s25], [sflag:$0x1], $0x80, $0x38;
	[tilespmem:$0x4480] =	vst v63  }
0x1f4: {  	s28 =	sor.u32 $0x1400, s17;
	s29 =	sadd.s32 $0x280, s22  }
0x1f5: {  	[hbm4b:s29+s3] =	stream.linear.scatter [tilespmem:s28], [sflag:$0x1], $0x80, $0x38;
	[tilespmem:$0x4480] =	vst v63  }
0x1f6: {  	s30 =	sor.u32 $0x1800, s17;
	s31 =	sadd.s32 $0x300, s22  }
0x1f7: {  	[hbm4b:s31+s3] =	stream.linear.scatter [tilespmem:s30], [sflag:$0x1], $0x80, $0x38;
	[tilespmem:$0x4480] =	vst v63  }
0x1f8: {  	s19 =	sand.u32 $0xFFFFE000, s19;
	s17 =	sor.u32 $0x1C00, s17;
	s25 =	sadd.s32 $0x380, s22  }
0x1f9: {  	[hbm4b:s25+s3] =	stream.linear.scatter [tilespmem:s17], [sflag:$0x1], $0x80, $0x38;
	[tilespmem:$0x4480] =	vst v63  }
0x1fa: {  	s19 =	sor.u32 s21, s19;
	s20 =	sadd.s32 $0x1F0450, s12  }
0x1fb: {  	[hbm4b:s20+s3] =	stream.linear.scatter [tilespmem:s19], [sflag:$0x1], $0x80, $0x38;
	[tilespmem:$0x4480] =	vst v63  }
0x1fc: {  	s26 =	sor.u32 $0x400, s19;
	s28 =	sadd.s32 $0x80, s20  }
0x1fd: {  	[hbm4b:s28+s3] =	stream.linear.scatter [tilespmem:s26], [sflag:$0x1], $0x80, $0x38;
	[tilespmem:$0x4480] =	vst v63  }
0x1fe: {  	s21 =	sor.u32 $0x800, s19;
	s29 =	sadd.s32 $0x100, s20  }
0x1ff: {  	[hbm4b:s29+s3] =	stream.linear.scatter [tilespmem:s21], [sflag:$0x1], $0x80, $0x38;
	[tilespmem:$0x4480] =	vst v63  }
0x200: {  	s30 =	sor.u32 $0xC00, s19;
	s31 =	sadd.s32 $0x180, s20  }
0x201: {  	[hbm4b:s31+s3] =	stream.linear.scatter [tilespmem:s30], [sflag:$0x1], $0x80, $0x38;
	[tilespmem:$0x4480] =	vst v63  }
0x202: {  	s24 =	sadd.s32 $0x200, s20;
	s23 =	sor.u32 $0x1000, s19  }
0x203: {  	[hbm4b:s24+s3] =	stream.linear.scatter [tilespmem:s23], [sflag:$0x1], $0x80, $0x38;
	[tilespmem:$0x4480] =	vst v63  }
0x204: {  	s25 =	sor.u32 $0x1400, s19;
	s26 =	sadd.s32 $0x280, s20  }
0x205: {  	[hbm4b:s26+s3] =	stream.linear.scatter [tilespmem:s25], [sflag:$0x1], $0x80, $0x38;
	[tilespmem:$0x4480] =	vst v63  }
0x206: {  	s15 =	sand.u32 $0xFFFFE000, s15;
	s28 =	sor.u32 $0x1800, s19;
	s29 =	sadd.s32 $0x300, s20  }
0x207: {  	[hbm4b:s29+s3] =	stream.linear.scatter [tilespmem:s28], [sflag:$0x1], $0x80, $0x38;
	[tilespmem:$0x4480] =	vst v63  }
0x208: {  	s18 =	sand.u32 $0x380, s18;
	s30 =	sor.u32 $0x1C00, s19;
	s31 =	sadd.s32 $0x380, s20  }
0x209: {  	[hbm4b:s31+s3] =	stream.linear.scatter [tilespmem:s30], [sflag:$0x1], $0x80, $0x38;
	[tilespmem:$0x4480] =	vst v63  }
0x20a: {  	s15 =	sor.u32 s18, s15;
	s19 =	sadd.s32 $0x1F0460, s12  }
0x20b: {  	[hbm4b:s19+s3] =	stream.linear.scatter [tilespmem:s15], [sflag:$0x1], $0x80, $0x38;
	[tilespmem:$0x4480] =	vst v63  }
0x20c: {  	s20 =	sor.u32 $0x400, s15;
	s21 =	sadd.s32 $0x80, s19  }
0x20d: {  	[hbm4b:s21+s3] =	stream.linear.scatter [tilespmem:s20], [sflag:$0x1], $0x80, $0x38;
	[tilespmem:$0x4480] =	vst v63  }
0x20e: {  	s18 =	sor.u32 $0x800, s15;
	s22 =	sadd.s32 $0x100, s19  }
0x20f: {  	[hbm4b:s22+s3] =	stream.linear.scatter [tilespmem:s18], [sflag:$0x1], $0x80, $0x38;
	[tilespmem:$0x4480] =	vst v63  }
0x210: {  	s23 =	sor.u32 $0xC00, s15;
	s24 =	sadd.s32 $0x180, s19  }
0x211: {  	[hbm4b:s24+s3] =	stream.linear.scatter [tilespmem:s23], [sflag:$0x1], $0x80, $0x38;
	[tilespmem:$0x4480] =	vst v63  }
0x212: {  	s25 =	sor.u32 $0x1000, s15;
	s26 =	sadd.s32 $0x200, s19  }
0x213: {  	[hbm4b:s26+s3] =	stream.linear.scatter [tilespmem:s25], [sflag:$0x1], $0x80, $0x38;
	[tilespmem:$0x4480] =	vst v63  }
0x214: {  	s28 =	sor.u32 $0x1400, s15;
	s29 =	sadd.s32 $0x280, s19  }
0x215: {  	[hbm4b:s29+s3] =	stream.linear.scatter [tilespmem:s28], [sflag:$0x1], $0x80, $0x38;
	[tilespmem:$0x4480] =	vst v63  }
0x216: {  	s30 =	sor.u32 $0x1800, s15;
	s31 =	sadd.s32 $0x300, s19  }
0x217: {  	[hbm4b:s31+s3] =	stream.linear.scatter [tilespmem:s30], [sflag:$0x1], $0x80, $0x38;
	[tilespmem:$0x4480] =	vst v63  }
0x218: {  	s14 =	sand.u32 $0x380, s14;
	s15 =	sor.u32 $0x1C00, s15;
	s19 =	sadd.s32 $0x380, s19  }
0x219: {  	[hbm4b:s19+s3] =	stream.linear.scatter [tilespmem:s15], [sflag:$0x1], $0x80, $0x38;
	[tilespmem:$0x4480] =	vst v63  }
0x21a: {  	s13 =	sor.u32 s14, s13;
	s20 =	sadd.s32 $0x1F0470, s12  }
0x21b: {  	[hbm4b:s20+s3] =	stream.linear.scatter [tilespmem:s13], [sflag:$0x1], $0x80, $0x38;
	[tilespmem:$0x4480] =	vst v63  }
0x21c: {  	p1 =	sne.s32 s10, $0x20800;
	s21 =	sor.u32 $0x400, s13;
	s22 =	sadd.s32 $0x80, s20  }
0x21d: {  	[hbm4b:s22+s3] =	stream.linear.scatter [tilespmem:s21], [sflag:$0x1], $0x80, $0x38;
	[tilespmem:$0x4480] =	vst v63  }
0x21e: {  	s10 =	sadd.s32 $0x800, s10;
	s23 =	sor.u32 $0x800, s13;
	s24 =	sadd.s32 $0x100, s20  }
0x21f: {  	[hbm4b:s24+s3] =	stream.linear.scatter [tilespmem:s23], [sflag:$0x1], $0x80, $0x38;
	[tilespmem:$0x4480] =	vst v63  }
0x220: {  	s11 =	sadd.s32 $0x10, s11;
	s25 =	sor.u32 $0xC00, s13;
	s26 =	sadd.s32 $0x180, s20  }
0x221: {  	[hbm4b:s26+s3] =	stream.linear.scatter [tilespmem:s25], [sflag:$0x1], $0x80, $0x38;
	[tilespmem:$0x4480] =	vst v63  }
.Ltmp3:
0x222: {  	s12 =	sor.u32 $0x1800, s13;
	s14 =	sadd.s32 $0x300, s20;
	(pc) =	sbr.rel @p1 .LBB2_8-.Ltmp3, $4  }
0x223: {  	s28 =	sor.u32 $0x1000, s13;
	s29 =	sadd.s32 $0x200, s20;
	s30 =	sor.u32 $0x1400, s13  }
0x224: {  	[hbm4b:s29+s3] =	stream.linear.scatter [tilespmem:s28], [sflag:$0x1], $0x80, $0x38;
	[tilespmem:$0x4480] =	vst v63  }
0x225: {  	s31 =	sadd.s32 $0x280, s20;
	s15 =	sadd.s32 $0x380, s20;
	s13 =	sor.u32 $0x1C00, s13  }
0x226: {  	[hbm4b:s31+s3] =	stream.linear.scatter [tilespmem:s30], [sflag:$0x1], $0x80, $0x38;
	[tilespmem:$0x4480] =	vst v63  }
0x227: {  	[hbm4b:s14+s3] =	stream.linear.scatter [tilespmem:s12], [sflag:$0x1], $0x80, $0x38;
	[tilespmem:$0x4480] =	vst v63  }
0x228: {  	_ = 	snop  }
0x229: {  	[hbm4b:s15+s3] =	stream.linear.scatter [tilespmem:s13], [sflag:$0x1], $0x80, $0x38;
	[tilespmem:$0x4480] =	vst v63  }
0x22a: {  	_ =	swait.ge [sflag:s8], $0x400  }
0x22b: {  	s10 =	simm.s32 $0x41F;
	[sflag:s8] =	ssyncset.done $0x0  }
.LBB2_10:
0x22c: {  	p1 =	sne.s32 s10, $0x1;
	s10 =	sadd.s32 $0xFFFFFFFF, s10;
	[sflag:s8] =	ssyncadd.s32 $0xFFFFFC00  }
.Ltmp4:
0x22d: {  	(pc) =	sbr.rel @p1 .LBB2_10-.Ltmp4, $3  }
0x22e: {  	_ =	sdelay $0x1  }
0x22f: {  	_ =	swait.ge [sflag:s8], $0x400  }
0x230: {  	[sflag:s8] =	ssyncset.done $0x0  }
.Ltmp5:
0x231: {  	_ = 	snop;
	(pc) =	sbr.rel .LBB2_11-.Ltmp5, $1  }
0x232: {  	_ =	sdelay $0x3  }
.LBB2_2:
0x233: {  	[tilespmem:s11], [sflag:$0x2] =	stream.linear.gather [hbm4b:s4+s10], $0x3E0, $0x38;
	[tilespmem:$0x4480] =	vst v63  }
0x234: {  	_ =	swait.ge [sflag:s7], $0x3E0  }
0x235: {  	[sflag:s7] =	ssyncset.done $0x0  }
0x236: {  	[sflag:s7] =	ssyncadd.s32 $0xFFFFFC20  }
0x237: {  	v0 =	vld [tilespmem:s11+$0x0];
	_ =	sdelay $0x4  }
0x238: {  	(v2sf) =	vpush v0, $0x0;
	_ =	sdelay $0x8  }
0x239: {  	(v2sf) =	vpush v0, $0x1;
	_ =	sdelay $0x5  }
0x23a: {  	s18 =	spop (v2sf)  }
0x23b: {  	s12 =	sshll.u32 s18, $0xA;
	s11 =	sshll.u32 s18, $0x7  }
0x23c: {  	s17 =	rddreg [dreg:$0x4];
	s12 =	sand.u32 $0xFFFFE000, s12;
	s13 =	sand.u32 $0x380, s11  }
0x23d: {  	s11 =	sadd.s32 $0x0, s17;
	s19 =	sor.u32 s13, s12  }
0x23e: {  	[hbm4b:s11+s3] =	stream.linear.scatter [tilespmem:s19], [sflag:$0x1], $0x80, $0x38;
	[tilespmem:$0x4480] =	vst v63  }
0x23f: {  	s20 =	sadd.s32 $0x80, s11;
	s13 =	sor.u32 $0x400, s19  }
0x240: {  	[hbm4b:s20+s3] =	stream.linear.scatter [tilespmem:s13], [sflag:$0x1], $0x80, $0x38;
	[tilespmem:$0x4480] =	vst v63  }
0x241: {  	s22 =	sadd.s32 $0x100, s11;
	s21 =	sor.u32 $0x800, s19  }
0x242: {  	[hbm4b:s22+s3] =	stream.linear.scatter [tilespmem:s21], [sflag:$0x1], $0x80, $0x38;
	[tilespmem:$0x4480] =	vst v63  }
0x243: {  	s23 =	spop (v2sf);
	s14 =	sadd.s32 $0x180, s11;
	s24 =	sor.u32 $0xC00, s19  }
0x244: {  	(v2sf) =	vpush v0, $0x2;
	[hbm4b:s14+s3] =	stream.linear.scatter [tilespmem:s24], [sflag:$0x1], $0x80, $0x38;
	[tilespmem:$0x4480] =	vst v63  }
0x245: {  	s25 =	sshll.u32 s23, $0xA;
	s15 =	sadd.s32 $0x200, s11;
	s26 =	sor.u32 $0x1000, s19  }
0x246: {  	[hbm4b:s15+s3] =	stream.linear.scatter [tilespmem:s26], [sflag:$0x1], $0x80, $0x38;
	[tilespmem:$0x4480] =	vst v63  }
0x247: {  	s12 =	sshll.u32 s23, $0x7;
	s29 =	sadd.s32 $0x280, s11;
	s28 =	sor.u32 $0x1400, s19  }
0x248: {  	[hbm4b:s29+s3] =	stream.linear.scatter [tilespmem:s28], [sflag:$0x1], $0x80, $0x38;
	[tilespmem:$0x4480] =	vst v63  }
0x249: {  	s31 =	sadd.s32 $0x300, s11;
	s30 =	sor.u32 $0x1800, s19;
	s12 =	sand.u32 $0x380, s12  }
0x24a: {  	[hbm4b:s31+s3] =	stream.linear.scatter [tilespmem:s30], [sflag:$0x1], $0x80, $0x38;
	[tilespmem:$0x4480] =	vst v63  }
0x24b: {  	s10 =	sor.u32 $0x1C00, s19;
	s13 =	sand.u32 $0xFFFFE000, s25;
	s15 =	sadd.s32 $0x380, s11  }
0x24c: {  	[hbm4b:s15+s3] =	stream.linear.scatter [tilespmem:s10], [sflag:$0x1], $0x80, $0x38;
	[tilespmem:$0x4480] =	vst v63  }
0x24d: {  	s16 =	sadd.s32 $0x10, s11;
	s12 =	sor.u32 s12, s13  }
0x24e: {  	[hbm4b:s16+s3] =	stream.linear.scatter [tilespmem:s12], [sflag:$0x1], $0x80, $0x38;
	[tilespmem:$0x4480] =	vst v63  }
0x24f: {  	s18 =	sadd.s32 $0x90, s11;
	s17 =	sor.u32 $0x400, s12  }
0x250: {  	[hbm4b:s18+s3] =	stream.linear.scatter [tilespmem:s17], [sflag:$0x1], $0x80, $0x38;
	[tilespmem:$0x4480] =	vst v63  }
0x251: {  	s20 =	sadd.s32 $0x110, s11;
	s19 =	sor.u32 $0x800, s12  }
0x252: {  	[hbm4b:s20+s3] =	stream.linear.scatter [tilespmem:s19], [sflag:$0x1], $0x80, $0x38;
	[tilespmem:$0x4480] =	vst v63  }
0x253: {  	s23 =	sadd.s32 $0x190, s11;
	s22 =	sor.u32 $0xC00, s12;
	s21 =	spop (v2sf)  }
0x254: {  	(v2sf) =	vpush v0, $0x3;
	[hbm4b:s23+s3] =	stream.linear.scatter [tilespmem:s22], [sflag:$0x1], $0x80, $0x38;
	[tilespmem:$0x4480] =	vst v63  }
0x255: {  	s25 =	sor.u32 $0x1000, s12;
	s26 =	sadd.s32 $0x210, s11;
	s28 =	sor.u32 $0x1400, s12  }
0x256: {  	[hbm4b:s26+s3] =	stream.linear.scatter [tilespmem:s25], [sflag:$0x1], $0x80, $0x38;
	[tilespmem:$0x4480] =	vst v63  }
0x257: {  	s29 =	sadd.s32 $0x290, s11;
	s24 =	sshll.u32 s21, $0xA;
	s30 =	sor.u32 $0x1800, s12  }
0x258: {  	[hbm4b:s29+s3] =	stream.linear.scatter [tilespmem:s28], [sflag:$0x1], $0x80, $0x38;
	[tilespmem:$0x4480] =	vst v63  }
0x259: {  	s31 =	sadd.s32 $0x310, s11;
	s13 =	sand.u32 $0xFFFFE000, s24;
	s10 =	sshll.u32 s21, $0x7  }
0x25a: {  	[hbm4b:s31+s3] =	stream.linear.scatter [tilespmem:s30], [sflag:$0x1], $0x80, $0x38;
	[tilespmem:$0x4480] =	vst v63  }
0x25b: {  	s15 =	sadd.s32 $0x390, s11;
	s10 =	sand.u32 $0x380, s10;
	s12 =	sor.u32 $0x1C00, s12  }
0x25c: {  	[hbm4b:s15+s3] =	stream.linear.scatter [tilespmem:s12], [sflag:$0x1], $0x80, $0x38;
	[tilespmem:$0x4480] =	vst v63  }
0x25d: {  	s16 =	sadd.s32 $0x20, s11;
	s10 =	sor.u32 s10, s13  }
0x25e: {  	[hbm4b:s16+s3] =	stream.linear.scatter [tilespmem:s10], [sflag:$0x1], $0x80, $0x38;
	[tilespmem:$0x4480] =	vst v63  }
0x25f: {  	s17 =	sor.u32 $0x400, s10;
	s18 =	sadd.s32 $0xA0, s11  }
0x260: {  	[hbm4b:s18+s3] =	stream.linear.scatter [tilespmem:s17], [sflag:$0x1], $0x80, $0x38;
	[tilespmem:$0x4480] =	vst v63  }
0x261: {  	s19 =	sor.u32 $0x800, s10;
	s20 =	sadd.s32 $0x120, s11  }
0x262: {  	[hbm4b:s20+s3] =	stream.linear.scatter [tilespmem:s19], [sflag:$0x1], $0x80, $0x38;
	[tilespmem:$0x4480] =	vst v63  }
0x263: {  	s22 =	sor.u32 $0xC00, s10;
	s23 =	sadd.s32 $0x1A0, s11;
	s21 =	spop (v2sf)  }
0x264: {  	(v2sf) =	vpush v0, $0x4;
	[hbm4b:s23+s3] =	stream.linear.scatter [tilespmem:s22], [sflag:$0x1], $0x80, $0x38;
	[tilespmem:$0x4480] =	vst v63  }
0x265: {  	s25 =	sor.u32 $0x1000, s10;
	s26 =	sadd.s32 $0x220, s11;
	s24 =	sshll.u32 s21, $0xA  }
0x266: {  	[hbm4b:s26+s3] =	stream.linear.scatter [tilespmem:s25], [sflag:$0x1], $0x80, $0x38;
	[tilespmem:$0x4480] =	vst v63  }
0x267: {  	s28 =	sor.u32 $0x1400, s10;
	s29 =	sadd.s32 $0x2A0, s11;
	s13 =	sand.u32 $0xFFFFE000, s24  }
0x268: {  	[hbm4b:s29+s3] =	stream.linear.scatter [tilespmem:s28], [sflag:$0x1], $0x80, $0x38;
	[tilespmem:$0x4480] =	vst v63  }
0x269: {  	s30 =	sor.u32 $0x1800, s10;
	s31 =	sadd.s32 $0x320, s11;
	s12 =	sshll.u32 s21, $0x7  }
0x26a: {  	[hbm4b:s31+s3] =	stream.linear.scatter [tilespmem:s30], [sflag:$0x1], $0x80, $0x38;
	[tilespmem:$0x4480] =	vst v63  }
0x26b: {  	s15 =	sadd.s32 $0x3A0, s11;
	s12 =	sand.u32 $0x380, s12;
	s10 =	sor.u32 $0x1C00, s10  }
0x26c: {  	[hbm4b:s15+s3] =	stream.linear.scatter [tilespmem:s10], [sflag:$0x1], $0x80, $0x38;
	[tilespmem:$0x4480] =	vst v63  }
0x26d: {  	s16 =	sadd.s32 $0x30, s11;
	s10 =	sor.u32 s12, s13  }
0x26e: {  	[hbm4b:s16+s3] =	stream.linear.scatter [tilespmem:s10], [sflag:$0x1], $0x80, $0x38;
	[tilespmem:$0x4480] =	vst v63  }
0x26f: {  	s18 =	sadd.s32 $0xB0, s11;
	s17 =	sor.u32 $0x400, s10  }
0x270: {  	[hbm4b:s18+s3] =	stream.linear.scatter [tilespmem:s17], [sflag:$0x1], $0x80, $0x38;
	[tilespmem:$0x4480] =	vst v63  }
0x271: {  	s20 =	sadd.s32 $0x130, s11;
	s19 =	sor.u32 $0x800, s10  }
0x272: {  	[hbm4b:s20+s3] =	stream.linear.scatter [tilespmem:s19], [sflag:$0x1], $0x80, $0x38;
	[tilespmem:$0x4480] =	vst v63  }
0x273: {  	s23 =	sadd.s32 $0x1B0, s11;
	s21 =	spop (v2sf);
	s22 =	sor.u32 $0xC00, s10  }
0x274: {  	(v2sf) =	vpush v0, $0x5;
	[hbm4b:s23+s3] =	stream.linear.scatter [tilespmem:s22], [sflag:$0x1], $0x80, $0x38;
	[tilespmem:$0x4480] =	vst v63  }
0x275: {  	s26 =	sadd.s32 $0x230, s11;
	s24 =	sshll.u32 s21, $0xA;
	s25 =	sor.u32 $0x1000, s10  }
0x276: {  	[hbm4b:s26+s3] =	stream.linear.scatter [tilespmem:s25], [sflag:$0x1], $0x80, $0x38;
	[tilespmem:$0x4480] =	vst v63  }
0x277: {  	s29 =	sadd.s32 $0x2B0, s11;
	s31 =	sadd.s32 $0x330, s11;
	s28 =	sor.u32 $0x1400, s10  }
0x278: {  	[hbm4b:s29+s3] =	stream.linear.scatter [tilespmem:s28], [sflag:$0x1], $0x80, $0x38;
	[tilespmem:$0x4480] =	vst v63  }
0x279: {  	s13 =	sand.u32 $0xFFFFE000, s24;
	s12 =	sshll.u32 s21, $0x7;
	s30 =	sor.u32 $0x1800, s10  }
0x27a: {  	[hbm4b:s31+s3] =	stream.linear.scatter [tilespmem:s30], [sflag:$0x1], $0x80, $0x38;
	[tilespmem:$0x4480] =	vst v63  }
0x27b: {  	s15 =	sadd.s32 $0x3B0, s11;
	s12 =	sand.u32 $0x380, s12;
	s10 =	sor.u32 $0x1C00, s10  }
0x27c: {  	[hbm4b:s15+s3] =	stream.linear.scatter [tilespmem:s10], [sflag:$0x1], $0x80, $0x38;
	[tilespmem:$0x4480] =	vst v63  }
0x27d: {  	s16 =	sadd.s32 $0x40, s11;
	s10 =	sor.u32 s12, s13  }
0x27e: {  	[hbm4b:s16+s3] =	stream.linear.scatter [tilespmem:s10], [sflag:$0x1], $0x80, $0x38;
	[tilespmem:$0x4480] =	vst v63  }
0x27f: {  	s18 =	sadd.s32 $0xC0, s11;
	s17 =	sor.u32 $0x400, s10  }
0x280: {  	[hbm4b:s18+s3] =	stream.linear.scatter [tilespmem:s17], [sflag:$0x1], $0x80, $0x38;
	[tilespmem:$0x4480] =	vst v63  }
0x281: {  	s20 =	sadd.s32 $0x140, s11;
	s19 =	sor.u32 $0x800, s10  }
0x282: {  	[hbm4b:s20+s3] =	stream.linear.scatter [tilespmem:s19], [sflag:$0x1], $0x80, $0x38;
	[tilespmem:$0x4480] =	vst v63  }
0x283: {  	s23 =	sadd.s32 $0x1C0, s11;
	s21 =	spop (v2sf);
	s22 =	sor.u32 $0xC00, s10  }
0x284: {  	(v2sf) =	vpush v0, $0x6;
	[hbm4b:s23+s3] =	stream.linear.scatter [tilespmem:s22], [sflag:$0x1], $0x80, $0x38;
	[tilespmem:$0x4480] =	vst v63  }
0x285: {  	s26 =	sadd.s32 $0x240, s11;
	s24 =	sshll.u32 s21, $0xA;
	s25 =	sor.u32 $0x1000, s10  }
0x286: {  	[hbm4b:s26+s3] =	stream.linear.scatter [tilespmem:s25], [sflag:$0x1], $0x80, $0x38;
	[tilespmem:$0x4480] =	vst v63  }
0x287: {  	s29 =	sadd.s32 $0x2C0, s11;
	s31 =	sadd.s32 $0x340, s11;
	s28 =	sor.u32 $0x1400, s10  }
0x288: {  	[hbm4b:s29+s3] =	stream.linear.scatter [tilespmem:s28], [sflag:$0x1], $0x80, $0x38;
	[tilespmem:$0x4480] =	vst v63  }
0x289: {  	s12 =	sshll.u32 s21, $0x7;
	s13 =	sand.u32 $0xFFFFE000, s24;
	s30 =	sor.u32 $0x1800, s10  }
0x28a: {  	[hbm4b:s31+s3] =	stream.linear.scatter [tilespmem:s30], [sflag:$0x1], $0x80, $0x38;
	[tilespmem:$0x4480] =	vst v63  }
0x28b: {  	s15 =	sadd.s32 $0x3C0, s11;
	s12 =	sand.u32 $0x380, s12;
	s10 =	sor.u32 $0x1C00, s10  }
0x28c: {  	[hbm4b:s15+s3] =	stream.linear.scatter [tilespmem:s10], [sflag:$0x1], $0x80, $0x38;
	[tilespmem:$0x4480] =	vst v63  }
0x28d: {  	s16 =	sadd.s32 $0x50, s11;
	s10 =	sor.u32 s12, s13  }
0x28e: {  	[hbm4b:s16+s3] =	stream.linear.scatter [tilespmem:s10], [sflag:$0x1], $0x80, $0x38;
	[tilespmem:$0x4480] =	vst v63  }
0x28f: {  	s18 =	sadd.s32 $0xD0, s11;
	s17 =	sor.u32 $0x400, s10  }
0x290: {  	[hbm4b:s18+s3] =	stream.linear.scatter [tilespmem:s17], [sflag:$0x1], $0x80, $0x38;
	[tilespmem:$0x4480] =	vst v63  }
0x291: {  	s20 =	sadd.s32 $0x150, s11;
	s19 =	sor.u32 $0x800, s10  }
0x292: {  	[hbm4b:s20+s3] =	stream.linear.scatter [tilespmem:s19], [sflag:$0x1], $0x80, $0x38;
	[tilespmem:$0x4480] =	vst v63  }
0x293: {  	s23 =	sadd.s32 $0x1D0, s11;
	s21 =	spop (v2sf);
	s22 =	sor.u32 $0xC00, s10  }
0x294: {  	(v2sf) =	vpush v0, $0x7;
	[hbm4b:s23+s3] =	stream.linear.scatter [tilespmem:s22], [sflag:$0x1], $0x80, $0x38;
	[tilespmem:$0x4480] =	vst v63  }
0x295: {  	s24 =	sshll.u32 s21, $0xA;
	s26 =	sadd.s32 $0x250, s11;
	s25 =	sor.u32 $0x1000, s10  }
0x296: {  	[hbm4b:s26+s3] =	stream.linear.scatter [tilespmem:s25], [sflag:$0x1], $0x80, $0x38;
	[tilespmem:$0x4480] =	vst v63  }
0x297: {  	s29 =	sadd.s32 $0x2D0, s11;
	s31 =	sadd.s32 $0x350, s11;
	s28 =	sor.u32 $0x1400, s10  }
0x298: {  	[hbm4b:s29+s3] =	stream.linear.scatter [tilespmem:s28], [sflag:$0x1], $0x80, $0x38;
	[tilespmem:$0x4480] =	vst v63  }
0x299: {  	s12 =	sshll.u32 s21, $0x7;
	s13 =	sand.u32 $0xFFFFE000, s24;
	s30 =	sor.u32 $0x1800, s10  }
0x29a: {  	[hbm4b:s31+s3] =	stream.linear.scatter [tilespmem:s30], [sflag:$0x1], $0x80, $0x38;
	[tilespmem:$0x4480] =	vst v63  }
0x29b: {  	s15 =	sadd.s32 $0x3D0, s11;
	s12 =	sand.u32 $0x380, s12;
	s10 =	sor.u32 $0x1C00, s10  }
0x29c: {  	[hbm4b:s15+s3] =	stream.linear.scatter [tilespmem:s10], [sflag:$0x1], $0x80, $0x38;
	[tilespmem:$0x4480] =	vst v63  }
0x29d: {  	s16 =	sadd.s32 $0x60, s11;
	s10 =	sor.u32 s12, s13  }
0x29e: {  	[hbm4b:s16+s3] =	stream.linear.scatter [tilespmem:s10], [sflag:$0x1], $0x80, $0x38;
	[tilespmem:$0x4480] =	vst v63  }
0x29f: {  	s18 =	sadd.s32 $0xE0, s11;
	s17 =	sor.u32 $0x400, s10  }
0x2a0: {  	[hbm4b:s18+s3] =	stream.linear.scatter [tilespmem:s17], [sflag:$0x1], $0x80, $0x38;
	[tilespmem:$0x4480] =	vst v63  }
0x2a1: {  	s20 =	sadd.s32 $0x160, s11;
	s19 =	sor.u32 $0x800, s10  }
0x2a2: {  	[hbm4b:s20+s3] =	stream.linear.scatter [tilespmem:s19], [sflag:$0x1], $0x80, $0x38;
	[tilespmem:$0x4480] =	vst v63  }
0x2a3: {  	s21 =	spop (v2sf);
	s23 =	sadd.s32 $0x1E0, s11;
	s22 =	sor.u32 $0xC00, s10  }
0x2a4: {  	(v2sf) =	vpush v0, $0x8;
	[hbm4b:s23+s3] =	stream.linear.scatter [tilespmem:s22], [sflag:$0x1], $0x80, $0x38;
	[tilespmem:$0x4480] =	vst v63  }
0x2a5: {  	s24 =	sshll.u32 s21, $0xA;
	s26 =	sadd.s32 $0x260, s11;
	s25 =	sor.u32 $0x1000, s10  }
0x2a6: {  	[hbm4b:s26+s3] =	stream.linear.scatter [tilespmem:s25], [sflag:$0x1], $0x80, $0x38;
	[tilespmem:$0x4480] =	vst v63  }
0x2a7: {  	s29 =	sadd.s32 $0x2E0, s11;
	s31 =	sadd.s32 $0x360, s11;
	s28 =	sor.u32 $0x1400, s10  }
0x2a8: {  	[hbm4b:s29+s3] =	stream.linear.scatter [tilespmem:s28], [sflag:$0x1], $0x80, $0x38;
	[tilespmem:$0x4480] =	vst v63  }
0x2a9: {  	s12 =	sshll.u32 s21, $0x7;
	s13 =	sand.u32 $0xFFFFE000, s24;
	s30 =	sor.u32 $0x1800, s10  }
0x2aa: {  	[hbm4b:s31+s3] =	stream.linear.scatter [tilespmem:s30], [sflag:$0x1], $0x80, $0x38;
	[tilespmem:$0x4480] =	vst v63  }
0x2ab: {  	s15 =	sadd.s32 $0x3E0, s11;
	s12 =	sand.u32 $0x380, s12;
	s10 =	sor.u32 $0x1C00, s10  }
0x2ac: {  	[hbm4b:s15+s3] =	stream.linear.scatter [tilespmem:s10], [sflag:$0x1], $0x80, $0x38;
	[tilespmem:$0x4480] =	vst v63  }
0x2ad: {  	s16 =	sadd.s32 $0x70, s11;
	s10 =	sor.u32 s12, s13  }
0x2ae: {  	[hbm4b:s16+s3] =	stream.linear.scatter [tilespmem:s10], [sflag:$0x1], $0x80, $0x38;
	[tilespmem:$0x4480] =	vst v63  }
0x2af: {  	s18 =	sadd.s32 $0xF0, s11;
	s17 =	sor.u32 $0x400, s10  }
0x2b0: {  	[hbm4b:s18+s3] =	stream.linear.scatter [tilespmem:s17], [sflag:$0x1], $0x80, $0x38;
	[tilespmem:$0x4480] =	vst v63  }
0x2b1: {  	s20 =	sadd.s32 $0x170, s11;
	s19 =	sor.u32 $0x800, s10  }
0x2b2: {  	[hbm4b:s20+s3] =	stream.linear.scatter [tilespmem:s19], [sflag:$0x1], $0x80, $0x38;
	[tilespmem:$0x4480] =	vst v63  }
0x2b3: {  	s21 =	spop (v2sf);
	s23 =	sadd.s32 $0x1F0, s11;
	s22 =	sor.u32 $0xC00, s10  }
0x2b4: {  	(v2sf) =	vpush v0, $0x9;
	[hbm4b:s23+s3] =	stream.linear.scatter [tilespmem:s22], [sflag:$0x1], $0x80, $0x38;
	[tilespmem:$0x4480] =	vst v63  }
0x2b5: {  	s24 =	sshll.u32 s21, $0xA;
	s26 =	sadd.s32 $0x270, s11;
	s25 =	sor.u32 $0x1000, s10  }
0x2b6: {  	[hbm4b:s26+s3] =	stream.linear.scatter [tilespmem:s25], [sflag:$0x1], $0x80, $0x38;
	[tilespmem:$0x4480] =	vst v63  }
0x2b7: {  	s29 =	sadd.s32 $0x2F0, s11;
	s31 =	sadd.s32 $0x370, s11;
	s28 =	sor.u32 $0x1400, s10  }
0x2b8: {  	[hbm4b:s29+s3] =	stream.linear.scatter [tilespmem:s28], [sflag:$0x1], $0x80, $0x38;
	[tilespmem:$0x4480] =	vst v63  }
0x2b9: {  	s12 =	sshll.u32 s21, $0x7;
	s13 =	sand.u32 $0xFFFFE000, s24;
	s30 =	sor.u32 $0x1800, s10  }
0x2ba: {  	[hbm4b:s31+s3] =	stream.linear.scatter [tilespmem:s30], [sflag:$0x1], $0x80, $0x38;
	[tilespmem:$0x4480] =	vst v63  }
0x2bb: {  	s15 =	sadd.s32 $0x3F0, s11;
	s12 =	sand.u32 $0x380, s12;
	s10 =	sor.u32 $0x1C00, s10  }
0x2bc: {  	[hbm4b:s15+s3] =	stream.linear.scatter [tilespmem:s10], [sflag:$0x1], $0x80, $0x38;
	[tilespmem:$0x4480] =	vst v63  }
0x2bd: {  	s16 =	sadd.s32 $0x400, s11;
	s12 =	sor.u32 s12, s13  }
0x2be: {  	[hbm4b:s16+s3] =	stream.linear.scatter [tilespmem:s12], [sflag:$0x1], $0x80, $0x38;
	[tilespmem:$0x4480] =	vst v63  }
0x2bf: {  	s17 =	sor.u32 $0x400, s12;
	s18 =	sadd.s32 $0x480, s11  }
0x2c0: {  	[hbm4b:s18+s3] =	stream.linear.scatter [tilespmem:s17], [sflag:$0x1], $0x80, $0x38;
	[tilespmem:$0x4480] =	vst v63  }
0x2c1: {  	s19 =	sor.u32 $0x800, s12;
	s20 =	sadd.s32 $0x500, s11  }
0x2c2: {  	[hbm4b:s20+s3] =	stream.linear.scatter [tilespmem:s19], [sflag:$0x1], $0x80, $0x38;
	[tilespmem:$0x4480] =	vst v63  }
0x2c3: {  	s21 =	spop (v2sf);
	s22 =	sor.u32 $0xC00, s12;
	s23 =	sadd.s32 $0x580, s11  }
0x2c4: {  	(v2sf) =	vpush v0, $0xA;
	[hbm4b:s23+s3] =	stream.linear.scatter [tilespmem:s22], [sflag:$0x1], $0x80, $0x38;
	[tilespmem:$0x4480] =	vst v63  }
0x2c5: {  	s24 =	sshll.u32 s21, $0xA;
	s25 =	sor.u32 $0x1000, s12;
	s26 =	sadd.s32 $0x600, s11  }
0x2c6: {  	[hbm4b:s26+s3] =	stream.linear.scatter [tilespmem:s25], [sflag:$0x1], $0x80, $0x38;
	[tilespmem:$0x4480] =	vst v63  }
0x2c7: {  	s13 =	sand.u32 $0xFFFFE000, s24;
	s28 =	sor.u32 $0x1400, s12;
	s29 =	sadd.s32 $0x680, s11  }
0x2c8: {  	[hbm4b:s29+s3] =	stream.linear.scatter [tilespmem:s28], [sflag:$0x1], $0x80, $0x38;
	[tilespmem:$0x4480] =	vst v63  }
0x2c9: {  	s30 =	sor.u32 $0x1800, s12;
	s31 =	sadd.s32 $0x700, s11;
	s10 =	sshll.u32 s21, $0x7  }
0x2ca: {  	[hbm4b:s31+s3] =	stream.linear.scatter [tilespmem:s30], [sflag:$0x1], $0x80, $0x38;
	[tilespmem:$0x4480] =	vst v63  }
0x2cb: {  	s15 =	sadd.s32 $0x780, s11;
	s10 =	sand.u32 $0x380, s10;
	s12 =	sor.u32 $0x1C00, s12  }
0x2cc: {  	[hbm4b:s15+s3] =	stream.linear.scatter [tilespmem:s12], [sflag:$0x1], $0x80, $0x38;
	[tilespmem:$0x4480] =	vst v63  }
0x2cd: {  	s16 =	sadd.s32 $0x410, s11;
	s10 =	sor.u32 s10, s13  }
0x2ce: {  	[hbm4b:s16+s3] =	stream.linear.scatter [tilespmem:s10], [sflag:$0x1], $0x80, $0x38;
	[tilespmem:$0x4480] =	vst v63  }
0x2cf: {  	s17 =	sor.u32 $0x400, s10;
	s18 =	sadd.s32 $0x490, s11  }
0x2d0: {  	[hbm4b:s18+s3] =	stream.linear.scatter [tilespmem:s17], [sflag:$0x1], $0x80, $0x38;
	[tilespmem:$0x4480] =	vst v63  }
0x2d1: {  	s19 =	sor.u32 $0x800, s10;
	s20 =	sadd.s32 $0x510, s11  }
0x2d2: {  	[hbm4b:s20+s3] =	stream.linear.scatter [tilespmem:s19], [sflag:$0x1], $0x80, $0x38;
	[tilespmem:$0x4480] =	vst v63  }
0x2d3: {  	s21 =	spop (v2sf);
	s22 =	sor.u32 $0xC00, s10;
	s23 =	sadd.s32 $0x590, s11  }
0x2d4: {  	(v2sf) =	vpush v0, $0xB;
	[hbm4b:s23+s3] =	stream.linear.scatter [tilespmem:s22], [sflag:$0x1], $0x80, $0x38;
	[tilespmem:$0x4480] =	vst v63  }
0x2d5: {  	s24 =	sshll.u32 s21, $0xA;
	s25 =	sor.u32 $0x1000, s10;
	s26 =	sadd.s32 $0x610, s11  }
0x2d6: {  	[hbm4b:s26+s3] =	stream.linear.scatter [tilespmem:s25], [sflag:$0x1], $0x80, $0x38;
	[tilespmem:$0x4480] =	vst v63  }
0x2d7: {  	s13 =	sand.u32 $0xFFFFE000, s24;
	s28 =	sor.u32 $0x1400, s10;
	s29 =	sadd.s32 $0x690, s11  }
0x2d8: {  	[hbm4b:s29+s3] =	stream.linear.scatter [tilespmem:s28], [sflag:$0x1], $0x80, $0x38;
	[tilespmem:$0x4480] =	vst v63  }
0x2d9: {  	s30 =	sor.u32 $0x1800, s10;
	s31 =	sadd.s32 $0x710, s11;
	s12 =	sshll.u32 s21, $0x7  }
0x2da: {  	[hbm4b:s31+s3] =	stream.linear.scatter [tilespmem:s30], [sflag:$0x1], $0x80, $0x38;
	[tilespmem:$0x4480] =	vst v63  }
0x2db: {  	s12 =	sand.u32 $0x380, s12;
	s10 =	sor.u32 $0x1C00, s10;
	s16 =	sadd.s32 $0x790, s11  }
0x2dc: {  	[hbm4b:s16+s3] =	stream.linear.scatter [tilespmem:s10], [sflag:$0x1], $0x80, $0x38;
	[tilespmem:$0x4480] =	vst v63  }
0x2dd: {  	s17 =	sor.u32 s12, s13;
	s18 =	sadd.s32 $0x420, s11  }
0x2de: {  	[hbm4b:s18+s3] =	stream.linear.scatter [tilespmem:s17], [sflag:$0x1], $0x80, $0x38;
	[tilespmem:$0x4480] =	vst v63  }
0x2df: {  	s19 =	sor.u32 $0x400, s17;
	s20 =	sadd.s32 $0x4A0, s11  }
0x2e0: {  	[hbm4b:s20+s3] =	stream.linear.scatter [tilespmem:s19], [sflag:$0x1], $0x80, $0x38;
	[tilespmem:$0x4480] =	vst v63  }
0x2e1: {  	s21 =	sor.u32 $0x800, s17;
	s22 =	sadd.s32 $0x520, s11  }
0x2e2: {  	[hbm4b:s22+s3] =	stream.linear.scatter [tilespmem:s21], [sflag:$0x1], $0x80, $0x38;
	[tilespmem:$0x4480] =	vst v63  }
0x2e3: {  	s24 =	sor.u32 $0xC00, s17;
	s23 =	spop (v2sf);
	s25 =	sadd.s32 $0x5A0, s11  }
0x2e4: {  	(v2sf) =	vpush v0, $0xC;
	[hbm4b:s25+s3] =	stream.linear.scatter [tilespmem:s24], [sflag:$0x1], $0x80, $0x38;
	[tilespmem:$0x4480] =	vst v63  }
0x2e5: {  	s15 =	sor.u32 $0x1800, s17;
	s28 =	sor.u32 $0x1000, s17;
	s29 =	sadd.s32 $0x620, s11  }
0x2e6: {  	[hbm4b:s29+s3] =	stream.linear.scatter [tilespmem:s28], [sflag:$0x1], $0x80, $0x38;
	[tilespmem:$0x4480] =	vst v63  }
0x2e7: {  	s12 =	sshll.u32 s23, $0x7;
	s30 =	sor.u32 $0x1400, s17;
	s31 =	sadd.s32 $0x6A0, s11  }
0x2e8: {  	[hbm4b:s31+s3] =	stream.linear.scatter [tilespmem:s30], [sflag:$0x1], $0x80, $0x38;
	[tilespmem:$0x4480] =	vst v63  }
0x2e9: {  	s26 =	sshll.u32 s23, $0xA;
	s12 =	sand.u32 $0x380, s12;
	s16 =	sadd.s32 $0x720, s11  }
0x2ea: {  	[hbm4b:s16+s3] =	stream.linear.scatter [tilespmem:s15], [sflag:$0x1], $0x80, $0x38;
	[tilespmem:$0x4480] =	vst v63  }
0x2eb: {  	s13 =	sand.u32 $0xFFFFE000, s26;
	s10 =	sor.u32 $0x1C00, s17;
	s17 =	sadd.s32 $0x7A0, s11  }
0x2ec: {  	[hbm4b:s17+s3] =	stream.linear.scatter [tilespmem:s10], [sflag:$0x1], $0x80, $0x38;
	[tilespmem:$0x4480] =	vst v63  }
0x2ed: {  	s18 =	sadd.s32 $0x430, s11;
	s10 =	sor.u32 s12, s13  }
0x2ee: {  	[hbm4b:s18+s3] =	stream.linear.scatter [tilespmem:s10], [sflag:$0x1], $0x80, $0x38;
	[tilespmem:$0x4480] =	vst v63  }
0x2ef: {  	s20 =	sadd.s32 $0x4B0, s11;
	s19 =	sor.u32 $0x400, s10  }
0x2f0: {  	[hbm4b:s20+s3] =	stream.linear.scatter [tilespmem:s19], [sflag:$0x1], $0x80, $0x38;
	[tilespmem:$0x4480] =	vst v63  }
0x2f1: {  	s22 =	sadd.s32 $0x530, s11;
	s21 =	sor.u32 $0x800, s10  }
0x2f2: {  	[hbm4b:s22+s3] =	stream.linear.scatter [tilespmem:s21], [sflag:$0x1], $0x80, $0x38;
	[tilespmem:$0x4480] =	vst v63  }
0x2f3: {  	s23 =	spop (v2sf);
	s25 =	sadd.s32 $0x5B0, s11;
	s24 =	sor.u32 $0xC00, s10  }
0x2f4: {  	(v2sf) =	vpush v0, $0xD;
	[hbm4b:s25+s3] =	stream.linear.scatter [tilespmem:s24], [sflag:$0x1], $0x80, $0x38;
	[tilespmem:$0x4480] =	vst v63  }
0x2f5: {  	s26 =	sshll.u32 s23, $0xA;
	s29 =	sadd.s32 $0x630, s11;
	s28 =	sor.u32 $0x1000, s10  }
0x2f6: {  	[hbm4b:s29+s3] =	stream.linear.scatter [tilespmem:s28], [sflag:$0x1], $0x80, $0x38;
	[tilespmem:$0x4480] =	vst v63  }
0x2f7: {  	s31 =	sadd.s32 $0x6B0, s11;
	s13 =	sand.u32 $0xFFFFE000, s26;
	s30 =	sor.u32 $0x1400, s10  }
0x2f8: {  	[hbm4b:s31+s3] =	stream.linear.scatter [tilespmem:s30], [sflag:$0x1], $0x80, $0x38;
	[tilespmem:$0x4480] =	vst v63  }
0x2f9: {  	s12 =	sshll.u32 s23, $0x7;
	s17 =	sadd.s32 $0x730, s11;
	s16 =	sor.u32 $0x1800, s10  }
0x2fa: {  	[hbm4b:s17+s3] =	stream.linear.scatter [tilespmem:s16], [sflag:$0x1], $0x80, $0x38;
	[tilespmem:$0x4480] =	vst v63  }
0x2fb: {  	s12 =	sand.u32 $0x380, s12;
	s10 =	sor.u32 $0x1C00, s10;
	s18 =	sadd.s32 $0x7B0, s11  }
0x2fc: {  	[hbm4b:s18+s3] =	stream.linear.scatter [tilespmem:s10], [sflag:$0x1], $0x80, $0x38;
	[tilespmem:$0x4480] =	vst v63  }
0x2fd: {  	s19 =	sor.u32 s12, s13;
	s20 =	sadd.s32 $0x440, s11  }
0x2fe: {  	[hbm4b:s20+s3] =	stream.linear.scatter [tilespmem:s19], [sflag:$0x1], $0x80, $0x38;
	[tilespmem:$0x4480] =	vst v63  }
0x2ff: {  	s21 =	sor.u32 $0x400, s19;
	s22 =	sadd.s32 $0x4C0, s11  }
0x300: {  	[hbm4b:s22+s3] =	stream.linear.scatter [tilespmem:s21], [sflag:$0x1], $0x80, $0x38;
	[tilespmem:$0x4480] =	vst v63  }
0x301: {  	s23 =	sor.u32 $0x800, s19;
	s24 =	sadd.s32 $0x540, s11  }
0x302: {  	[hbm4b:s24+s3] =	stream.linear.scatter [tilespmem:s23], [sflag:$0x1], $0x80, $0x38;
	[tilespmem:$0x4480] =	vst v63  }
0x303: {  	s26 =	sor.u32 $0xC00, s19;
	s25 =	spop (v2sf);
	s28 =	sadd.s32 $0x5C0, s11  }
0x304: {  	(v2sf) =	vpush v0, $0xE;
	[hbm4b:s28+s3] =	stream.linear.scatter [tilespmem:s26], [sflag:$0x1], $0x80, $0x38;
	[tilespmem:$0x4480] =	vst v63  }
0x305: {  	s15 =	sor.u32 $0x1400, s19;
	s30 =	sor.u32 $0x1000, s19;
	s31 =	sadd.s32 $0x640, s11  }
0x306: {  	[hbm4b:s31+s3] =	stream.linear.scatter [tilespmem:s30], [sflag:$0x1], $0x80, $0x38;
	[tilespmem:$0x4480] =	vst v63  }
0x307: {  	s12 =	sshll.u32 s25, $0x7;
	s29 =	sshll.u32 s25, $0xA;
	s16 =	sadd.s32 $0x6C0, s11  }
0x308: {  	[hbm4b:s16+s3] =	stream.linear.scatter [tilespmem:s15], [sflag:$0x1], $0x80, $0x38;
	[tilespmem:$0x4480] =	vst v63  }
0x309: {  	s12 =	sand.u32 $0x380, s12;
	s17 =	sor.u32 $0x1800, s19;
	s18 =	sadd.s32 $0x740, s11  }
0x30a: {  	[hbm4b:s18+s3] =	stream.linear.scatter [tilespmem:s17], [sflag:$0x1], $0x80, $0x38;
	[tilespmem:$0x4480] =	vst v63  }
0x30b: {  	s13 =	sand.u32 $0xFFFFE000, s29;
	s10 =	sor.u32 $0x1C00, s19;
	s19 =	sadd.s32 $0x7C0, s11  }
0x30c: {  	[hbm4b:s19+s3] =	stream.linear.scatter [tilespmem:s10], [sflag:$0x1], $0x80, $0x38;
	[tilespmem:$0x4480] =	vst v63  }
0x30d: {  	s12 =	sor.u32 s12, s13;
	s20 =	sadd.s32 $0x450, s11  }
0x30e: {  	[hbm4b:s20+s3] =	stream.linear.scatter [tilespmem:s12], [sflag:$0x1], $0x80, $0x38;
	[tilespmem:$0x4480] =	vst v63  }
0x30f: {  	s21 =	sor.u32 $0x400, s12;
	s22 =	sadd.s32 $0x4D0, s11  }
0x310: {  	[hbm4b:s22+s3] =	stream.linear.scatter [tilespmem:s21], [sflag:$0x1], $0x80, $0x38;
	[tilespmem:$0x4480] =	vst v63  }
0x311: {  	s23 =	sor.u32 $0x800, s12;
	s24 =	sadd.s32 $0x550, s11  }
0x312: {  	[hbm4b:s24+s3] =	stream.linear.scatter [tilespmem:s23], [sflag:$0x1], $0x80, $0x38;
	[tilespmem:$0x4480] =	vst v63  }
0x313: {  	s25 =	spop (v2sf);
	s26 =	sor.u32 $0xC00, s12;
	s28 =	sadd.s32 $0x5D0, s11  }
0x314: {  	(v2sf) =	vpush v0, $0xF;
	[hbm4b:s28+s3] =	stream.linear.scatter [tilespmem:s26], [sflag:$0x1], $0x80, $0x38;
	[tilespmem:$0x4480] =	vst v63  }
0x315: {  	s29 =	sshll.u32 s25, $0xA;
	s30 =	sor.u32 $0x1000, s12;
	s31 =	sadd.s32 $0x650, s11  }
0x316: {  	[hbm4b:s31+s3] =	stream.linear.scatter [tilespmem:s30], [sflag:$0x1], $0x80, $0x38;
	[tilespmem:$0x4480] =	vst v63  }
0x317: {  	s13 =	sand.u32 $0xFFFFE000, s29;
	s15 =	sor.u32 $0x1400, s12;
	s16 =	sadd.s32 $0x6D0, s11  }
0x318: {  	[hbm4b:s16+s3] =	stream.linear.scatter [tilespmem:s15], [sflag:$0x1], $0x80, $0x38;
	[tilespmem:$0x4480] =	vst v63  }
0x319: {  	s17 =	sor.u32 $0x1800, s12;
	s18 =	sadd.s32 $0x750, s11;
	s10 =	sshll.u32 s25, $0x7  }
0x31a: {  	[hbm4b:s18+s3] =	stream.linear.scatter [tilespmem:s17], [sflag:$0x1], $0x80, $0x38;
	[tilespmem:$0x4480] =	vst v63  }
0x31b: {  	s19 =	sadd.s32 $0x7D0, s11;
	s10 =	sand.u32 $0x380, s10;
	s12 =	sor.u32 $0x1C00, s12  }
0x31c: {  	[hbm4b:s19+s3] =	stream.linear.scatter [tilespmem:s12], [sflag:$0x1], $0x80, $0x38;
	[tilespmem:$0x4480] =	vst v63  }
0x31d: {  	s20 =	sadd.s32 $0x460, s11;
	s10 =	sor.u32 s10, s13  }
0x31e: {  	[hbm4b:s20+s3] =	stream.linear.scatter [tilespmem:s10], [sflag:$0x1], $0x80, $0x38;
	[tilespmem:$0x4480] =	vst v63  }
0x31f: {  	s21 =	sor.u32 $0x400, s10;
	s22 =	sadd.s32 $0x4E0, s11  }
0x320: {  	[hbm4b:s22+s3] =	stream.linear.scatter [tilespmem:s21], [sflag:$0x1], $0x80, $0x38;
	[tilespmem:$0x4480] =	vst v63  }
0x321: {  	s23 =	sor.u32 $0x800, s10;
	s24 =	sadd.s32 $0x560, s11  }
0x322: {  	[hbm4b:s24+s3] =	stream.linear.scatter [tilespmem:s23], [sflag:$0x1], $0x80, $0x38;
	[tilespmem:$0x4480] =	vst v63  }
0x323: {  	s25 =	spop (v2sf);
	s26 =	sor.u32 $0xC00, s10;
	s28 =	sadd.s32 $0x5E0, s11  }
0x324: {  	[hbm4b:s28+s3] =	stream.linear.scatter [tilespmem:s26], [sflag:$0x1], $0x80, $0x38;
	[tilespmem:$0x4480] =	vst v63  }
0x325: {  	s29 =	sshll.u32 s25, $0xA;
	s30 =	sor.u32 $0x1000, s10;
	s31 =	sadd.s32 $0x660, s11  }
0x326: {  	[hbm4b:s31+s3] =	stream.linear.scatter [tilespmem:s30], [sflag:$0x1], $0x80, $0x38;
	[tilespmem:$0x4480] =	vst v63  }
0x327: {  	s13 =	sand.u32 $0xFFFFE000, s29;
	s15 =	sor.u32 $0x1400, s10;
	s16 =	sadd.s32 $0x6E0, s11  }
0x328: {  	[hbm4b:s16+s3] =	stream.linear.scatter [tilespmem:s15], [sflag:$0x1], $0x80, $0x38;
	[tilespmem:$0x4480] =	vst v63  }
0x329: {  	s17 =	sor.u32 $0x1800, s10;
	s18 =	sadd.s32 $0x760, s11;
	s12 =	sshll.u32 s25, $0x7  }
0x32a: {  	[hbm4b:s18+s3] =	stream.linear.scatter [tilespmem:s17], [sflag:$0x1], $0x80, $0x38;
	[tilespmem:$0x4480] =	vst v63  }
0x32b: {  	s19 =	sadd.s32 $0x7E0, s11;
	s12 =	sand.u32 $0x380, s12;
	s10 =	sor.u32 $0x1C00, s10  }
0x32c: {  	[hbm4b:s19+s3] =	stream.linear.scatter [tilespmem:s10], [sflag:$0x1], $0x80, $0x38;
	[tilespmem:$0x4480] =	vst v63  }
0x32d: {  	s29 =	sadd.s32 $0x670, s11;
	s12 =	sor.u32 s12, s13;
	s20 =	sadd.s32 $0x470, s11  }
0x32e: {  	[hbm4b:s20+s3] =	stream.linear.scatter [tilespmem:s12], [sflag:$0x1], $0x80, $0x38;
	[tilespmem:$0x4480] =	vst v63  }
0x32f: {  	s25 =	sor.u32 $0xC00, s12;
	s21 =	sor.u32 $0x400, s12;
	s22 =	sadd.s32 $0x4F0, s11  }
0x330: {  	[hbm4b:s22+s3] =	stream.linear.scatter [tilespmem:s21], [sflag:$0x1], $0x80, $0x38;
	[tilespmem:$0x4480] =	vst v63  }
0x331: {  	s14 =	sor.u32 $0x1800, s12;
	s23 =	sor.u32 $0x800, s12;
	s24 =	sadd.s32 $0x570, s11  }
0x332: {  	[hbm4b:s24+s3] =	stream.linear.scatter [tilespmem:s23], [sflag:$0x1], $0x80, $0x38;
	[tilespmem:$0x4480] =	vst v63  }
0x333: {  	s13 =	sor.u32 $0x1C00, s12;
	s26 =	sadd.s32 $0x5F0, s11;
	s28 =	sor.u32 $0x1000, s12  }
0x334: {  	[hbm4b:s26+s3] =	stream.linear.scatter [tilespmem:s25], [sflag:$0x1], $0x80, $0x38;
	[tilespmem:$0x4480] =	vst v63  }
0x335: {  	s30 =	sor.u32 $0x1400, s12;
	s31 =	sadd.s32 $0x6F0, s11;
	s15 =	sadd.s32 $0x770, s11  }
0x336: {  	[hbm4b:s29+s3] =	stream.linear.scatter [tilespmem:s28], [sflag:$0x1], $0x80, $0x38;
	[tilespmem:$0x4480] =	vst v63  }
0x337: {  	s10 =	simm.s32 $0x800;
	s12 =	sadd.s32 $0x7F0, s11;
	s11 =	simm.s32 $0x4010  }
0x338: {  	[hbm4b:s31+s3] =	stream.linear.scatter [tilespmem:s30], [sflag:$0x1], $0x80, $0x38;
	[tilespmem:$0x4480] =	vst v63  }
.LBB2_3:
0x339: {  	[hbm4b:s15+s3] =	stream.linear.scatter [tilespmem:s14], [sflag:$0x1], $0x80, $0x38;
	[tilespmem:$0x4480] =	vst v63  }
0x33a: {  	_ = 	snop  }
0x33b: {  	[hbm4b:s12+s3] =	stream.linear.scatter [tilespmem:s13], [sflag:$0x1], $0x80, $0x38;
	[tilespmem:$0x4480] =	vst v63  }
0x33c: {  	v0 =	vld [tilespmem:s11+$0x0];
	_ =	sdelay $0x4  }
0x33d: {  	(v2sf) =	vpush v0, $0x0;
	_ =	sdelay $0x8  }
0x33e: {  	(v2sf) =	vpush v0, $0x1;
	_ =	sdelay $0x3  }
0x33f: {  	(v2sf) =	vpush v0, $0x2;
	_ =	sdelay $0x1  }
0x340: {  	s21 =	spop (v2sf)  }
0x341: {  	s19 =	smov.u32 s10;
	s22 =	sshll.u32 s21, $0xA;
	s13 =	sshll.u32 s21, $0x7  }
0x342: {  	s20 =	rddreg [dreg:$0x4];
	s23 =	sand.u32 $0xFFFFE000, s22;
	s13 =	sand.u32 $0x380, s13  }
0x343: {  	s12 =	sadd.s32 s19, s20;
	s13 =	sor.u32 s13, s23  }
0x344: {  	[hbm4b:s12+s3] =	stream.linear.scatter [tilespmem:s13], [sflag:$0x1], $0x80, $0x38;
	[tilespmem:$0x4480] =	vst v63  }
0x345: {  	s24 =	sadd.s32 $0x80, s12;
	s17 =	sor.u32 $0x400, s13  }
0x346: {  	[hbm4b:s24+s3] =	stream.linear.scatter [tilespmem:s17], [sflag:$0x1], $0x80, $0x38;
	[tilespmem:$0x4480] =	vst v63  }
0x347: {  	s19 =	sadd.s32 $0x100, s12;
	s26 =	sadd.s32 $0x180, s12;
	s18 =	sor.u32 $0x800, s13  }
0x348: {  	[hbm4b:s19+s3] =	stream.linear.scatter [tilespmem:s18], [sflag:$0x1], $0x80, $0x38;
	[tilespmem:$0x4480] =	vst v63  }
0x349: {  	s29 =	sadd.s32 $0x200, s12;
	s16 =	spop (v2sf);
	s25 =	sor.u32 $0xC00, s13  }
0x34a: {  	[hbm4b:s26+s3] =	stream.linear.scatter [tilespmem:s25], [sflag:$0x1], $0x80, $0x38;
	[tilespmem:$0x4480] =	vst v63  }
0x34b: {  	s31 =	sadd.s32 $0x280, s12;
	s15 =	sshll.u32 s16, $0xA;
	s28 =	sor.u32 $0x1000, s13  }
0x34c: {  	[hbm4b:s29+s3] =	stream.linear.scatter [tilespmem:s28], [sflag:$0x1], $0x80, $0x38;
	[tilespmem:$0x4480] =	vst v63  }
0x34d: {  	s16 =	sshll.u32 s16, $0x7;
	s20 =	spop (v2sf);
	s30 =	sor.u32 $0x1400, s13  }
0x34e: {  	[hbm4b:s31+s3] =	stream.linear.scatter [tilespmem:s30], [sflag:$0x1], $0x80, $0x38;
	[tilespmem:$0x4480] =	vst v63  }
0x34f: {  	s23 =	sadd.s32 $0x300, s12;
	s16 =	sand.u32 $0x380, s16;
	s22 =	sor.u32 $0x1800, s13  }
0x350: {  	(v2sf) =	vpush v0, $0x3;
	[hbm4b:s23+s3] =	stream.linear.scatter [tilespmem:s22], [sflag:$0x1], $0x80, $0x38;
	[tilespmem:$0x4480] =	vst v63  }
0x351: {  	s15 =	sand.u32 $0xFFFFE000, s15;
	s13 =	sor.u32 $0x1C00, s13;
	s24 =	sadd.s32 $0x380, s12  }
0x352: {  	[hbm4b:s24+s3] =	stream.linear.scatter [tilespmem:s13], [sflag:$0x1], $0x80, $0x38;
	[tilespmem:$0x4480] =	vst v63  }
0x353: {  	s21 =	sshll.u32 s20, $0xA;
	s15 =	sor.u32 s16, s15;
	s25 =	sadd.s32 $0x10, s12  }
0x354: {  	[hbm4b:s25+s3] =	stream.linear.scatter [tilespmem:s15], [sflag:$0x1], $0x80, $0x38;
	[tilespmem:$0x4480] =	vst v63  }
0x355: {  	s14 =	sor.u32 $0xC00, s15;
	s28 =	sor.u32 $0x400, s15;
	s29 =	sadd.s32 $0x90, s12  }
0x356: {  	[hbm4b:s29+s3] =	stream.linear.scatter [tilespmem:s28], [sflag:$0x1], $0x80, $0x38;
	[tilespmem:$0x4480] =	vst v63  }
0x357: {  	s26 =	sshll.u32 s20, $0x7;
	s30 =	sor.u32 $0x800, s15;
	s31 =	sadd.s32 $0x110, s12  }
0x358: {  	[hbm4b:s31+s3] =	stream.linear.scatter [tilespmem:s30], [sflag:$0x1], $0x80, $0x38;
	[tilespmem:$0x4480] =	vst v63  }
0x359: {  	s18 =	sand.u32 $0xFFFFE000, s21;
	s20 =	sadd.s32 $0x190, s12;
	s16 =	sand.u32 $0x380, s26  }
0x35a: {  	(v2sf) =	vpush v0, $0x4;
	[hbm4b:s20+s3] =	stream.linear.scatter [tilespmem:s14], [sflag:$0x1], $0x80, $0x38;
	[tilespmem:$0x4480] =	vst v63  }
0x35b: {  	s16 =	sor.u32 s16, s18;
	s22 =	sor.u32 $0x1000, s15;
	s23 =	sadd.s32 $0x210, s12  }
0x35c: {  	[hbm4b:s23+s3] =	stream.linear.scatter [tilespmem:s22], [sflag:$0x1], $0x80, $0x38;
	[tilespmem:$0x4480] =	vst v63  }
0x35d: {  	s26 =	sadd.s32 $0x290, s12;
	s19 =	sor.u32 $0x1000, s16;
	s25 =	sor.u32 $0x1400, s15  }
0x35e: {  	[hbm4b:s26+s3] =	stream.linear.scatter [tilespmem:s25], [sflag:$0x1], $0x80, $0x38;
	[tilespmem:$0x4480] =	vst v63  }
0x35f: {  	s21 =	spop (v2sf);
	s28 =	sor.u32 $0x1800, s15;
	s29 =	sadd.s32 $0x310, s12  }
0x360: {  	[hbm4b:s29+s3] =	stream.linear.scatter [tilespmem:s28], [sflag:$0x1], $0x80, $0x38;
	[tilespmem:$0x4480] =	vst v63  }
0x361: {  	s24 =	sshll.u32 s21, $0xA;
	s30 =	sor.u32 $0x1C00, s15;
	s31 =	sadd.s32 $0x390, s12  }
0x362: {  	[hbm4b:s31+s3] =	stream.linear.scatter [tilespmem:s30], [sflag:$0x1], $0x80, $0x38;
	[tilespmem:$0x4480] =	vst v63  }
0x363: {  	s20 =	sshll.u32 s21, $0x7;
	s21 =	sand.u32 $0xFFFFE000, s24;
	s22 =	sadd.s32 $0x20, s12  }
0x364: {  	[hbm4b:s22+s3] =	stream.linear.scatter [tilespmem:s16], [sflag:$0x1], $0x80, $0x38;
	[tilespmem:$0x4480] =	vst v63  }
0x365: {  	s24 =	sadd.s32 $0xA0, s12;
	s20 =	sand.u32 $0x380, s20;
	s23 =	sor.u32 $0x400, s16  }
0x366: {  	(v2sf) =	vpush v0, $0x5;
	[hbm4b:s24+s3] =	stream.linear.scatter [tilespmem:s23], [sflag:$0x1], $0x80, $0x38;
	[tilespmem:$0x4480] =	vst v63  }
0x367: {  	s14 =	sor.u32 s20, s21;
	s26 =	sor.u32 $0x800, s16;
	s28 =	sadd.s32 $0x120, s12  }
0x368: {  	[hbm4b:s28+s3] =	stream.linear.scatter [tilespmem:s26], [sflag:$0x1], $0x80, $0x38;
	[tilespmem:$0x4480] =	vst v63  }
0x369: {  	s25 =	spop (v2sf);
	s30 =	sor.u32 $0xC00, s16;
	s31 =	sadd.s32 $0x1A0, s12  }
0x36a: {  	[hbm4b:s31+s3] =	stream.linear.scatter [tilespmem:s30], [sflag:$0x1], $0x80, $0x38;
	[tilespmem:$0x4480] =	vst v63  }
0x36b: {  	s21 =	sadd.s32 $0x220, s12;
	s18 =	sshll.u32 s25, $0x7;
	s29 =	sshll.u32 s25, $0xA  }
0x36c: {  	[hbm4b:s21+s3] =	stream.linear.scatter [tilespmem:s19], [sflag:$0x1], $0x80, $0x38;
	[tilespmem:$0x4480] =	vst v63  }
0x36d: {  	s25 =	sor.u32 $0x1800, s16;
	s22 =	sor.u32 $0x1400, s16;
	s23 =	sadd.s32 $0x2A0, s12  }
0x36e: {  	[hbm4b:s23+s3] =	stream.linear.scatter [tilespmem:s22], [sflag:$0x1], $0x80, $0x38;
	[tilespmem:$0x4480] =	vst v63  }
0x36f: {  	s20 =	sand.u32 $0xFFFFE000, s29;
	s24 =	sand.u32 $0x380, s18;
	s26 =	sadd.s32 $0x320, s12  }
0x370: {  	[hbm4b:s26+s3] =	stream.linear.scatter [tilespmem:s25], [sflag:$0x1], $0x80, $0x38;
	[tilespmem:$0x4480] =	vst v63  }
0x371: {  	s29 =	sadd.s32 $0x3A0, s12;
	s13 =	sor.u32 s24, s20;
	s28 =	sor.u32 $0x1C00, s16  }
0x372: {  	(v2sf) =	vpush v0, $0x6;
	[hbm4b:s29+s3] =	stream.linear.scatter [tilespmem:s28], [sflag:$0x1], $0x80, $0x38;
	[tilespmem:$0x4480] =	vst v63  }
0x373: {  	s24 =	sadd.s32 $0x130, s12;
	s15 =	sor.u32 $0x400, s13;
	s31 =	sadd.s32 $0x30, s12  }
0x374: {  	[hbm4b:s31+s3] =	stream.linear.scatter [tilespmem:s14], [sflag:$0x1], $0x80, $0x38;
	[tilespmem:$0x4480] =	vst v63  }
0x375: {  	s30 =	spop (v2sf);
	s21 =	sor.u32 $0x400, s14;
	s22 =	sadd.s32 $0xB0, s12  }
0x376: {  	(v2sf) =	vpush v0, $0x7;
	[hbm4b:s22+s3] =	stream.linear.scatter [tilespmem:s21], [sflag:$0x1], $0x80, $0x38;
	[tilespmem:$0x4480] =	vst v63  }
0x377: {  	s20 =	sshll.u32 s30, $0xA;
	s19 =	sshll.u32 s30, $0x7;
	s23 =	sor.u32 $0x800, s14  }
0x378: {  	[hbm4b:s24+s3] =	stream.linear.scatter [tilespmem:s23], [sflag:$0x1], $0x80, $0x38;
	[tilespmem:$0x4480] =	vst v63  }
0x379: {  	s18 =	sand.u32 $0xFFFFE000, s20;
	s26 =	sor.u32 $0xC00, s14;
	s28 =	sadd.s32 $0x1B0, s12  }
0x37a: {  	[hbm4b:s28+s3] =	stream.linear.scatter [tilespmem:s26], [sflag:$0x1], $0x80, $0x38;
	[tilespmem:$0x4480] =	vst v63  }
0x37b: {  	s30 =	sadd.s32 $0x230, s12;
	s25 =	sand.u32 $0x380, s19;
	s29 =	sor.u32 $0x1000, s14  }
0x37c: {  	[hbm4b:s30+s3] =	stream.linear.scatter [tilespmem:s29], [sflag:$0x1], $0x80, $0x38;
	[tilespmem:$0x4480] =	vst v63  }
0x37d: {  	s19 =	sor.u32 $0x1800, s13;
	s21 =	sor.u32 $0x1400, s14;
	s22 =	sadd.s32 $0x2B0, s12  }
0x37e: {  	[hbm4b:s22+s3] =	stream.linear.scatter [tilespmem:s21], [sflag:$0x1], $0x80, $0x38;
	[tilespmem:$0x4480] =	vst v63  }
0x37f: {  	s17 =	sor.u32 s25, s18;
	s25 =	sadd.s32 $0x330, s12;
	s24 =	sor.u32 $0x1800, s14  }
0x380: {  	[hbm4b:s25+s3] =	stream.linear.scatter [tilespmem:s24], [sflag:$0x1], $0x80, $0x38;
	[tilespmem:$0x4480] =	vst v63  }
0x381: {  	s31 =	spop (v2sf);
	s14 =	sor.u32 $0x1C00, s14;
	s26 =	sadd.s32 $0x3B0, s12  }
0x382: {  	[hbm4b:s26+s3] =	stream.linear.scatter [tilespmem:s14], [sflag:$0x1], $0x80, $0x38;
	[tilespmem:$0x4480] =	vst v63  }
0x383: {  	s20 =	sshll.u32 s31, $0x7;
	s23 =	sshll.u32 s31, $0xA;
	s29 =	sadd.s32 $0x40, s12  }
0x384: {  	[hbm4b:s29+s3] =	stream.linear.scatter [tilespmem:s13], [sflag:$0x1], $0x80, $0x38;
	[tilespmem:$0x4480] =	vst v63  }
0x385: {  	s31 =	spop (v2sf);
	s28 =	sand.u32 $0xFFFFE000, s23;
	s21 =	sadd.s32 $0xC0, s12  }
0x386: {  	(v2sf) =	vpush v0, $0x8;
	[hbm4b:s21+s3] =	stream.linear.scatter [tilespmem:s15], [sflag:$0x1], $0x80, $0x38;
	[tilespmem:$0x4480] =	vst v63  }
0x387: {  	s23 =	sadd.s32 $0x140, s12;
	s30 =	sand.u32 $0x380, s20;
	s22 =	sor.u32 $0x800, s13  }
0x388: {  	[hbm4b:s23+s3] =	stream.linear.scatter [tilespmem:s22], [sflag:$0x1], $0x80, $0x38;
	[tilespmem:$0x4480] =	vst v63  }
0x389: {  	s20 =	sshll.u32 s31, $0x7;
	s25 =	sor.u32 $0xC00, s13;
	s26 =	sadd.s32 $0x1C0, s12  }
0x38a: {  	(v2sf) =	vpush v0, $0x9;
	[hbm4b:s26+s3] =	stream.linear.scatter [tilespmem:s25], [sflag:$0x1], $0x80, $0x38;
	[tilespmem:$0x4480] =	vst v63  }
0x38b: {  	s16 =	sor.u32 s30, s28;
	s28 =	sor.u32 $0x1000, s13;
	s29 =	sadd.s32 $0x240, s12  }
0x38c: {  	[hbm4b:s29+s3] =	stream.linear.scatter [tilespmem:s28], [sflag:$0x1], $0x80, $0x38;
	[tilespmem:$0x4480] =	vst v63  }
0x38d: {  	s30 =	sor.u32 $0x1400, s13;
	s24 =	sshll.u32 s31, $0xA;
	s22 =	sadd.s32 $0x2C0, s12  }
0x38e: {  	[hbm4b:s22+s3] =	stream.linear.scatter [tilespmem:s30], [sflag:$0x1], $0x80, $0x38;
	[tilespmem:$0x4480] =	vst v63  }
0x38f: {  	s31 =	sand.u32 $0x380, s20;
	s20 =	sadd.s32 $0x340, s12;
	s21 =	sand.u32 $0xFFFFE000, s24  }
0x390: {  	[hbm4b:s20+s3] =	stream.linear.scatter [tilespmem:s19], [sflag:$0x1], $0x80, $0x38;
	[tilespmem:$0x4480] =	vst v63  }
0x391: {  	s13 =	sor.u32 $0x1C00, s13;
	s14 =	sor.u32 s31, s21;
	s21 =	sadd.s32 $0x3C0, s12  }
0x392: {  	(v2sf) =	vpush v0, $0xA;
	[hbm4b:s21+s3] =	stream.linear.scatter [tilespmem:s13], [sflag:$0x1], $0x80, $0x38;
	[tilespmem:$0x4480] =	vst v63  }
0x393: {  	s31 =	sadd.s32 $0x1D0, s12;
	s23 =	sadd.s32 $0x50, s12;
	s25 =	sor.u32 $0x400, s17  }
0x394: {  	[hbm4b:s23+s3] =	stream.linear.scatter [tilespmem:s17], [sflag:$0x1], $0x80, $0x38;
	[tilespmem:$0x4480] =	vst v63  }
0x395: {  	s26 =	sadd.s32 $0xD0, s12;
	s28 =	sor.u32 $0x800, s17;
	s22 =	spop (v2sf)  }
0x396: {  	[hbm4b:s26+s3] =	stream.linear.scatter [tilespmem:s25], [sflag:$0x1], $0x80, $0x38;
	[tilespmem:$0x4480] =	vst v63  }
0x397: {  	s29 =	sadd.s32 $0x150, s12;
	s30 =	sor.u32 $0xC00, s17;
	s24 =	sshll.u32 s22, $0xA  }
0x398: {  	[hbm4b:s29+s3] =	stream.linear.scatter [tilespmem:s28], [sflag:$0x1], $0x80, $0x38;
	[tilespmem:$0x4480] =	vst v63  }
0x399: {  	s20 =	sshll.u32 s22, $0x7;
	s15 =	sand.u32 $0xFFFFE000, s24;
	s23 =	spop (v2sf)  }
0x39a: {  	(v2sf) =	vpush v0, $0xB;
	[hbm4b:s31+s3] =	stream.linear.scatter [tilespmem:s30], [sflag:$0x1], $0x80, $0x38;
	[tilespmem:$0x4480] =	vst v63  }
0x39b: {  	s19 =	sor.u32 $0x1000, s17;
	s24 =	sadd.s32 $0x2D0, s12;
	s25 =	sadd.s32 $0x250, s12  }
0x39c: {  	[hbm4b:s25+s3] =	stream.linear.scatter [tilespmem:s19], [sflag:$0x1], $0x80, $0x38;
	[tilespmem:$0x4480] =	vst v63  }
0x39d: {  	s22 =	sadd.s32 $0x1E0, s12;
	s13 =	sshll.u32 s23, $0xA;
	s26 =	sor.u32 $0x1400, s17  }
0x39e: {  	[hbm4b:s24+s3] =	stream.linear.scatter [tilespmem:s26], [sflag:$0x1], $0x80, $0x38;
	[tilespmem:$0x4480] =	vst v63  }
0x39f: {  	s21 =	sshll.u32 s23, $0x7;
	s28 =	sor.u32 $0x1800, s17;
	s29 =	sadd.s32 $0x350, s12  }
0x3a0: {  	[hbm4b:s29+s3] =	stream.linear.scatter [tilespmem:s28], [sflag:$0x1], $0x80, $0x38;
	[tilespmem:$0x4480] =	vst v63  }
0x3a1: {  	s17 =	sor.u32 $0x1C00, s17;
	s30 =	spop (v2sf);
	s31 =	sadd.s32 $0x3D0, s12  }
0x3a2: {  	[hbm4b:s31+s3] =	stream.linear.scatter [tilespmem:s17], [sflag:$0x1], $0x80, $0x38;
	[tilespmem:$0x4480] =	vst v63  }
0x3a3: {  	s23 =	sshll.u32 s30, $0x7;
	s25 =	sshll.u32 s30, $0xA;
	s26 =	sadd.s32 $0x60, s12  }
0x3a4: {  	[hbm4b:s26+s3] =	stream.linear.scatter [tilespmem:s16], [sflag:$0x1], $0x80, $0x38;
	[tilespmem:$0x4480] =	vst v63  }
0x3a5: {  	s30 =	sadd.s32 $0xE0, s12;
	s23 =	sand.u32 $0x380, s23;
	s29 =	sor.u32 $0x400, s16  }
0x3a6: {  	(v2sf) =	vpush v0, $0xC;
	[hbm4b:s30+s3] =	stream.linear.scatter [tilespmem:s29], [sflag:$0x1], $0x80, $0x38;
	[tilespmem:$0x4480] =	vst v63  }
0x3a7: {  	s28 =	sand.u32 $0xFFFFE000, s25;
	s25 =	sadd.s32 $0x160, s12;
	s31 =	sor.u32 $0x800, s16  }
0x3a8: {  	[hbm4b:s25+s3] =	stream.linear.scatter [tilespmem:s31], [sflag:$0x1], $0x80, $0x38;
	[tilespmem:$0x4480] =	vst v63  }
0x3a9: {  	s19 =	sor.u32 $0xC00, s16;
	s18 =	sor.u32 s23, s28;
	s23 =	spop (v2sf)  }
0x3aa: {  	[hbm4b:s22+s3] =	stream.linear.scatter [tilespmem:s19], [sflag:$0x1], $0x80, $0x38;
	[tilespmem:$0x4480] =	vst v63  }
0x3ab: {  	s29 =	sor.u32 $0x1000, s16;
	s30 =	sadd.s32 $0x260, s12;
	s31 =	sshll.u32 s23, $0xA  }
0x3ac: {  	[hbm4b:s30+s3] =	stream.linear.scatter [tilespmem:s29], [sflag:$0x1], $0x80, $0x38;
	[tilespmem:$0x4480] =	vst v63  }
0x3ad: {  	s28 =	sadd.s32 $0x2E0, s12;
	s26 =	sor.u32 $0x1400, s16;
	s25 =	sand.u32 $0xFFFFE000, s31  }
0x3ae: {  	[hbm4b:s28+s3] =	stream.linear.scatter [tilespmem:s26], [sflag:$0x1], $0x80, $0x38;
	[tilespmem:$0x4480] =	vst v63  }
0x3af: {  	s22 =	sshll.u32 s23, $0x7;
	s29 =	sor.u32 $0x1800, s16;
	s30 =	sadd.s32 $0x360, s12  }
0x3b0: {  	[hbm4b:s30+s3] =	stream.linear.scatter [tilespmem:s29], [sflag:$0x1], $0x80, $0x38;
	[tilespmem:$0x4480] =	vst v63  }
0x3b1: {  	s31 =	sadd.s32 $0x3E0, s12;
	s22 =	sand.u32 $0x380, s22;
	s16 =	sor.u32 $0x1C00, s16  }
0x3b2: {  	(v2sf) =	vpush v0, $0xD;
	[hbm4b:s31+s3] =	stream.linear.scatter [tilespmem:s16], [sflag:$0x1], $0x80, $0x38;
	[tilespmem:$0x4480] =	vst v63  }
0x3b3: {  	s20 =	sand.u32 $0x380, s20;
	s24 =	sadd.s32 $0x70, s12;
	s17 =	sor.u32 s22, s25  }
0x3b4: {  	[hbm4b:s24+s3] =	stream.linear.scatter [tilespmem:s14], [sflag:$0x1], $0x80, $0x38;
	[tilespmem:$0x4480] =	vst v63  }
0x3b5: {  	s25 =	spop (v2sf);
	s26 =	sor.u32 $0x400, s14;
	s28 =	sadd.s32 $0xF0, s12  }
0x3b6: {  	(v2sf) =	vpush v0, $0xE;
	[hbm4b:s28+s3] =	stream.linear.scatter [tilespmem:s26], [sflag:$0x1], $0x80, $0x38;
	[tilespmem:$0x4480] =	vst v63  }
0x3b7: {  	s23 =	sshll.u32 s25, $0x7;
	s30 =	sor.u32 $0x800, s14;
	s31 =	sadd.s32 $0x170, s12  }
0x3b8: {  	[hbm4b:s31+s3] =	stream.linear.scatter [tilespmem:s30], [sflag:$0x1], $0x80, $0x38;
	[tilespmem:$0x4480] =	vst v63  }
0x3b9: {  	s29 =	sshll.u32 s25, $0xA;
	s26 =	sor.u32 $0xC00, s14;
	s28 =	sadd.s32 $0x1F0, s12  }
0x3ba: {  	[hbm4b:s28+s3] =	stream.linear.scatter [tilespmem:s26], [sflag:$0x1], $0x80, $0x38;
	[tilespmem:$0x4480] =	vst v63  }
0x3bb: {  	s24 =	sand.u32 $0xFFFFE000, s29;
	s29 =	sor.u32 $0x1000, s14;
	s30 =	sadd.s32 $0x270, s12  }
0x3bc: {  	[hbm4b:s30+s3] =	stream.linear.scatter [tilespmem:s29], [sflag:$0x1], $0x80, $0x38;
	[tilespmem:$0x4480] =	vst v63  }
0x3bd: {  	s23 =	sand.u32 $0x380, s23;
	s31 =	sor.u32 $0x1400, s14;
	s26 =	sadd.s32 $0x2F0, s12  }
0x3be: {  	[hbm4b:s26+s3] =	stream.linear.scatter [tilespmem:s31], [sflag:$0x1], $0x80, $0x38;
	[tilespmem:$0x4480] =	vst v63  }
0x3bf: {  	s16 =	sor.u32 s23, s24;
	s23 =	sor.u32 $0x1800, s14;
	s24 =	sadd.s32 $0x370, s12  }
0x3c0: {  	[hbm4b:s24+s3] =	stream.linear.scatter [tilespmem:s23], [sflag:$0x1], $0x80, $0x38;
	[tilespmem:$0x4480] =	vst v63  }
0x3c1: {  	s25 =	spop (v2sf);
	s14 =	sor.u32 $0x1C00, s14;
	s28 =	sadd.s32 $0x3F0, s12  }
0x3c2: {  	(v2sf) =	vpush v0, $0xF;
	[hbm4b:s28+s3] =	stream.linear.scatter [tilespmem:s14], [sflag:$0x1], $0x80, $0x38;
	[tilespmem:$0x4480] =	vst v63  }
0x3c3: {  	s19 =	sshll.u32 s25, $0xA;
	s29 =	sadd.s32 $0x400, s12;
	s23 =	sor.u32 s20, s15  }
0x3c4: {  	[hbm4b:s29+s3] =	stream.linear.scatter [tilespmem:s23], [sflag:$0x1], $0x80, $0x38;
	[tilespmem:$0x4480] =	vst v63  }
0x3c5: {  	s30 =	sadd.s32 $0x480, s12;
	s31 =	spop (v2sf);
	s15 =	sor.u32 $0x400, s23  }
0x3c6: {  	[hbm4b:s30+s3] =	stream.linear.scatter [tilespmem:s15], [sflag:$0x1], $0x80, $0x38;
	[tilespmem:$0x4480] =	vst v63  }
0x3c7: {  	s20 =	sshll.u32 s25, $0x7;
	s26 =	sor.u32 $0x800, s23;
	s29 =	sadd.s32 $0x500, s12  }
0x3c8: {  	[hbm4b:s29+s3] =	stream.linear.scatter [tilespmem:s26], [sflag:$0x1], $0x80, $0x38;
	[tilespmem:$0x4480] =	vst v63  }
0x3c9: {  	s25 =	sor.u32 $0x1000, s23;
	s28 =	sadd.s32 $0x580, s12;
	s30 =	sor.u32 $0xC00, s23  }
0x3ca: {  	[hbm4b:s28+s3] =	stream.linear.scatter [tilespmem:s30], [sflag:$0x1], $0x80, $0x38;
	[tilespmem:$0x4480] =	vst v63  }
0x3cb: {  	s14 =	sshll.u32 s31, $0xA;
	s15 =	sshll.u32 s31, $0x7;
	s31 =	sadd.s32 $0x600, s12  }
0x3cc: {  	[hbm4b:s31+s3] =	stream.linear.scatter [tilespmem:s25], [sflag:$0x1], $0x80, $0x38;
	[tilespmem:$0x4480] =	vst v63  }
0x3cd: {  	s21 =	sand.u32 $0x380, s21;
	s24 =	sor.u32 $0x1400, s23;
	s30 =	sadd.s32 $0x680, s12  }
0x3ce: {  	[hbm4b:s30+s3] =	stream.linear.scatter [tilespmem:s24], [sflag:$0x1], $0x80, $0x38;
	[tilespmem:$0x4480] =	vst v63  }
0x3cf: {  	s13 =	sand.u32 $0xFFFFE000, s13;
	s25 =	sor.u32 $0x1800, s23;
	s31 =	sadd.s32 $0x700, s12  }
0x3d0: {  	[hbm4b:s31+s3] =	stream.linear.scatter [tilespmem:s25], [sflag:$0x1], $0x80, $0x38;
	[tilespmem:$0x4480] =	vst v63  }
0x3d1: {  	s26 =	spop (v2sf);
	s23 =	sor.u32 $0x1C00, s23;
	s30 =	sadd.s32 $0x780, s12  }
0x3d2: {  	[hbm4b:s30+s3] =	stream.linear.scatter [tilespmem:s23], [sflag:$0x1], $0x80, $0x38;
	[tilespmem:$0x4480] =	vst v63  }
0x3d3: {  	s21 =	sor.u32 s21, s13;
	s29 =	sshll.u32 s26, $0xA;
	s31 =	sadd.s32 $0x410, s12  }
0x3d4: {  	[hbm4b:s31+s3] =	stream.linear.scatter [tilespmem:s21], [sflag:$0x1], $0x80, $0x38;
	[tilespmem:$0x4480] =	vst v63  }
0x3d5: {  	s13 =	sand.u32 $0xFFFFE000, s29;
	s28 =	sadd.s32 $0x490, s12;
	s24 =	sor.u32 $0x400, s21  }
0x3d6: {  	[hbm4b:s28+s3] =	stream.linear.scatter [tilespmem:s24], [sflag:$0x1], $0x80, $0x38;
	[tilespmem:$0x4480] =	vst v63  }
0x3d7: {  	s29 =	sshll.u32 s26, $0x7;
	s30 =	sor.u32 $0x800, s21;
	s31 =	sadd.s32 $0x510, s12  }
0x3d8: {  	[hbm4b:s31+s3] =	stream.linear.scatter [tilespmem:s30], [sflag:$0x1], $0x80, $0x38;
	[tilespmem:$0x4480] =	vst v63  }
0x3d9: {  	s25 =	sand.u32 $0x380, s29;
	s29 =	sadd.s32 $0x590, s12;
	s28 =	sor.u32 $0xC00, s21  }
0x3da: {  	[hbm4b:s29+s3] =	stream.linear.scatter [tilespmem:s28], [sflag:$0x1], $0x80, $0x38;
	[tilespmem:$0x4480] =	vst v63  }
0x3db: {  	s30 =	sor.u32 $0x1000, s21;
	s31 =	sadd.s32 $0x610, s12  }
0x3dc: {  	[hbm4b:s31+s3] =	stream.linear.scatter [tilespmem:s30], [sflag:$0x1], $0x80, $0x38;
	[tilespmem:$0x4480] =	vst v63  }
0x3dd: {  	s26 =	sor.u32 $0x1400, s21;
	s28 =	sadd.s32 $0x690, s12  }
0x3de: {  	[hbm4b:s28+s3] =	stream.linear.scatter [tilespmem:s26], [sflag:$0x1], $0x80, $0x38;
	[tilespmem:$0x4480] =	vst v63  }
0x3df: {  	s29 =	sor.u32 $0x1800, s21;
	s30 =	sadd.s32 $0x710, s12  }
0x3e0: {  	[hbm4b:s30+s3] =	stream.linear.scatter [tilespmem:s29], [sflag:$0x1], $0x80, $0x38;
	[tilespmem:$0x4480] =	vst v63  }
0x3e1: {  	s21 =	sor.u32 $0x1C00, s21;
	s31 =	sadd.s32 $0x790, s12  }
0x3e2: {  	[hbm4b:s31+s3] =	stream.linear.scatter [tilespmem:s21], [sflag:$0x1], $0x80, $0x38;
	[tilespmem:$0x4480] =	vst v63  }
0x3e3: {  	s24 =	sadd.s32 $0x420, s12  }
0x3e4: {  	[hbm4b:s24+s3] =	stream.linear.scatter [tilespmem:s18], [sflag:$0x1], $0x80, $0x38;
	[tilespmem:$0x4480] =	vst v63  }
0x3e5: {  	s13 =	sor.u32 s25, s13;
	s25 =	sor.u32 $0x400, s18;
	s26 =	sadd.s32 $0x4A0, s12  }
0x3e6: {  	[hbm4b:s26+s3] =	stream.linear.scatter [tilespmem:s25], [sflag:$0x1], $0x80, $0x38;
	[tilespmem:$0x4480] =	vst v63  }
0x3e7: {  	s28 =	sor.u32 $0x800, s18;
	s29 =	sadd.s32 $0x520, s12  }
0x3e8: {  	[hbm4b:s29+s3] =	stream.linear.scatter [tilespmem:s28], [sflag:$0x1], $0x80, $0x38;
	[tilespmem:$0x4480] =	vst v63  }
0x3e9: {  	s30 =	sor.u32 $0xC00, s18;
	s31 =	sadd.s32 $0x5A0, s12  }
0x3ea: {  	[hbm4b:s31+s3] =	stream.linear.scatter [tilespmem:s30], [sflag:$0x1], $0x80, $0x38;
	[tilespmem:$0x4480] =	vst v63  }
0x3eb: {  	s25 =	sor.u32 $0x1000, s18;
	s26 =	sadd.s32 $0x620, s12  }
0x3ec: {  	[hbm4b:s26+s3] =	stream.linear.scatter [tilespmem:s25], [sflag:$0x1], $0x80, $0x38;
	[tilespmem:$0x4480] =	vst v63  }
0x3ed: {  	s28 =	sor.u32 $0x1400, s18;
	s29 =	sadd.s32 $0x6A0, s12  }
0x3ee: {  	[hbm4b:s29+s3] =	stream.linear.scatter [tilespmem:s28], [sflag:$0x1], $0x80, $0x38;
	[tilespmem:$0x4480] =	vst v63  }
0x3ef: {  	s30 =	sor.u32 $0x1800, s18;
	s31 =	sadd.s32 $0x720, s12  }
0x3f0: {  	[hbm4b:s31+s3] =	stream.linear.scatter [tilespmem:s30], [sflag:$0x1], $0x80, $0x38;
	[tilespmem:$0x4480] =	vst v63  }
0x3f1: {  	s18 =	sor.u32 $0x1C00, s18;
	s25 =	sadd.s32 $0x7A0, s12  }
0x3f2: {  	[hbm4b:s25+s3] =	stream.linear.scatter [tilespmem:s18], [sflag:$0x1], $0x80, $0x38;
	[tilespmem:$0x4480] =	vst v63  }
0x3f3: {  	s26 =	sadd.s32 $0x430, s12  }
0x3f4: {  	[hbm4b:s26+s3] =	stream.linear.scatter [tilespmem:s17], [sflag:$0x1], $0x80, $0x38;
	[tilespmem:$0x4480] =	vst v63  }
0x3f5: {  	s28 =	sor.u32 $0x400, s17;
	s29 =	sadd.s32 $0x4B0, s12  }
0x3f6: {  	[hbm4b:s29+s3] =	stream.linear.scatter [tilespmem:s28], [sflag:$0x1], $0x80, $0x38;
	[tilespmem:$0x4480] =	vst v63  }
0x3f7: {  	s30 =	sor.u32 $0x800, s17;
	s31 =	sadd.s32 $0x530, s12  }
0x3f8: {  	[hbm4b:s31+s3] =	stream.linear.scatter [tilespmem:s30], [sflag:$0x1], $0x80, $0x38;
	[tilespmem:$0x4480] =	vst v63  }
0x3f9: {  	s21 =	sor.u32 $0xC00, s17;
	s24 =	sadd.s32 $0x5B0, s12  }
0x3fa: {  	[hbm4b:s24+s3] =	stream.linear.scatter [tilespmem:s21], [sflag:$0x1], $0x80, $0x38;
	[tilespmem:$0x4480] =	vst v63  }
0x3fb: {  	s25 =	sor.u32 $0x1000, s17;
	s26 =	sadd.s32 $0x630, s12  }
0x3fc: {  	[hbm4b:s26+s3] =	stream.linear.scatter [tilespmem:s25], [sflag:$0x1], $0x80, $0x38;
	[tilespmem:$0x4480] =	vst v63  }
0x3fd: {  	s28 =	sor.u32 $0x1400, s17;
	s29 =	sadd.s32 $0x6B0, s12  }
0x3fe: {  	[hbm4b:s29+s3] =	stream.linear.scatter [tilespmem:s28], [sflag:$0x1], $0x80, $0x38;
	[tilespmem:$0x4480] =	vst v63  }
0x3ff: {  	s30 =	sor.u32 $0x1800, s17;
	s31 =	sadd.s32 $0x730, s12  }
0x400: {  	[hbm4b:s31+s3] =	stream.linear.scatter [tilespmem:s30], [sflag:$0x1], $0x80, $0x38;
	[tilespmem:$0x4480] =	vst v63  }
0x401: {  	s17 =	sor.u32 $0x1C00, s17;
	s21 =	sadd.s32 $0x7B0, s12  }
0x402: {  	[hbm4b:s21+s3] =	stream.linear.scatter [tilespmem:s17], [sflag:$0x1], $0x80, $0x38;
	[tilespmem:$0x4480] =	vst v63  }
0x403: {  	s24 =	sadd.s32 $0x440, s12  }
0x404: {  	[hbm4b:s24+s3] =	stream.linear.scatter [tilespmem:s16], [sflag:$0x1], $0x80, $0x38;
	[tilespmem:$0x4480] =	vst v63  }
0x405: {  	s25 =	sor.u32 $0x400, s16;
	s26 =	sadd.s32 $0x4C0, s12  }
0x406: {  	[hbm4b:s26+s3] =	stream.linear.scatter [tilespmem:s25], [sflag:$0x1], $0x80, $0x38;
	[tilespmem:$0x4480] =	vst v63  }
0x407: {  	s28 =	sor.u32 $0x800, s16;
	s29 =	sadd.s32 $0x540, s12  }
0x408: {  	[hbm4b:s29+s3] =	stream.linear.scatter [tilespmem:s28], [sflag:$0x1], $0x80, $0x38;
	[tilespmem:$0x4480] =	vst v63  }
0x409: {  	s30 =	sor.u32 $0xC00, s16;
	s31 =	sadd.s32 $0x5C0, s12  }
0x40a: {  	[hbm4b:s31+s3] =	stream.linear.scatter [tilespmem:s30], [sflag:$0x1], $0x80, $0x38;
	[tilespmem:$0x4480] =	vst v63  }
0x40b: {  	s22 =	sor.u32 $0x1000, s16;
	s23 =	sadd.s32 $0x640, s12  }
0x40c: {  	[hbm4b:s23+s3] =	stream.linear.scatter [tilespmem:s22], [sflag:$0x1], $0x80, $0x38;
	[tilespmem:$0x4480] =	vst v63  }
0x40d: {  	s24 =	sor.u32 $0x1400, s16;
	s25 =	sadd.s32 $0x6C0, s12  }
0x40e: {  	[hbm4b:s25+s3] =	stream.linear.scatter [tilespmem:s24], [sflag:$0x1], $0x80, $0x38;
	[tilespmem:$0x4480] =	vst v63  }
0x40f: {  	s20 =	sand.u32 $0x380, s20;
	s26 =	sor.u32 $0x1800, s16;
	s28 =	sadd.s32 $0x740, s12  }
0x410: {  	[hbm4b:s28+s3] =	stream.linear.scatter [tilespmem:s26], [sflag:$0x1], $0x80, $0x38;
	[tilespmem:$0x4480] =	vst v63  }
0x411: {  	s16 =	sor.u32 $0x1C00, s16;
	s29 =	sadd.s32 $0x7C0, s12;
	s30 =	sand.u32 $0xFFFFE000, s19  }
0x412: {  	[hbm4b:s29+s3] =	stream.linear.scatter [tilespmem:s16], [sflag:$0x1], $0x80, $0x38;
	[tilespmem:$0x4480] =	vst v63  }
0x413: {  	s31 =	sadd.s32 $0x450, s12;
	s18 =	sor.u32 s20, s30  }
0x414: {  	[hbm4b:s31+s3] =	stream.linear.scatter [tilespmem:s18], [sflag:$0x1], $0x80, $0x38;
	[tilespmem:$0x4480] =	vst v63  }
0x415: {  	s20 =	sadd.s32 $0x4D0, s12;
	s17 =	sor.u32 $0x400, s18  }
0x416: {  	[hbm4b:s20+s3] =	stream.linear.scatter [tilespmem:s17], [sflag:$0x1], $0x80, $0x38;
	[tilespmem:$0x4480] =	vst v63  }
0x417: {  	s21 =	sor.u32 $0x800, s18;
	s22 =	sadd.s32 $0x550, s12  }
0x418: {  	[hbm4b:s22+s3] =	stream.linear.scatter [tilespmem:s21], [sflag:$0x1], $0x80, $0x38;
	[tilespmem:$0x4480] =	vst v63  }
0x419: {  	s23 =	sor.u32 $0xC00, s18;
	s24 =	sadd.s32 $0x5D0, s12  }
0x41a: {  	[hbm4b:s24+s3] =	stream.linear.scatter [tilespmem:s23], [sflag:$0x1], $0x80, $0x38;
	[tilespmem:$0x4480] =	vst v63  }
0x41b: {  	s25 =	sor.u32 $0x1000, s18;
	s26 =	sadd.s32 $0x650, s12  }
0x41c: {  	[hbm4b:s26+s3] =	stream.linear.scatter [tilespmem:s25], [sflag:$0x1], $0x80, $0x38;
	[tilespmem:$0x4480] =	vst v63  }
0x41d: {  	s28 =	sor.u32 $0x1400, s18;
	s29 =	sadd.s32 $0x6D0, s12  }
0x41e: {  	[hbm4b:s29+s3] =	stream.linear.scatter [tilespmem:s28], [sflag:$0x1], $0x80, $0x38;
	[tilespmem:$0x4480] =	vst v63  }
0x41f: {  	s14 =	sand.u32 $0xFFFFE000, s14;
	s30 =	sor.u32 $0x1800, s18;
	s31 =	sadd.s32 $0x750, s12  }
0x420: {  	[hbm4b:s31+s3] =	stream.linear.scatter [tilespmem:s30], [sflag:$0x1], $0x80, $0x38;
	[tilespmem:$0x4480] =	vst v63  }
0x421: {  	s15 =	sand.u32 $0x380, s15;
	s17 =	sor.u32 $0x1C00, s18;
	s18 =	sadd.s32 $0x7D0, s12  }
0x422: {  	[hbm4b:s18+s3] =	stream.linear.scatter [tilespmem:s17], [sflag:$0x1], $0x80, $0x38;
	[tilespmem:$0x4480] =	vst v63  }
0x423: {  	s14 =	sor.u32 s15, s14;
	s19 =	sadd.s32 $0x460, s12  }
0x424: {  	[hbm4b:s19+s3] =	stream.linear.scatter [tilespmem:s14], [sflag:$0x1], $0x80, $0x38;
	[tilespmem:$0x4480] =	vst v63  }
0x425: {  	s15 =	sor.u32 $0x400, s14;
	s20 =	sadd.s32 $0x4E0, s12  }
0x426: {  	[hbm4b:s20+s3] =	stream.linear.scatter [tilespmem:s15], [sflag:$0x1], $0x80, $0x38;
	[tilespmem:$0x4480] =	vst v63  }
0x427: {  	s21 =	sor.u32 $0x800, s14;
	s22 =	sadd.s32 $0x560, s12  }
0x428: {  	[hbm4b:s22+s3] =	stream.linear.scatter [tilespmem:s21], [sflag:$0x1], $0x80, $0x38;
	[tilespmem:$0x4480] =	vst v63  }
0x429: {  	s23 =	sor.u32 $0xC00, s14;
	s24 =	sadd.s32 $0x5E0, s12  }
0x42a: {  	[hbm4b:s24+s3] =	stream.linear.scatter [tilespmem:s23], [sflag:$0x1], $0x80, $0x38;
	[tilespmem:$0x4480] =	vst v63  }
0x42b: {  	s25 =	sor.u32 $0x1000, s14;
	s26 =	sadd.s32 $0x660, s12  }
0x42c: {  	[hbm4b:s26+s3] =	stream.linear.scatter [tilespmem:s25], [sflag:$0x1], $0x80, $0x38;
	[tilespmem:$0x4480] =	vst v63  }
0x42d: {  	s28 =	sor.u32 $0x1400, s14;
	s29 =	sadd.s32 $0x6E0, s12  }
0x42e: {  	[hbm4b:s29+s3] =	stream.linear.scatter [tilespmem:s28], [sflag:$0x1], $0x80, $0x38;
	[tilespmem:$0x4480] =	vst v63  }
0x42f: {  	s30 =	sor.u32 $0x1800, s14;
	s31 =	sadd.s32 $0x760, s12  }
0x430: {  	[hbm4b:s31+s3] =	stream.linear.scatter [tilespmem:s30], [sflag:$0x1], $0x80, $0x38;
	[tilespmem:$0x4480] =	vst v63  }
0x431: {  	s14 =	sor.u32 $0x1C00, s14;
	s19 =	sadd.s32 $0x7E0, s12  }
0x432: {  	[hbm4b:s19+s3] =	stream.linear.scatter [tilespmem:s14], [sflag:$0x1], $0x80, $0x38;
	[tilespmem:$0x4480] =	vst v63  }
0x433: {  	s20 =	sadd.s32 $0x470, s12  }
0x434: {  	[hbm4b:s20+s3] =	stream.linear.scatter [tilespmem:s13], [sflag:$0x1], $0x80, $0x38;
	[tilespmem:$0x4480] =	vst v63  }
0x435: {  	p1 =	sne.s32 s10, $0x1E800;
	s21 =	sor.u32 $0x400, s13;
	s22 =	sadd.s32 $0x4F0, s12  }
0x436: {  	[hbm4b:s22+s3] =	stream.linear.scatter [tilespmem:s21], [sflag:$0x1], $0x80, $0x38;
	[tilespmem:$0x4480] =	vst v63  }
0x437: {  	s10 =	sadd.s32 $0x800, s10;
	s23 =	sor.u32 $0x800, s13;
	s24 =	sadd.s32 $0x570, s12  }
0x438: {  	[hbm4b:s24+s3] =	stream.linear.scatter [tilespmem:s23], [sflag:$0x1], $0x80, $0x38;
	[tilespmem:$0x4480] =	vst v63  }
0x439: {  	s11 =	sadd.s32 $0x10, s11;
	s25 =	sor.u32 $0xC00, s13;
	s26 =	sadd.s32 $0x5F0, s12  }
0x43a: {  	[hbm4b:s26+s3] =	stream.linear.scatter [tilespmem:s25], [sflag:$0x1], $0x80, $0x38;
	[tilespmem:$0x4480] =	vst v63  }
.Ltmp6:
0x43b: {  	s15 =	sadd.s32 $0x770, s12;
	s28 =	sor.u32 $0x1000, s13;
	(pc) =	sbr.rel @p1 .LBB2_3-.Ltmp6, $4  }
0x43c: {  	s29 =	sadd.s32 $0x670, s12;
	s30 =	sor.u32 $0x1400, s13;
	s31 =	sadd.s32 $0x6F0, s12  }
0x43d: {  	[hbm4b:s29+s3] =	stream.linear.scatter [tilespmem:s28], [sflag:$0x1], $0x80, $0x38;
	[tilespmem:$0x4480] =	vst v63  }
0x43e: {  	s12 =	sadd.s32 $0x7F0, s12;
	s14 =	sor.u32 $0x1800, s13;
	s13 =	sor.u32 $0x1C00, s13  }
0x43f: {  	[hbm4b:s31+s3] =	stream.linear.scatter [tilespmem:s30], [sflag:$0x1], $0x80, $0x38;
	[tilespmem:$0x4480] =	vst v63  }
0x440: {  	[hbm4b:s15+s3] =	stream.linear.scatter [tilespmem:s14], [sflag:$0x1], $0x80, $0x38;
	[tilespmem:$0x4480] =	vst v63  }
0x441: {  	_ = 	snop  }
0x442: {  	[hbm4b:s12+s3] =	stream.linear.scatter [tilespmem:s13], [sflag:$0x1], $0x80, $0x38;
	[tilespmem:$0x4480] =	vst v63  }
0x443: {  	_ =	swait.ge [sflag:s8], $0x400  }
0x444: {  	s10 =	simm.s32 $0x3DF;
	[sflag:s8] =	ssyncset.done $0x0  }
.LBB2_5:
0x445: {  	p1 =	seq.s32 s10, $0x1;
	s10 =	sadd.s32 $0xFFFFFFFF, s10;
	[sflag:s8] =	ssyncadd.s32 $0xFFFFFC00  }
.Ltmp7:
0x446: {  	(pc) =	sbr.rel @!p1 .LBB2_5-.Ltmp7, $3  }
0x447: {  	_ =	sdelay $0x1  }
0x448: {  	_ =	swait.ge [sflag:s8], $0x400  }
0x449: {  	[sflag:s8] =	ssyncset.done $0x0  }
.Ltmp8:
0x44a: {  	(pc) =	sbr.rel .LBB2_12-.Ltmp8, $2  }
0x44b: {  	_ =	sdelay $0x2  }
0x44c: {  	[sflag:s8] =	ssyncadd.s32 $0xFFFFFC00  }
.LBB2_13:
0x44d: {  	_ =	sfence.sel $0x180000  }
0x44e: {  	[bflag:$0x0] =	sbarrier.arrive $0xFFFF  }
0x44f: {  	p0 =	sne.s32 s2, $0x0;
	_ =	strace $0x90000047  }
0x450: {  	s0 =	sadd.s32 @!p0 $0x100000, s0;
	[bflag:$0x2] =	sbarrier.arrive $0xFFFF  }
0x451: {  	[sflag:s0] =	ssyncadd.tile.s32 @!p0 $0x1;
	_ =	shalt  }
.Lfunc_end2:
_tile_overlayer_lowered:
.L_overlay_start_2:
0x452: {  	(tag) =	ssettag $0x2  }
0x453: {  	s0 =	rddreg [dreg:$0x0];
	s2 =	stileid.u32  }
0x454: {  	s1 =	rddreg [dreg:$0x1];
	p0 =	sne.s32 s2, $0x0  }
0x455: {  	s3 =	rddreg [dreg:$0x2];
	[bflag:$0x3] =	sbarrier.arrive $0xFFFF;
	s2 =	simm.s32 @!p0 $0x1C02  }
0x456: {  	[timem:s3], [sflag:s2] =	dma.local @!p0 [hbm:s0], s1  }
0x457: {  	s0 =	simm.s32 @!p0 $0x2  }
0x458: {  	_ =	swait.ge @!p0 [sflag:s0], s1  }
0x459: {  	s1 =	ssub.s32 @!p0 $0x0, s1;
	[sflag:s0] =	ssyncset.done @!p0 $0x0  }
0x45a: {  	[sflag:s0] =	ssyncadd.s32 @!p0 s1  }
0x45b: {  	[bflag:$0x3] =	sbarrier.arrive $0xFFFF  }
0x45c: {  	_ =	shalt  }

</sc_bundles>
